<compile_context>
chip_gen: v7x
topology: tpu7x:2x2x1
jax: 0.10.2.dev20260603
libtpu: 0.0.44.dev20260713+nightly
codegen_flags: <defaults>
</compile_context>

<pallas_src>
import functools

import jax
import jax.numpy as jnp
from jax import lax
from jax.experimental import pallas as pl
from jax.experimental.pallas import tpu as pltpu
from jax.experimental.pallas import tpu_sc as plsc

CLASSES = 100000
DIMS = 64
BATCH = 16384
EPS = 1e-09

NC, NS, L = 2, 16, 16
NW = NC * NS
BPW = BATCH // NW
HPW = BPW // 2


def _loss_body(pred_hbm, yt_hbm, pol_hbm, out_hbm,
               rows_v, pred_v, stage_v, rsem, psem):
    wid = lax.axis_index("s") * NC + lax.axis_index("c")
    base = wid * BPW
    lane = lax.iota(jnp.int32, L)

    pltpu.sync_copy(yt_hbm.at[pl.ds(wid * 8, 8)], pred_v.at[pl.ds(0, 8)])

    def rows_fire(g, c):
        civ = plsc.bitcast(pred_v[g >> 2, pl.ds((g & 3) * L, L)], jnp.int32)
        s0 = g * L
        for l in range(L):
            pltpu.make_async_copy(pol_hbm.at[civ[l]], rows_v.at[s0 + l],
                                  rsem).start()
        return c

    def pred_fire(i, c):
        pltpu.make_async_copy(pred_hbm.at[base + i],
                              pred_v.at[i & (HPW - 1)], psem).start()
        return c

    def rows_drain(i, c):
        pltpu.make_async_copy(pol_hbm.at[0], rows_v.at[i], rsem).wait()
        return c

    def pred_drain(i, c):
        pltpu.make_async_copy(pred_hbm.at[0], pred_v.at[0], psem).wait()
        return c

    lax.fori_loop(0, BPW // L, rows_fire, jnp.int32(0))
    lax.fori_loop(0, HPW, pred_fire, jnp.int32(0))
    lax.fori_loop(0, BPW, rows_drain, jnp.int32(0))
    lax.fori_loop(0, HPW, pred_drain, jnp.int32(0))

    half = jnp.float32(0.5)
    three_half = jnp.float32(1.5)
    one = jnp.float32(1.0)

    def make_group_body(pred_base):
        def group_body(g, acc):
            s = lane + g * L
            sp = s - pred_base
            dot = [None] * 4
            n1 = [None] * 4
            n2 = [None] * 4
            for t in range(DIMS):
                ct = (lane + t) & (DIMS - 1)
                pv = plsc.load_gather(pred_v, [sp, ct])
                tv = plsc.load_gather(rows_v, [s, ct])
                k = t & 3
                if dot[k] is None:
                    dot[k], n1[k], n2[k] = pv * tv, pv * pv, tv * tv
                else:
                    dot[k] = dot[k] + pv * tv
                    n1[k] = n1[k] + pv * pv
                    n2[k] = n2[k] + tv * tv
            dotv = (dot[0] + dot[1]) + (dot[2] + dot[3])
            n1v = (n1[0] + n1[1]) + (n1[2] + n1[3])
            n2v = (n2[0] + n2[1]) + (n2[2] + n2[3])
            prod = jnp.maximum(n1v * n2v, jnp.float32(1e-30))
            bits = plsc.bitcast(prod, jnp.int32)
            y = plsc.bitcast(jnp.int32(0x5F3759DF) - (bits >> 1),
                             jnp.float32)
            for _ in range(3):
                y = y * (three_half - half * prod * y * y)
            scale = jnp.where(prod >= jnp.float32(EPS * EPS), y,
                              jnp.float32(1.0 / EPS))
            cos = dotv * scale
            e = one - cos
            return acc + e * e
        return group_body

    acc = lax.fori_loop(0, HPW // L, make_group_body(0),
                        jnp.zeros((L,), jnp.float32))
    lax.fori_loop(HPW, BPW, pred_fire, jnp.int32(0))
    lax.fori_loop(0, HPW, pred_drain, jnp.int32(0))
    acc = lax.fori_loop(HPW // L, BPW // L, make_group_body(HPW), acc)

    stage_v[...] = acc * jnp.float32(1.0 / BATCH)
    pltpu.sync_copy(stage_v, out_hbm.at[wid])


_sc_loss = functools.partial(
    pl.kernel,
    mesh=plsc.VectorSubcoreMesh(core_axis_name="c", subcore_axis_name="s"),
    out_type=jax.ShapeDtypeStruct((NW, L), jnp.float32),
    compiler_params=pltpu.CompilerParams(needs_layout_passes=False),
    scratch_types=[
        pltpu.VMEM((BPW, DIMS), jnp.float32),
        pltpu.VMEM((HPW, DIMS), jnp.float32),
        pltpu.VMEM((L,), jnp.float32),
        pltpu.SemaphoreType.DMA,
        pltpu.SemaphoreType.DMA,
    ],
)(_loss_body)


def kernel(y_pred, y_true, polars):
    yt = lax.bitcast_convert_type(y_true.astype(jnp.int32),
                                  jnp.float32).reshape(BATCH // DIMS, DIMS)
    partials = _sc_loss(y_pred, yt, polars)
    return jnp.sum(partials)

# --- scband reference (transcript-rebuilt; emitter-appended) ---
"""Pipeline reference for scband-hyperspherical-loss-4999341932944 (READ-ONLY COPY).

The authoritative reference and input builder live on the scoring server;
editing this copy changes nothing except your own understanding.
"""

import jax, jax.numpy as jnp
import numpy as np

CLASSES = 100000
DIMS = 64
BATCH = 16384
EPS = 1e-09


def setup_inputs(seed: int = 0) -> dict:
    key = jax.random.key(seed)
    k1, k2, k3 = jax.random.split(key, 3)
    y_pred = jax.random.normal(k1, (BATCH, DIMS), dtype=jnp.float32)
    y_true = jax.random.randint(k2, (BATCH,), 0, CLASSES, dtype=jnp.int64)
    polars = jax.random.normal(k3, (CLASSES, DIMS), dtype=jnp.float32)
    polars = polars / jnp.maximum(jnp.linalg.norm(polars, axis=1, keepdims=True), 1e-12)
    return {"y_pred": y_pred, "y_true": y_true, "polars": polars}


def reference(y_pred, y_true, polars):
    # gather class prototypes (SparseCore-friendly embedding lookup)
    target = jnp.take(polars, y_true, axis=0)  # [B, D]
    # torch.nn.CosineSimilarity(eps=1e-9): dot / max(||a||*||b||, eps)
    dot = jnp.sum(y_pred * target, axis=-1)
    n1 = jnp.linalg.norm(y_pred, axis=-1)
    n2 = jnp.linalg.norm(target, axis=-1)
    cos = dot / jnp.maximum(n1 * n2, EPS)
    loss = jnp.square(1.0 - cos)
    return jnp.mean(loss)

if __name__ == "__main__":
    import jax
    _d = setup_inputs()
    print(jax.jit(kernel)(*tuple(_d.values())))

</pallas_src>

<mosaic_0001>
#map = affine_map<(d0, d1) -> (0, 0)>
module attributes {stable_mosaic.version = 14 : i64} {
  func.func @_loss_body(%arg0: i32, %arg1: i32, %arg2: memref<16384x64xf32, #tpu.memory_space<hbm>>, %arg3: memref<256x64xf32, #tpu.memory_space<hbm>>, %arg4: memref<100000x64xf32, #tpu.memory_space<hbm>>, %arg5: memref<32x16xf32, #tpu.memory_space<hbm>>, %arg6: memref<512x64xf32, #tpu.memory_space<vmem>>, %arg7: memref<256x64xf32, #tpu.memory_space<vmem>>, %arg8: memref<16xf32, #tpu.memory_space<vmem>>, %arg9: memref<!tpu.dma_semaphore, #tpu.memory_space<semaphore_mem>>, %arg10: memref<!tpu.dma_semaphore, #tpu.memory_space<semaphore_mem>>) attributes {dimension_semantics = [#tpu.dimension_semantics<core_parallel>, #tpu.dimension_semantics<subcore_parallel>], iteration_bounds = array<i64: 2, 16>, scalar_prefetch = 0 : i64, scratch_operands = 5 : i64, tpu.core_type = #tpu.core_type<sc_vector_subcore>, window_params = [{transform_indices = #map}, {transform_indices = #map}, {transform_indices = #map}, {transform_indices = #map}]} {
    %mul3A = arith.constant 2 : i32
    %mul3A_0 = arith.muli %arg1, %mul3A : i32
    %add3A = arith.addi %mul3A_0, %arg0 : i32
    %mul3A_1 = arith.constant 512 : i32
    %mul3A_2 = arith.muli %add3A, %mul3A_1 : i32
    %iota3A = tpu.iota {dimensions = array<i32: 0>} : vector<16xi32>
    %mul3A_3 = arith.constant 8 : i32
    %mul3A_4 = arith.muli %add3A, %mul3A_3 : i32
    "tpu.region"() ({
      %run_scoped3A = tpu.sem_alloc : memref<!tpu.dma_semaphore, #tpu.memory_space<semaphore_mem>>
      %dma_start3A = arith.constant 0 : i32
      %dma_start3A_63 = arith.constant 0 : i32
      %dma_start3A_64 = tpu.memref_slice %arg7[%dma_start3A, %dma_start3A_63] : memref<256x64xf32, #tpu.memory_space<vmem>> -> memref<8x64xf32, #tpu.memory_space<vmem>>
      %dma_start3A_65 = arith.constant 0 : i32
      %dma_start3A_66 = tpu.memref_slice %arg3[%mul3A_4, %dma_start3A_65] : memref<256x64xf32, #tpu.memory_space<hbm>> -> memref<8x64xf32, #tpu.memory_space<hbm>>
      %dma_start3A_67 = arith.constant 0 : i32
      %dma_start3A_68 = arith.constant 0 : i32
      %dma_start3A_69 = tpu.memref_slice %arg7[%dma_start3A_67, %dma_start3A_68] : memref<256x64xf32, #tpu.memory_space<vmem>> -> memref<8x64xf32, #tpu.memory_space<vmem>>
      %dma_start3A_70 = arith.constant 0 : i32
      %dma_start3A_71 = tpu.memref_slice %arg3[%mul3A_4, %dma_start3A_70] : memref<256x64xf32, #tpu.memory_space<hbm>> -> memref<8x64xf32, #tpu.memory_space<hbm>>
      tpu.enqueue_dma source(%dma_start3A_71 : memref<8x64xf32, #tpu.memory_space<hbm>>) target(%dma_start3A_69 : memref<8x64xf32, #tpu.memory_space<vmem>>) target_semaphore(%run_scoped3A : memref<!tpu.dma_semaphore, #tpu.memory_space<semaphore_mem>>)
      %dma_wait3A = arith.constant 0 : i32
      %dma_wait3A_72 = arith.constant 0 : i32
      %dma_wait3A_73 = tpu.memref_slice %arg7[%dma_wait3A, %dma_wait3A_72] : memref<256x64xf32, #tpu.memory_space<vmem>> -> memref<8x64xf32, #tpu.memory_space<vmem>>
      %dma_wait3A_74 = arith.constant 0 : i32
      %dma_wait3A_75 = tpu.memref_slice %arg3[%mul3A_4, %dma_wait3A_74] : memref<256x64xf32, #tpu.memory_space<hbm>> -> memref<8x64xf32, #tpu.memory_space<hbm>>
      %dma_wait3A_76 = arith.constant 0 : i32
      %dma_wait3A_77 = arith.constant 0 : i32
      %dma_wait3A_78 = tpu.memref_slice %arg7[%dma_wait3A_76, %dma_wait3A_77] : memref<256x64xf32, #tpu.memory_space<vmem>> -> memref<8x64xf32, #tpu.memory_space<vmem>>
      %dma_wait3A_79 = arith.constant 0 : i32
      %dma_wait3A_80 = tpu.memref_slice %arg3[%mul3A_4, %dma_wait3A_79] : memref<256x64xf32, #tpu.memory_space<hbm>> -> memref<8x64xf32, #tpu.memory_space<hbm>>
      tpu.wait_dma2 semaphore(%run_scoped3A : memref<!tpu.dma_semaphore, #tpu.memory_space<semaphore_mem>>) src(%dma_wait3A_80 : memref<8x64xf32, #tpu.memory_space<hbm>>) dst(%dma_wait3A_78 : memref<8x64xf32, #tpu.memory_space<vmem>>)
      tpu.yield
    }) : () -> ()
    %scan3A = arith.constant 0 : i32
    %scan3A_5 = arith.constant 0 : i32
    %scan3A_6 = arith.constant 32 : i32
    %scan3A_7 = arith.addi %scan3A_5, %scan3A_6 : i32
    %scan3A_8 = arith.constant 1 : i32
    scf.for %scan3A_63 = %scan3A_5 to %scan3A_7 step %scan3A_8  : i32 {
      %shift_right_arithmetic3A = arith.constant 2 : i32
      %shift_right_arithmetic3A_64 = arith.shrsi %scan3A_63, %shift_right_arithmetic3A : i32
      %and3A = arith.constant 3 : i32
      %and3A_65 = arith.andi %scan3A_63, %and3A : i32
      %mul3A_66 = arith.constant 16 : i32
      %mul3A_67 = arith.muli %and3A_65, %mul3A_66 : i32
      %get3A = arith.index_cast %shift_right_arithmetic3A_64 : i32 to index
      %get3A_68 = arith.index_cast %mul3A_67 : i32 to index
      %get3A_69 = tpu.vector_load %arg7[%get3A, %get3A_68] {strides = array<i32>} : memref<256x64xf32, #tpu.memory_space<vmem>>, vector<16xf32>,
      %bitcast3A = vector.bitcast %get3A_69 : vector<16xf32> to vector<16xi32>
      %mul3A_70 = arith.constant 16 : i32
      %mul3A_71 = arith.muli %scan3A_63, %mul3A_70 : i32
      %slice3A = vector.extract_strided_slice %bitcast3A {offsets = [0], sizes = [1], strides = [1]} : vector<16xi32> to vector<1xi32>
      %squeeze3A = vector.extract %slice3A[0] : i32 from vector<1xi32>
      %add3A_72 = arith.constant 0 : i32
      %add3A_73 = arith.addi %mul3A_71, %add3A_72 : i32
      %dma_start3A = arith.constant 0 : i32
      %dma_start3A_74 = tpu.memref_slice %arg6[%add3A_73, %dma_start3A] : memref<512x64xf32, #tpu.memory_space<vmem>> -> memref<1x64xf32, #tpu.memory_space<vmem>>
      %dma_start3A_75 = tpu.memref_squeeze %dma_start3A_74 : memref<1x64xf32, #tpu.memory_space<vmem>> -> memref<64xf32, #tpu.memory_space<vmem>>
      %dma_start3A_76 = arith.constant 0 : i32
      %dma_start3A_77 = tpu.memref_slice %arg4[%squeeze3A, %dma_start3A_76] : memref<100000x64xf32, #tpu.memory_space<hbm>> -> memref<1x64xf32, #tpu.memory_space<hbm>>
      %dma_start3A_78 = tpu.memref_squeeze %dma_start3A_77 : memref<1x64xf32, #tpu.memory_space<hbm>> -> memref<64xf32, #tpu.memory_space<hbm>>
      %dma_start3A_79 = arith.constant 0 : i32
      %dma_start3A_80 = tpu.memref_slice %arg6[%add3A_73, %dma_start3A_79] : memref<512x64xf32, #tpu.memory_space<vmem>> -> memref<1x64xf32, #tpu.memory_space<vmem>>
      %dma_start3A_81 = tpu.memref_squeeze %dma_start3A_80 : memref<1x64xf32, #tpu.memory_space<vmem>> -> memref<64xf32, #tpu.memory_space<vmem>>
      %dma_start3A_82 = arith.constant 0 : i32
      %dma_start3A_83 = tpu.memref_slice %arg4[%squeeze3A, %dma_start3A_82] : memref<100000x64xf32, #tpu.memory_space<hbm>> -> memref<1x64xf32, #tpu.memory_space<hbm>>
      %dma_start3A_84 = tpu.memref_squeeze %dma_start3A_83 : memref<1x64xf32, #tpu.memory_space<hbm>> -> memref<64xf32, #tpu.memory_space<hbm>>
      tpu.enqueue_dma source(%dma_start3A_84 : memref<64xf32, #tpu.memory_space<hbm>>) target(%dma_start3A_81 : memref<64xf32, #tpu.memory_space<vmem>>) target_semaphore(%arg9 : memref<!tpu.dma_semaphore, #tpu.memory_space<semaphore_mem>>)
      %slice3A_85 = vector.extract_strided_slice %bitcast3A {offsets = [1], sizes = [1], strides = [1]} : vector<16xi32> to vector<1xi32>
      %squeeze3A_86 = vector.extract %slice3A_85[0] : i32 from vector<1xi32>
      %add3A_87 = arith.constant 1 : i32
      %add3A_88 = arith.addi %mul3A_71, %add3A_87 : i32
      %dma_start3A_89 = arith.constant 0 : i32
      %dma_start3A_90 = tpu.memref_slice %arg6[%add3A_88, %dma_start3A_89] : memref<512x64xf32, #tpu.memory_space<vmem>> -> memref<1x64xf32, #tpu.memory_space<vmem>>
      %dma_start3A_91 = tpu.memref_squeeze %dma_start3A_90 : memref<1x64xf32, #tpu.memory_space<vmem>> -> memref<64xf32, #tpu.memory_space<vmem>>
      %dma_start3A_92 = arith.constant 0 : i32
      %dma_start3A_93 = tpu.memref_slice %arg4[%squeeze3A_86, %dma_start3A_92] : memref<100000x64xf32, #tpu.memory_space<hbm>> -> memref<1x64xf32, #tpu.memory_space<hbm>>
      %dma_start3A_94 = tpu.memref_squeeze %dma_start3A_93 : memref<1x64xf32, #tpu.memory_space<hbm>> -> memref<64xf32, #tpu.memory_space<hbm>>
      %dma_start3A_95 = arith.constant 0 : i32
      %dma_start3A_96 = tpu.memref_slice %arg6[%add3A_88, %dma_start3A_95] : memref<512x64xf32, #tpu.memory_space<vmem>> -> memref<1x64xf32, #tpu.memory_space<vmem>>
      %dma_start3A_97 = tpu.memref_squeeze %dma_start3A_96 : memref<1x64xf32, #tpu.memory_space<vmem>> -> memref<64xf32, #tpu.memory_space<vmem>>
      %dma_start3A_98 = arith.constant 0 : i32
      %dma_start3A_99 = tpu.memref_slice %arg4[%squeeze3A_86, %dma_start3A_98] : memref<100000x64xf32, #tpu.memory_space<hbm>> -> memref<1x64xf32, #tpu.memory_space<hbm>>
      %dma_start3A_100 = tpu.memref_squeeze %dma_start3A_99 : memref<1x64xf32, #tpu.memory_space<hbm>> -> memref<64xf32, #tpu.memory_space<hbm>>
      tpu.enqueue_dma source(%dma_start3A_100 : memref<64xf32, #tpu.memory_space<hbm>>) target(%dma_start3A_97 : memref<64xf32, #tpu.memory_space<vmem>>) target_semaphore(%arg9 : memref<!tpu.dma_semaphore, #tpu.memory_space<semaphore_mem>>)
      %slice3A_101 = vector.extract_strided_slice %bitcast3A {offsets = [2], sizes = [1], strides = [1]} : vector<16xi32> to vector<1xi32>
      %squeeze3A_102 = vector.extract %slice3A_101[0] : i32 from vector<1xi32>
      %add3A_103 = arith.constant 2 : i32
      %add3A_104 = arith.addi %mul3A_71, %add3A_103 : i32
      %dma_start3A_105 = arith.constant 0 : i32
      %dma_start3A_106 = tpu.memref_slice %arg6[%add3A_104, %dma_start3A_105] : memref<512x64xf32, #tpu.memory_space<vmem>> -> memref<1x64xf32, #tpu.memory_space<vmem>>
      %dma_start3A_107 = tpu.memref_squeeze %dma_start3A_106 : memref<1x64xf32, #tpu.memory_space<vmem>> -> memref<64xf32, #tpu.memory_space<vmem>>
      %dma_start3A_108 = arith.constant 0 : i32
      %dma_start3A_109 = tpu.memref_slice %arg4[%squeeze3A_102, %dma_start3A_108] : memref<100000x64xf32, #tpu.memory_space<hbm>> -> memref<1x64xf32, #tpu.memory_space<hbm>>
      %dma_start3A_110 = tpu.memref_squeeze %dma_start3A_109 : memref<1x64xf32, #tpu.memory_space<hbm>> -> memref<64xf32, #tpu.memory_space<hbm>>
      %dma_start3A_111 = arith.constant 0 : i32
      %dma_start3A_112 = tpu.memref_slice %arg6[%add3A_104, %dma_start3A_111] : memref<512x64xf32, #tpu.memory_space<vmem>> -> memref<1x64xf32, #tpu.memory_space<vmem>>
      %dma_start3A_113 = tpu.memref_squeeze %dma_start3A_112 : memref<1x64xf32, #tpu.memory_space<vmem>> -> memref<64xf32, #tpu.memory_space<vmem>>
      %dma_start3A_114 = arith.constant 0 : i32
      %dma_start3A_115 = tpu.memref_slice %arg4[%squeeze3A_102, %dma_start3A_114] : memref<100000x64xf32, #tpu.memory_space<hbm>> -> memref<1x64xf32, #tpu.memory_space<hbm>>
      %dma_start3A_116 = tpu.memref_squeeze %dma_start3A_115 : memref<1x64xf32, #tpu.memory_space<hbm>> -> memref<64xf32, #tpu.memory_space<hbm>>
      tpu.enqueue_dma source(%dma_start3A_116 : memref<64xf32, #tpu.memory_space<hbm>>) target(%dma_start3A_113 : memref<64xf32, #tpu.memory_space<vmem>>) target_semaphore(%arg9 : memref<!tpu.dma_semaphore, #tpu.memory_space<semaphore_mem>>)
      %slice3A_117 = vector.extract_strided_slice %bitcast3A {offsets = [3], sizes = [1], strides = [1]} : vector<16xi32> to vector<1xi32>
      %squeeze3A_118 = vector.extract %slice3A_117[0] : i32 from vector<1xi32>
      %add3A_119 = arith.constant 3 : i32
      %add3A_120 = arith.addi %mul3A_71, %add3A_119 : i32
      %dma_start3A_121 = arith.constant 0 : i32
      %dma_start3A_122 = tpu.memref_slice %arg6[%add3A_120, %dma_start3A_121] : memref<512x64xf32, #tpu.memory_space<vmem>> -> memref<1x64xf32, #tpu.memory_space<vmem>>
      %dma_start3A_123 = tpu.memref_squeeze %dma_start3A_122 : memref<1x64xf32, #tpu.memory_space<vmem>> -> memref<64xf32, #tpu.memory_space<vmem>>
      %dma_start3A_124 = arith.constant 0 : i32
      %dma_start3A_125 = tpu.memref_slice %arg4[%squeeze3A_118, %dma_start3A_124] : memref<100000x64xf32, #tpu.memory_space<hbm>> -> memref<1x64xf32, #tpu.memory_space<hbm>>
      %dma_start3A_126 = tpu.memref_squeeze %dma_start3A_125 : memref<1x64xf32, #tpu.memory_space<hbm>> -> memref<64xf32, #tpu.memory_space<hbm>>
      %dma_start3A_127 = arith.constant 0 : i32
      %dma_start3A_128 = tpu.memref_slice %arg6[%add3A_120, %dma_start3A_127] : memref<512x64xf32, #tpu.memory_space<vmem>> -> memref<1x64xf32, #tpu.memory_space<vmem>>
      %dma_start3A_129 = tpu.memref_squeeze %dma_start3A_128 : memref<1x64xf32, #tpu.memory_space<vmem>> -> memref<64xf32, #tpu.memory_space<vmem>>
      %dma_start3A_130 = arith.constant 0 : i32
      %dma_start3A_131 = tpu.memref_slice %arg4[%squeeze3A_118, %dma_start3A_130] : memref<100000x64xf32, #tpu.memory_space<hbm>> -> memref<1x64xf32, #tpu.memory_space<hbm>>
      %dma_start3A_132 = tpu.memref_squeeze %dma_start3A_131 : memref<1x64xf32, #tpu.memory_space<hbm>> -> memref<64xf32, #tpu.memory_space<hbm>>
      tpu.enqueue_dma source(%dma_start3A_132 : memref<64xf32, #tpu.memory_space<hbm>>) target(%dma_start3A_129 : memref<64xf32, #tpu.memory_space<vmem>>) target_semaphore(%arg9 : memref<!tpu.dma_semaphore, #tpu.memory_space<semaphore_mem>>)
      %slice3A_133 = vector.extract_strided_slice %bitcast3A {offsets = [4], sizes = [1], strides = [1]} : vector<16xi32> to vector<1xi32>
      %squeeze3A_134 = vector.extract %slice3A_133[0] : i32 from vector<1xi32>
      %add3A_135 = arith.constant 4 : i32
      %add3A_136 = arith.addi %mul3A_71, %add3A_135 : i32
      %dma_start3A_137 = arith.constant 0 : i32
      %dma_start3A_138 = tpu.memref_slice %arg6[%add3A_136, %dma_start3A_137] : memref<512x64xf32, #tpu.memory_space<vmem>> -> memref<1x64xf32, #tpu.memory_space<vmem>>
      %dma_start3A_139 = tpu.memref_squeeze %dma_start3A_138 : memref<1x64xf32, #tpu.memory_space<vmem>> -> memref<64xf32, #tpu.memory_space<vmem>>
      %dma_start3A_140 = arith.constant 0 : i32
      %dma_start3A_141 = tpu.memref_slice %arg4[%squeeze3A_134, %dma_start3A_140] : memref<100000x64xf32, #tpu.memory_space<hbm>> -> memref<1x64xf32, #tpu.memory_space<hbm>>
      %dma_start3A_142 = tpu.memref_squeeze %dma_start3A_141 : memref<1x64xf32, #tpu.memory_space<hbm>> -> memref<64xf32, #tpu.memory_space<hbm>>
      %dma_start3A_143 = arith.constant 0 : i32
      %dma_start3A_144 = tpu.memref_slice %arg6[%add3A_136, %dma_start3A_143] : memref<512x64xf32, #tpu.memory_space<vmem>> -> memref<1x64xf32, #tpu.memory_space<vmem>>
      %dma_start3A_145 = tpu.memref_squeeze %dma_start3A_144 : memref<1x64xf32, #tpu.memory_space<vmem>> -> memref<64xf32, #tpu.memory_space<vmem>>
      %dma_start3A_146 = arith.constant 0 : i32
      %dma_start3A_147 = tpu.memref_slice %arg4[%squeeze3A_134, %dma_start3A_146] : memref<100000x64xf32, #tpu.memory_space<hbm>> -> memref<1x64xf32, #tpu.memory_space<hbm>>
      %dma_start3A_148 = tpu.memref_squeeze %dma_start3A_147 : memref<1x64xf32, #tpu.memory_space<hbm>> -> memref<64xf32, #tpu.memory_space<hbm>>
      tpu.enqueue_dma source(%dma_start3A_148 : memref<64xf32, #tpu.memory_space<hbm>>) target(%dma_start3A_145 : memref<64xf32, #tpu.memory_space<vmem>>) target_semaphore(%arg9 : memref<!tpu.dma_semaphore, #tpu.memory_space<semaphore_mem>>)
      %slice3A_149 = vector.extract_strided_slice %bitcast3A {offsets = [5], sizes = [1], strides = [1]} : vector<16xi32> to vector<1xi32>
      %squeeze3A_150 = vector.extract %slice3A_149[0] : i32 from vector<1xi32>
      %add3A_151 = arith.constant 5 : i32
      %add3A_152 = arith.addi %mul3A_71, %add3A_151 : i32
      %dma_start3A_153 = arith.constant 0 : i32
      %dma_start3A_154 = tpu.memref_slice %arg6[%add3A_152, %dma_start3A_153] : memref<512x64xf32, #tpu.memory_space<vmem>> -> memref<1x64xf32, #tpu.memory_space<vmem>>
      %dma_start3A_155 = tpu.memref_squeeze %dma_start3A_154 : memref<1x64xf32, #tpu.memory_space<vmem>> -> memref<64xf32, #tpu.memory_space<vmem>>
      %dma_start3A_156 = arith.constant 0 : i32
      %dma_start3A_157 = tpu.memref_slice %arg4[%squeeze3A_150, %dma_start3A_156] : memref<100000x64xf32, #tpu.memory_space<hbm>> -> memref<1x64xf32, #tpu.memory_space<hbm>>
      %dma_start3A_158 = tpu.memref_squeeze %dma_start3A_157 : memref<1x64xf32, #tpu.memory_space<hbm>> -> memref<64xf32, #tpu.memory_space<hbm>>
      %dma_start3A_159 = arith.constant 0 : i32
      %dma_start3A_160 = tpu.memref_slice %arg6[%add3A_152, %dma_start3A_159] : memref<512x64xf32, #tpu.memory_space<vmem>> -> memref<1x64xf32, #tpu.memory_space<vmem>>
      %dma_start3A_161 = tpu.memref_squeeze %dma_start3A_160 : memref<1x64xf32, #tpu.memory_space<vmem>> -> memref<64xf32, #tpu.memory_space<vmem>>
      %dma_start3A_162 = arith.constant 0 : i32
      %dma_start3A_163 = tpu.memref_slice %arg4[%squeeze3A_150, %dma_start3A_162] : memref<100000x64xf32, #tpu.memory_space<hbm>> -> memref<1x64xf32, #tpu.memory_space<hbm>>
      %dma_start3A_164 = tpu.memref_squeeze %dma_start3A_163 : memref<1x64xf32, #tpu.memory_space<hbm>> -> memref<64xf32, #tpu.memory_space<hbm>>
      tpu.enqueue_dma source(%dma_start3A_164 : memref<64xf32, #tpu.memory_space<hbm>>) target(%dma_start3A_161 : memref<64xf32, #tpu.memory_space<vmem>>) target_semaphore(%arg9 : memref<!tpu.dma_semaphore, #tpu.memory_space<semaphore_mem>>)
      %slice3A_165 = vector.extract_strided_slice %bitcast3A {offsets = [6], sizes = [1], strides = [1]} : vector<16xi32> to vector<1xi32>
      %squeeze3A_166 = vector.extract %slice3A_165[0] : i32 from vector<1xi32>
      %add3A_167 = arith.constant 6 : i32
      %add3A_168 = arith.addi %mul3A_71, %add3A_167 : i32
      %dma_start3A_169 = arith.constant 0 : i32
      %dma_start3A_170 = tpu.memref_slice %arg6[%add3A_168, %dma_start3A_169] : memref<512x64xf32, #tpu.memory_space<vmem>> -> memref<1x64xf32, #tpu.memory_space<vmem>>
      %dma_start3A_171 = tpu.memref_squeeze %dma_start3A_170 : memref<1x64xf32, #tpu.memory_space<vmem>> -> memref<64xf32, #tpu.memory_space<vmem>>
      %dma_start3A_172 = arith.constant 0 : i32
      %dma_start3A_173 = tpu.memref_slice %arg4[%squeeze3A_166, %dma_start3A_172] : memref<100000x64xf32, #tpu.memory_space<hbm>> -> memref<1x64xf32, #tpu.memory_space<hbm>>
      %dma_start3A_174 = tpu.memref_squeeze %dma_start3A_173 : memref<1x64xf32, #tpu.memory_space<hbm>> -> memref<64xf32, #tpu.memory_space<hbm>>
      %dma_start3A_175 = arith.constant 0 : i32
      %dma_start3A_176 = tpu.memref_slice %arg6[%add3A_168, %dma_start3A_175] : memref<512x64xf32, #tpu.memory_space<vmem>> -> memref<1x64xf32, #tpu.memory_space<vmem>>
      %dma_start3A_177 = tpu.memref_squeeze %dma_start3A_176 : memref<1x64xf32, #tpu.memory_space<vmem>> -> memref<64xf32, #tpu.memory_space<vmem>>
      %dma_start3A_178 = arith.constant 0 : i32
      %dma_start3A_179 = tpu.memref_slice %arg4[%squeeze3A_166, %dma_start3A_178] : memref<100000x64xf32, #tpu.memory_space<hbm>> -> memref<1x64xf32, #tpu.memory_space<hbm>>
      %dma_start3A_180 = tpu.memref_squeeze %dma_start3A_179 : memref<1x64xf32, #tpu.memory_space<hbm>> -> memref<64xf32, #tpu.memory_space<hbm>>
      tpu.enqueue_dma source(%dma_start3A_180 : memref<64xf32, #tpu.memory_space<hbm>>) target(%dma_start3A_177 : memref<64xf32, #tpu.memory_space<vmem>>) target_semaphore(%arg9 : memref<!tpu.dma_semaphore, #tpu.memory_space<semaphore_mem>>)
      %slice3A_181 = vector.extract_strided_slice %bitcast3A {offsets = [7], sizes = [1], strides = [1]} : vector<16xi32> to vector<1xi32>
      %squeeze3A_182 = vector.extract %slice3A_181[0] : i32 from vector<1xi32>
      %add3A_183 = arith.constant 7 : i32
      %add3A_184 = arith.addi %mul3A_71, %add3A_183 : i32
      %dma_start3A_185 = arith.constant 0 : i32
      %dma_start3A_186 = tpu.memref_slice %arg6[%add3A_184, %dma_start3A_185] : memref<512x64xf32, #tpu.memory_space<vmem>> -> memref<1x64xf32, #tpu.memory_space<vmem>>
      %dma_start3A_187 = tpu.memref_squeeze %dma_start3A_186 : memref<1x64xf32, #tpu.memory_space<vmem>> -> memref<64xf32, #tpu.memory_space<vmem>>
      %dma_start3A_188 = arith.constant 0 : i32
      %dma_start3A_189 = tpu.memref_slice %arg4[%squeeze3A_182, %dma_start3A_188] : memref<100000x64xf32, #tpu.memory_space<hbm>> -> memref<1x64xf32, #tpu.memory_space<hbm>>
      %dma_start3A_190 = tpu.memref_squeeze %dma_start3A_189 : memref<1x64xf32, #tpu.memory_space<hbm>> -> memref<64xf32, #tpu.memory_space<hbm>>
      %dma_start3A_191 = arith.constant 0 : i32
      %dma_start3A_192 = tpu.memref_slice %arg6[%add3A_184, %dma_start3A_191] : memref<512x64xf32, #tpu.memory_space<vmem>> -> memref<1x64xf32, #tpu.memory_space<vmem>>
      %dma_start3A_193 = tpu.memref_squeeze %dma_start3A_192 : memref<1x64xf32, #tpu.memory_space<vmem>> -> memref<64xf32, #tpu.memory_space<vmem>>
      %dma_start3A_194 = arith.constant 0 : i32
      %dma_start3A_195 = tpu.memref_slice %arg4[%squeeze3A_182, %dma_start3A_194] : memref<100000x64xf32, #tpu.memory_space<hbm>> -> memref<1x64xf32, #tpu.memory_space<hbm>>
      %dma_start3A_196 = tpu.memref_squeeze %dma_start3A_195 : memref<1x64xf32, #tpu.memory_space<hbm>> -> memref<64xf32, #tpu.memory_space<hbm>>
      tpu.enqueue_dma source(%dma_start3A_196 : memref<64xf32, #tpu.memory_space<hbm>>) target(%dma_start3A_193 : memref<64xf32, #tpu.memory_space<vmem>>) target_semaphore(%arg9 : memref<!tpu.dma_semaphore, #tpu.memory_space<semaphore_mem>>)
      %slice3A_197 = vector.extract_strided_slice %bitcast3A {offsets = [8], sizes = [1], strides = [1]} : vector<16xi32> to vector<1xi32>
      %squeeze3A_198 = vector.extract %slice3A_197[0] : i32 from vector<1xi32>
      %add3A_199 = arith.constant 8 : i32
      %add3A_200 = arith.addi %mul3A_71, %add3A_199 : i32
      %dma_start3A_201 = arith.constant 0 : i32
      %dma_start3A_202 = tpu.memref_slice %arg6[%add3A_200, %dma_start3A_201] : memref<512x64xf32, #tpu.memory_space<vmem>> -> memref<1x64xf32, #tpu.memory_space<vmem>>
      %dma_start3A_203 = tpu.memref_squeeze %dma_start3A_202 : memref<1x64xf32, #tpu.memory_space<vmem>> -> memref<64xf32, #tpu.memory_space<vmem>>
      %dma_start3A_204 = arith.constant 0 : i32
      %dma_start3A_205 = tpu.memref_slice %arg4[%squeeze3A_198, %dma_start3A_204] : memref<100000x64xf32, #tpu.memory_space<hbm>> -> memref<1x64xf32, #tpu.memory_space<hbm>>
      %dma_start3A_206 = tpu.memref_squeeze %dma_start3A_205 : memref<1x64xf32, #tpu.memory_space<hbm>> -> memref<64xf32, #tpu.memory_space<hbm>>
      %dma_start3A_207 = arith.constant 0 : i32
      %dma_start3A_208 = tpu.memref_slice %arg6[%add3A_200, %dma_start3A_207] : memref<512x64xf32, #tpu.memory_space<vmem>> -> memref<1x64xf32, #tpu.memory_space<vmem>>
      %dma_start3A_209 = tpu.memref_squeeze %dma_start3A_208 : memref<1x64xf32, #tpu.memory_space<vmem>> -> memref<64xf32, #tpu.memory_space<vmem>>
      %dma_start3A_210 = arith.constant 0 : i32
      %dma_start3A_211 = tpu.memref_slice %arg4[%squeeze3A_198, %dma_start3A_210] : memref<100000x64xf32, #tpu.memory_space<hbm>> -> memref<1x64xf32, #tpu.memory_space<hbm>>
      %dma_start3A_212 = tpu.memref_squeeze %dma_start3A_211 : memref<1x64xf32, #tpu.memory_space<hbm>> -> memref<64xf32, #tpu.memory_space<hbm>>
      tpu.enqueue_dma source(%dma_start3A_212 : memref<64xf32, #tpu.memory_space<hbm>>) target(%dma_start3A_209 : memref<64xf32, #tpu.memory_space<vmem>>) target_semaphore(%arg9 : memref<!tpu.dma_semaphore, #tpu.memory_space<semaphore_mem>>)
      %slice3A_213 = vector.extract_strided_slice %bitcast3A {offsets = [9], sizes = [1], strides = [1]} : vector<16xi32> to vector<1xi32>
      %squeeze3A_214 = vector.extract %slice3A_213[0] : i32 from vector<1xi32>
      %add3A_215 = arith.constant 9 : i32
      %add3A_216 = arith.addi %mul3A_71, %add3A_215 : i32
      %dma_start3A_217 = arith.constant 0 : i32
      %dma_start3A_218 = tpu.memref_slice %arg6[%add3A_216, %dma_start3A_217] : memref<512x64xf32, #tpu.memory_space<vmem>> -> memref<1x64xf32, #tpu.memory_space<vmem>>
      %dma_start3A_219 = tpu.memref_squeeze %dma_start3A_218 : memref<1x64xf32, #tpu.memory_space<vmem>> -> memref<64xf32, #tpu.memory_space<vmem>>
      %dma_start3A_220 = arith.constant 0 : i32
      %dma_start3A_221 = tpu.memref_slice %arg4[%squeeze3A_214, %dma_start3A_220] : memref<100000x64xf32, #tpu.memory_space<hbm>> -> memref<1x64xf32, #tpu.memory_space<hbm>>
      %dma_start3A_222 = tpu.memref_squeeze %dma_start3A_221 : memref<1x64xf32, #tpu.memory_space<hbm>> -> memref<64xf32, #tpu.memory_space<hbm>>
      %dma_start3A_223 = arith.constant 0 : i32
      %dma_start3A_224 = tpu.memref_slice %arg6[%add3A_216, %dma_start3A_223] : memref<512x64xf32, #tpu.memory_space<vmem>> -> memref<1x64xf32, #tpu.memory_space<vmem>>
      %dma_start3A_225 = tpu.memref_squeeze %dma_start3A_224 : memref<1x64xf32, #tpu.memory_space<vmem>> -> memref<64xf32, #tpu.memory_space<vmem>>
      %dma_start3A_226 = arith.constant 0 : i32
      %dma_start3A_227 = tpu.memref_slice %arg4[%squeeze3A_214, %dma_start3A_226] : memref<100000x64xf32, #tpu.memory_space<hbm>> -> memref<1x64xf32, #tpu.memory_space<hbm>>
      %dma_start3A_228 = tpu.memref_squeeze %dma_start3A_227 : memref<1x64xf32, #tpu.memory_space<hbm>> -> memref<64xf32, #tpu.memory_space<hbm>>
      tpu.enqueue_dma source(%dma_start3A_228 : memref<64xf32, #tpu.memory_space<hbm>>) target(%dma_start3A_225 : memref<64xf32, #tpu.memory_space<vmem>>) target_semaphore(%arg9 : memref<!tpu.dma_semaphore, #tpu.memory_space<semaphore_mem>>)
      %slice3A_229 = vector.extract_strided_slice %bitcast3A {offsets = [10], sizes = [1], strides = [1]} : vector<16xi32> to vector<1xi32>
      %squeeze3A_230 = vector.extract %slice3A_229[0] : i32 from vector<1xi32>
      %add3A_231 = arith.constant 10 : i32
      %add3A_232 = arith.addi %mul3A_71, %add3A_231 : i32
      %dma_start3A_233 = arith.constant 0 : i32
      %dma_start3A_234 = tpu.memref_slice %arg6[%add3A_232, %dma_start3A_233] : memref<512x64xf32, #tpu.memory_space<vmem>> -> memref<1x64xf32, #tpu.memory_space<vmem>>
      %dma_start3A_235 = tpu.memref_squeeze %dma_start3A_234 : memref<1x64xf32, #tpu.memory_space<vmem>> -> memref<64xf32, #tpu.memory_space<vmem>>
      %dma_start3A_236 = arith.constant 0 : i32
      %dma_start3A_237 = tpu.memref_slice %arg4[%squeeze3A_230, %dma_start3A_236] : memref<100000x64xf32, #tpu.memory_space<hbm>> -> memref<1x64xf32, #tpu.memory_space<hbm>>
      %dma_start3A_238 = tpu.memref_squeeze %dma_start3A_237 : memref<1x64xf32, #tpu.memory_space<hbm>> -> memref<64xf32, #tpu.memory_space<hbm>>
      %dma_start3A_239 = arith.constant 0 : i32
      %dma_start3A_240 = tpu.memref_slice %arg6[%add3A_232, %dma_start3A_239] : memref<512x64xf32, #tpu.memory_space<vmem>> -> memref<1x64xf32, #tpu.memory_space<vmem>>
      %dma_start3A_241 = tpu.memref_squeeze %dma_start3A_240 : memref<1x64xf32, #tpu.memory_space<vmem>> -> memref<64xf32, #tpu.memory_space<vmem>>
      %dma_start3A_242 = arith.constant 0 : i32
      %dma_start3A_243 = tpu.memref_slice %arg4[%squeeze3A_230, %dma_start3A_242] : memref<100000x64xf32, #tpu.memory_space<hbm>> -> memref<1x64xf32, #tpu.memory_space<hbm>>
      %dma_start3A_244 = tpu.memref_squeeze %dma_start3A_243 : memref<1x64xf32, #tpu.memory_space<hbm>> -> memref<64xf32, #tpu.memory_space<hbm>>
      tpu.enqueue_dma source(%dma_start3A_244 : memref<64xf32, #tpu.memory_space<hbm>>) target(%dma_start3A_241 : memref<64xf32, #tpu.memory_space<vmem>>) target_semaphore(%arg9 : memref<!tpu.dma_semaphore, #tpu.memory_space<semaphore_mem>>)
      %slice3A_245 = vector.extract_strided_slice %bitcast3A {offsets = [11], sizes = [1], strides = [1]} : vector<16xi32> to vector<1xi32>
      %squeeze3A_246 = vector.extract %slice3A_245[0] : i32 from vector<1xi32>
      %add3A_247 = arith.constant 11 : i32
      %add3A_248 = arith.addi %mul3A_71, %add3A_247 : i32
      %dma_start3A_249 = arith.constant 0 : i32
      %dma_start3A_250 = tpu.memref_slice %arg6[%add3A_248, %dma_start3A_249] : memref<512x64xf32, #tpu.memory_space<vmem>> -> memref<1x64xf32, #tpu.memory_space<vmem>>
      %dma_start3A_251 = tpu.memref_squeeze %dma_start3A_250 : memref<1x64xf32, #tpu.memory_space<vmem>> -> memref<64xf32, #tpu.memory_space<vmem>>
      %dma_start3A_252 = arith.constant 0 : i32
      %dma_start3A_253 = tpu.memref_slice %arg4[%squeeze3A_246, %dma_start3A_252] : memref<100000x64xf32, #tpu.memory_space<hbm>> -> memref<1x64xf32, #tpu.memory_space<hbm>>
      %dma_start3A_254 = tpu.memref_squeeze %dma_start3A_253 : memref<1x64xf32, #tpu.memory_space<hbm>> -> memref<64xf32, #tpu.memory_space<hbm>>
      %dma_start3A_255 = arith.constant 0 : i32
      %dma_start3A_256 = tpu.memref_slice %arg6[%add3A_248, %dma_start3A_255] : memref<512x64xf32, #tpu.memory_space<vmem>> -> memref<1x64xf32, #tpu.memory_space<vmem>>
      %dma_start3A_257 = tpu.memref_squeeze %dma_start3A_256 : memref<1x64xf32, #tpu.memory_space<vmem>> -> memref<64xf32, #tpu.memory_space<vmem>>
      %dma_start3A_258 = arith.constant 0 : i32
      %dma_start3A_259 = tpu.memref_slice %arg4[%squeeze3A_246, %dma_start3A_258] : memref<100000x64xf32, #tpu.memory_space<hbm>> -> memref<1x64xf32, #tpu.memory_space<hbm>>
      %dma_start3A_260 = tpu.memref_squeeze %dma_start3A_259 : memref<1x64xf32, #tpu.memory_space<hbm>> -> memref<64xf32, #tpu.memory_space<hbm>>
      tpu.enqueue_dma source(%dma_start3A_260 : memref<64xf32, #tpu.memory_space<hbm>>) target(%dma_start3A_257 : memref<64xf32, #tpu.memory_space<vmem>>) target_semaphore(%arg9 : memref<!tpu.dma_semaphore, #tpu.memory_space<semaphore_mem>>)
      %slice3A_261 = vector.extract_strided_slice %bitcast3A {offsets = [12], sizes = [1], strides = [1]} : vector<16xi32> to vector<1xi32>
      %squeeze3A_262 = vector.extract %slice3A_261[0] : i32 from vector<1xi32>
      %add3A_263 = arith.constant 12 : i32
      %add3A_264 = arith.addi %mul3A_71, %add3A_263 : i32
      %dma_start3A_265 = arith.constant 0 : i32
      %dma_start3A_266 = tpu.memref_slice %arg6[%add3A_264, %dma_start3A_265] : memref<512x64xf32, #tpu.memory_space<vmem>> -> memref<1x64xf32, #tpu.memory_space<vmem>>
      %dma_start3A_267 = tpu.memref_squeeze %dma_start3A_266 : memref<1x64xf32, #tpu.memory_space<vmem>> -> memref<64xf32, #tpu.memory_space<vmem>>
      %dma_start3A_268 = arith.constant 0 : i32
      %dma_start3A_269 = tpu.memref_slice %arg4[%squeeze3A_262, %dma_start3A_268] : memref<100000x64xf32, #tpu.memory_space<hbm>> -> memref<1x64xf32, #tpu.memory_space<hbm>>
      %dma_start3A_270 = tpu.memref_squeeze %dma_start3A_269 : memref<1x64xf32, #tpu.memory_space<hbm>> -> memref<64xf32, #tpu.memory_space<hbm>>
      %dma_start3A_271 = arith.constant 0 : i32
      %dma_start3A_272 = tpu.memref_slice %arg6[%add3A_264, %dma_start3A_271] : memref<512x64xf32, #tpu.memory_space<vmem>> -> memref<1x64xf32, #tpu.memory_space<vmem>>
      %dma_start3A_273 = tpu.memref_squeeze %dma_start3A_272 : memref<1x64xf32, #tpu.memory_space<vmem>> -> memref<64xf32, #tpu.memory_space<vmem>>
      %dma_start3A_274 = arith.constant 0 : i32
      %dma_start3A_275 = tpu.memref_slice %arg4[%squeeze3A_262, %dma_start3A_274] : memref<100000x64xf32, #tpu.memory_space<hbm>> -> memref<1x64xf32, #tpu.memory_space<hbm>>
      %dma_start3A_276 = tpu.memref_squeeze %dma_start3A_275 : memref<1x64xf32, #tpu.memory_space<hbm>> -> memref<64xf32, #tpu.memory_space<hbm>>
      tpu.enqueue_dma source(%dma_start3A_276 : memref<64xf32, #tpu.memory_space<hbm>>) target(%dma_start3A_273 : memref<64xf32, #tpu.memory_space<vmem>>) target_semaphore(%arg9 : memref<!tpu.dma_semaphore, #tpu.memory_space<semaphore_mem>>)
      %slice3A_277 = vector.extract_strided_slice %bitcast3A {offsets = [13], sizes = [1], strides = [1]} : vector<16xi32> to vector<1xi32>
      %squeeze3A_278 = vector.extract %slice3A_277[0] : i32 from vector<1xi32>
      %add3A_279 = arith.constant 13 : i32
      %add3A_280 = arith.addi %mul3A_71, %add3A_279 : i32
      %dma_start3A_281 = arith.constant 0 : i32
      %dma_start3A_282 = tpu.memref_slice %arg6[%add3A_280, %dma_start3A_281] : memref<512x64xf32, #tpu.memory_space<vmem>> -> memref<1x64xf32, #tpu.memory_space<vmem>>
      %dma_start3A_283 = tpu.memref_squeeze %dma_start3A_282 : memref<1x64xf32, #tpu.memory_space<vmem>> -> memref<64xf32, #tpu.memory_space<vmem>>
      %dma_start3A_284 = arith.constant 0 : i32
      %dma_start3A_285 = tpu.memref_slice %arg4[%squeeze3A_278, %dma_start3A_284] : memref<100000x64xf32, #tpu.memory_space<hbm>> -> memref<1x64xf32, #tpu.memory_space<hbm>>
      %dma_start3A_286 = tpu.memref_squeeze %dma_start3A_285 : memref<1x64xf32, #tpu.memory_space<hbm>> -> memref<64xf32, #tpu.memory_space<hbm>>
      %dma_start3A_287 = arith.constant 0 : i32
      %dma_start3A_288 = tpu.memref_slice %arg6[%add3A_280, %dma_start3A_287] : memref<512x64xf32, #tpu.memory_space<vmem>> -> memref<1x64xf32, #tpu.memory_space<vmem>>
      %dma_start3A_289 = tpu.memref_squeeze %dma_start3A_288 : memref<1x64xf32, #tpu.memory_space<vmem>> -> memref<64xf32, #tpu.memory_space<vmem>>
      %dma_start3A_290 = arith.constant 0 : i32
      %dma_start3A_291 = tpu.memref_slice %arg4[%squeeze3A_278, %dma_start3A_290] : memref<100000x64xf32, #tpu.memory_space<hbm>> -> memref<1x64xf32, #tpu.memory_space<hbm>>
      %dma_start3A_292 = tpu.memref_squeeze %dma_start3A_291 : memref<1x64xf32, #tpu.memory_space<hbm>> -> memref<64xf32, #tpu.memory_space<hbm>>
      tpu.enqueue_dma source(%dma_start3A_292 : memref<64xf32, #tpu.memory_space<hbm>>) target(%dma_start3A_289 : memref<64xf32, #tpu.memory_space<vmem>>) target_semaphore(%arg9 : memref<!tpu.dma_semaphore, #tpu.memory_space<semaphore_mem>>)
      %slice3A_293 = vector.extract_strided_slice %bitcast3A {offsets = [14], sizes = [1], strides = [1]} : vector<16xi32> to vector<1xi32>
      %squeeze3A_294 = vector.extract %slice3A_293[0] : i32 from vector<1xi32>
      %add3A_295 = arith.constant 14 : i32
      %add3A_296 = arith.addi %mul3A_71, %add3A_295 : i32
      %dma_start3A_297 = arith.constant 0 : i32
      %dma_start3A_298 = tpu.memref_slice %arg6[%add3A_296, %dma_start3A_297] : memref<512x64xf32, #tpu.memory_space<vmem>> -> memref<1x64xf32, #tpu.memory_space<vmem>>
      %dma_start3A_299 = tpu.memref_squeeze %dma_start3A_298 : memref<1x64xf32, #tpu.memory_space<vmem>> -> memref<64xf32, #tpu.memory_space<vmem>>
      %dma_start3A_300 = arith.constant 0 : i32
      %dma_start3A_301 = tpu.memref_slice %arg4[%squeeze3A_294, %dma_start3A_300] : memref<100000x64xf32, #tpu.memory_space<hbm>> -> memref<1x64xf32, #tpu.memory_space<hbm>>
      %dma_start3A_302 = tpu.memref_squeeze %dma_start3A_301 : memref<1x64xf32, #tpu.memory_space<hbm>> -> memref<64xf32, #tpu.memory_space<hbm>>
      %dma_start3A_303 = arith.constant 0 : i32
      %dma_start3A_304 = tpu.memref_slice %arg6[%add3A_296, %dma_start3A_303] : memref<512x64xf32, #tpu.memory_space<vmem>> -> memref<1x64xf32, #tpu.memory_space<vmem>>
      %dma_start3A_305 = tpu.memref_squeeze %dma_start3A_304 : memref<1x64xf32, #tpu.memory_space<vmem>> -> memref<64xf32, #tpu.memory_space<vmem>>
      %dma_start3A_306 = arith.constant 0 : i32
      %dma_start3A_307 = tpu.memref_slice %arg4[%squeeze3A_294, %dma_start3A_306] : memref<100000x64xf32, #tpu.memory_space<hbm>> -> memref<1x64xf32, #tpu.memory_space<hbm>>
      %dma_start3A_308 = tpu.memref_squeeze %dma_start3A_307 : memref<1x64xf32, #tpu.memory_space<hbm>> -> memref<64xf32, #tpu.memory_space<hbm>>
      tpu.enqueue_dma source(%dma_start3A_308 : memref<64xf32, #tpu.memory_space<hbm>>) target(%dma_start3A_305 : memref<64xf32, #tpu.memory_space<vmem>>) target_semaphore(%arg9 : memref<!tpu.dma_semaphore, #tpu.memory_space<semaphore_mem>>)
      %slice3A_309 = vector.extract_strided_slice %bitcast3A {offsets = [15], sizes = [1], strides = [1]} : vector<16xi32> to vector<1xi32>
      %squeeze3A_310 = vector.extract %slice3A_309[0] : i32 from vector<1xi32>
      %add3A_311 = arith.constant 15 : i32
      %add3A_312 = arith.addi %mul3A_71, %add3A_311 : i32
      %dma_start3A_313 = arith.constant 0 : i32
      %dma_start3A_314 = tpu.memref_slice %arg6[%add3A_312, %dma_start3A_313] : memref<512x64xf32, #tpu.memory_space<vmem>> -> memref<1x64xf32, #tpu.memory_space<vmem>>
      %dma_start3A_315 = tpu.memref_squeeze %dma_start3A_314 : memref<1x64xf32, #tpu.memory_space<vmem>> -> memref<64xf32, #tpu.memory_space<vmem>>
      %dma_start3A_316 = arith.constant 0 : i32
      %dma_start3A_317 = tpu.memref_slice %arg4[%squeeze3A_310, %dma_start3A_316] : memref<100000x64xf32, #tpu.memory_space<hbm>> -> memref<1x64xf32, #tpu.memory_space<hbm>>
      %dma_start3A_318 = tpu.memref_squeeze %dma_start3A_317 : memref<1x64xf32, #tpu.memory_space<hbm>> -> memref<64xf32, #tpu.memory_space<hbm>>
      %dma_start3A_319 = arith.constant 0 : i32
      %dma_start3A_320 = tpu.memref_slice %arg6[%add3A_312, %dma_start3A_319] : memref<512x64xf32, #tpu.memory_space<vmem>> -> memref<1x64xf32, #tpu.memory_space<vmem>>
      %dma_start3A_321 = tpu.memref_squeeze %dma_start3A_320 : memref<1x64xf32, #tpu.memory_space<vmem>> -> memref<64xf32, #tpu.memory_space<vmem>>
      %dma_start3A_322 = arith.constant 0 : i32
      %dma_start3A_323 = tpu.memref_slice %arg4[%squeeze3A_310, %dma_start3A_322] : memref<100000x64xf32, #tpu.memory_space<hbm>> -> memref<1x64xf32, #tpu.memory_space<hbm>>
      %dma_start3A_324 = tpu.memref_squeeze %dma_start3A_323 : memref<1x64xf32, #tpu.memory_space<hbm>> -> memref<64xf32, #tpu.memory_space<hbm>>
      tpu.enqueue_dma source(%dma_start3A_324 : memref<64xf32, #tpu.memory_space<hbm>>) target(%dma_start3A_321 : memref<64xf32, #tpu.memory_space<vmem>>) target_semaphore(%arg9 : memref<!tpu.dma_semaphore, #tpu.memory_space<semaphore_mem>>)
    }
    %scan3A_9 = arith.constant 32 : i32
    %scan3A_10 = arith.constant 0 : i32
    %scan3A_11 = arith.constant 0 : i32
    %scan3A_12 = arith.constant 256 : i32
    %scan3A_13 = arith.addi %scan3A_11, %scan3A_12 : i32
    %scan3A_14 = arith.constant 1 : i32
    scf.for %scan3A_63 = %scan3A_11 to %scan3A_13 step %scan3A_14  : i32 {
      %add3A_64 = arith.addi %mul3A_2, %scan3A_63 : i32
      %and3A = arith.constant 255 : i32
      %and3A_65 = arith.andi %scan3A_63, %and3A : i32
      %dma_start3A = arith.constant 0 : i32
      %dma_start3A_66 = tpu.memref_slice %arg7[%and3A_65, %dma_start3A] : memref<256x64xf32, #tpu.memory_space<vmem>> -> memref<1x64xf32, #tpu.memory_space<vmem>>
      %dma_start3A_67 = tpu.memref_squeeze %dma_start3A_66 : memref<1x64xf32, #tpu.memory_space<vmem>> -> memref<64xf32, #tpu.memory_space<vmem>>
      %dma_start3A_68 = arith.constant 0 : i32
      %dma_start3A_69 = tpu.memref_slice %arg2[%add3A_64, %dma_start3A_68] : memref<16384x64xf32, #tpu.memory_space<hbm>> -> memref<1x64xf32, #tpu.memory_space<hbm>>
      %dma_start3A_70 = tpu.memref_squeeze %dma_start3A_69 : memref<1x64xf32, #tpu.memory_space<hbm>> -> memref<64xf32, #tpu.memory_space<hbm>>
      %dma_start3A_71 = arith.constant 0 : i32
      %dma_start3A_72 = tpu.memref_slice %arg7[%and3A_65, %dma_start3A_71] : memref<256x64xf32, #tpu.memory_space<vmem>> -> memref<1x64xf32, #tpu.memory_space<vmem>>
      %dma_start3A_73 = tpu.memref_squeeze %dma_start3A_72 : memref<1x64xf32, #tpu.memory_space<vmem>> -> memref<64xf32, #tpu.memory_space<vmem>>
      %dma_start3A_74 = arith.constant 0 : i32
      %dma_start3A_75 = tpu.memref_slice %arg2[%add3A_64, %dma_start3A_74] : memref<16384x64xf32, #tpu.memory_space<hbm>> -> memref<1x64xf32, #tpu.memory_space<hbm>>
      %dma_start3A_76 = tpu.memref_squeeze %dma_start3A_75 : memref<1x64xf32, #tpu.memory_space<hbm>> -> memref<64xf32, #tpu.memory_space<hbm>>
      tpu.enqueue_dma source(%dma_start3A_76 : memref<64xf32, #tpu.memory_space<hbm>>) target(%dma_start3A_73 : memref<64xf32, #tpu.memory_space<vmem>>) target_semaphore(%arg10 : memref<!tpu.dma_semaphore, #tpu.memory_space<semaphore_mem>>)
    }
    %scan3A_15 = arith.constant 256 : i32
    %scan3A_16 = arith.constant 0 : i32
    %scan3A_17 = arith.constant 0 : i32
    %scan3A_18 = arith.constant 512 : i32
    %scan3A_19 = arith.addi %scan3A_17, %scan3A_18 : i32
    %scan3A_20 = arith.constant 1 : i32
    scf.for %scan3A_63 = %scan3A_17 to %scan3A_19 step %scan3A_20  : i32 {
      %dma_wait3A = arith.constant 0 : i32
      %dma_wait3A_64 = arith.constant 0 : i32
      %dma_wait3A_65 = tpu.memref_slice %arg6[%scan3A_63, %dma_wait3A_64] : memref<512x64xf32, #tpu.memory_space<vmem>> -> memref<1x64xf32, #tpu.memory_space<vmem>>
      %dma_wait3A_66 = tpu.memref_squeeze %dma_wait3A_65 : memref<1x64xf32, #tpu.memory_space<vmem>> -> memref<64xf32, #tpu.memory_space<vmem>>
      %dma_wait3A_67 = arith.constant 0 : i32
      %dma_wait3A_68 = tpu.memref_slice %arg4[%dma_wait3A, %dma_wait3A_67] : memref<100000x64xf32, #tpu.memory_space<hbm>> -> memref<1x64xf32, #tpu.memory_space<hbm>>
      %dma_wait3A_69 = tpu.memref_squeeze %dma_wait3A_68 : memref<1x64xf32, #tpu.memory_space<hbm>> -> memref<64xf32, #tpu.memory_space<hbm>>
      %dma_wait3A_70 = arith.constant 0 : i32
      %dma_wait3A_71 = tpu.memref_slice %arg6[%scan3A_63, %dma_wait3A_70] : memref<512x64xf32, #tpu.memory_space<vmem>> -> memref<1x64xf32, #tpu.memory_space<vmem>>
      %dma_wait3A_72 = tpu.memref_squeeze %dma_wait3A_71 : memref<1x64xf32, #tpu.memory_space<vmem>> -> memref<64xf32, #tpu.memory_space<vmem>>
      %dma_wait3A_73 = arith.constant 0 : i32
      %dma_wait3A_74 = tpu.memref_slice %arg4[%dma_wait3A, %dma_wait3A_73] : memref<100000x64xf32, #tpu.memory_space<hbm>> -> memref<1x64xf32, #tpu.memory_space<hbm>>
      %dma_wait3A_75 = tpu.memref_squeeze %dma_wait3A_74 : memref<1x64xf32, #tpu.memory_space<hbm>> -> memref<64xf32, #tpu.memory_space<hbm>>
      tpu.wait_dma2 semaphore(%arg9 : memref<!tpu.dma_semaphore, #tpu.memory_space<semaphore_mem>>) src(%dma_wait3A_75 : memref<64xf32, #tpu.memory_space<hbm>>) dst(%dma_wait3A_72 : memref<64xf32, #tpu.memory_space<vmem>>)
    }
    %scan3A_21 = arith.constant 512 : i32
    %scan3A_22 = arith.constant 0 : i32
    %scan3A_23 = arith.constant 0 : i32
    %scan3A_24 = arith.constant 256 : i32
    %scan3A_25 = arith.addi %scan3A_23, %scan3A_24 : i32
    %scan3A_26 = arith.constant 1 : i32
    scf.for %scan3A_63 = %scan3A_23 to %scan3A_25 step %scan3A_26  : i32 {
      %dma_wait3A = arith.constant 0 : i32
      %dma_wait3A_64 = arith.constant 0 : i32
      %dma_wait3A_65 = arith.constant 0 : i32
      %dma_wait3A_66 = tpu.memref_slice %arg7[%dma_wait3A_64, %dma_wait3A_65] : memref<256x64xf32, #tpu.memory_space<vmem>> -> memref<1x64xf32, #tpu.memory_space<vmem>>
      %dma_wait3A_67 = tpu.memref_squeeze %dma_wait3A_66 : memref<1x64xf32, #tpu.memory_space<vmem>> -> memref<64xf32, #tpu.memory_space<vmem>>
      %dma_wait3A_68 = arith.constant 0 : i32
      %dma_wait3A_69 = tpu.memref_slice %arg2[%dma_wait3A, %dma_wait3A_68] : memref<16384x64xf32, #tpu.memory_space<hbm>> -> memref<1x64xf32, #tpu.memory_space<hbm>>
      %dma_wait3A_70 = tpu.memref_squeeze %dma_wait3A_69 : memref<1x64xf32, #tpu.memory_space<hbm>> -> memref<64xf32, #tpu.memory_space<hbm>>
      %dma_wait3A_71 = arith.constant 0 : i32
      %dma_wait3A_72 = tpu.memref_slice %arg7[%dma_wait3A_64, %dma_wait3A_71] : memref<256x64xf32, #tpu.memory_space<vmem>> -> memref<1x64xf32, #tpu.memory_space<vmem>>
      %dma_wait3A_73 = tpu.memref_squeeze %dma_wait3A_72 : memref<1x64xf32, #tpu.memory_space<vmem>> -> memref<64xf32, #tpu.memory_space<vmem>>
      %dma_wait3A_74 = arith.constant 0 : i32
      %dma_wait3A_75 = tpu.memref_slice %arg2[%dma_wait3A, %dma_wait3A_74] : memref<16384x64xf32, #tpu.memory_space<hbm>> -> memref<1x64xf32, #tpu.memory_space<hbm>>
      %dma_wait3A_76 = tpu.memref_squeeze %dma_wait3A_75 : memref<1x64xf32, #tpu.memory_space<hbm>> -> memref<64xf32, #tpu.memory_space<hbm>>
      tpu.wait_dma2 semaphore(%arg10 : memref<!tpu.dma_semaphore, #tpu.memory_space<semaphore_mem>>) src(%dma_wait3A_76 : memref<64xf32, #tpu.memory_space<hbm>>) dst(%dma_wait3A_73 : memref<64xf32, #tpu.memory_space<vmem>>)
    }
    %scan3A_27 = arith.constant 256 : i32
    %broadcast_in_dim3A = arith.constant 0.000000e+00 : f32
    %broadcast_in_dim3A_28 = vector.broadcast %broadcast_in_dim3A : f32 to vector<16xf32>
    %scan3A_29 = arith.constant 5.000000e-01 : f32
    %scan3A_30 = arith.constant 1.500000e+00 : f32
    %scan3A_31 = arith.constant 1.000000e+00 : f32
    %scan3A_32 = arith.constant 0 : i32
    %scan3A_33 = arith.constant 16 : i32
    %scan3A_34 = arith.addi %scan3A_32, %scan3A_33 : i32
    %scan3A_35 = arith.constant 1 : i32
    %scan3A_36 = scf.for %scan3A_63 = %scan3A_32 to %scan3A_34 step %scan3A_35 iter_args(%scan3A_64 = %broadcast_in_dim3A_28) -> (vector<16xf32>)  : i32 {
      %mul3A_65 = arith.constant 16 : i32
      %mul3A_66 = arith.muli %scan3A_63, %mul3A_65 : i32
      %add3A_67 = vector.broadcast %mul3A_66 : i32 to vector<16xi32>
      %add3A_68 = arith.addi %iota3A, %add3A_67 : vector<16xi32>
      %sub3A = arith.constant 0 : i32
      %sub3A_69 = vector.broadcast %sub3A : i32 to vector<16xi32>
      %sub3A_70 = arith.subi %add3A_68, %sub3A_69 : vector<16xi32>
      %add3A_71 = arith.constant 0 : i32
      %add3A_72 = vector.broadcast %add3A_71 : i32 to vector<16xi32>
      %add3A_73 = arith.addi %iota3A, %add3A_72 : vector<16xi32>
      %and3A = arith.constant 63 : i32
      %and3A_74 = vector.broadcast %and3A : i32 to vector<16xi32>
      %and3A_75 = arith.andi %add3A_73, %and3A_74 : vector<16xi32>
      %gather3A = tpu.vector_load_idx %arg7[%sub3A_70, %and3A_75] : memref<256x64xf32, #tpu.memory_space<vmem>>[vector<16xi32>, vector<16xi32>], vector<16xf32>,
      %gather3A_76 = tpu.vector_load_idx %arg6[%add3A_68, %and3A_75] : memref<512x64xf32, #tpu.memory_space<vmem>>[vector<16xi32>, vector<16xi32>], vector<16xf32>,
      %mul3A_77 = arith.mulf %gather3A, %gather3A_76 : vector<16xf32>
      %mul3A_78 = arith.mulf %gather3A, %gather3A : vector<16xf32>
      %mul3A_79 = arith.mulf %gather3A_76, %gather3A_76 : vector<16xf32>
      %add3A_80 = arith.constant 1 : i32
      %add3A_81 = vector.broadcast %add3A_80 : i32 to vector<16xi32>
      %add3A_82 = arith.addi %iota3A, %add3A_81 : vector<16xi32>
      %and3A_83 = arith.constant 63 : i32
      %and3A_84 = vector.broadcast %and3A_83 : i32 to vector<16xi32>
      %and3A_85 = arith.andi %add3A_82, %and3A_84 : vector<16xi32>
      %gather3A_86 = tpu.vector_load_idx %arg7[%sub3A_70, %and3A_85] : memref<256x64xf32, #tpu.memory_space<vmem>>[vector<16xi32>, vector<16xi32>], vector<16xf32>,
      %gather3A_87 = tpu.vector_load_idx %arg6[%add3A_68, %and3A_85] : memref<512x64xf32, #tpu.memory_space<vmem>>[vector<16xi32>, vector<16xi32>], vector<16xf32>,
      %mul3A_88 = arith.mulf %gather3A_86, %gather3A_87 : vector<16xf32>
      %mul3A_89 = arith.mulf %gather3A_86, %gather3A_86 : vector<16xf32>
      %mul3A_90 = arith.mulf %gather3A_87, %gather3A_87 : vector<16xf32>
      %add3A_91 = arith.constant 2 : i32
      %add3A_92 = vector.broadcast %add3A_91 : i32 to vector<16xi32>
      %add3A_93 = arith.addi %iota3A, %add3A_92 : vector<16xi32>
      %and3A_94 = arith.constant 63 : i32
      %and3A_95 = vector.broadcast %and3A_94 : i32 to vector<16xi32>
      %and3A_96 = arith.andi %add3A_93, %and3A_95 : vector<16xi32>
      %gather3A_97 = tpu.vector_load_idx %arg7[%sub3A_70, %and3A_96] : memref<256x64xf32, #tpu.memory_space<vmem>>[vector<16xi32>, vector<16xi32>], vector<16xf32>,
      %gather3A_98 = tpu.vector_load_idx %arg6[%add3A_68, %and3A_96] : memref<512x64xf32, #tpu.memory_space<vmem>>[vector<16xi32>, vector<16xi32>], vector<16xf32>,
      %mul3A_99 = arith.mulf %gather3A_97, %gather3A_98 : vector<16xf32>
      %mul3A_100 = arith.mulf %gather3A_97, %gather3A_97 : vector<16xf32>
      %mul3A_101 = arith.mulf %gather3A_98, %gather3A_98 : vector<16xf32>
      %add3A_102 = arith.constant 3 : i32
      %add3A_103 = vector.broadcast %add3A_102 : i32 to vector<16xi32>
      %add3A_104 = arith.addi %iota3A, %add3A_103 : vector<16xi32>
      %and3A_105 = arith.constant 63 : i32
      %and3A_106 = vector.broadcast %and3A_105 : i32 to vector<16xi32>
      %and3A_107 = arith.andi %add3A_104, %and3A_106 : vector<16xi32>
      %gather3A_108 = tpu.vector_load_idx %arg7[%sub3A_70, %and3A_107] : memref<256x64xf32, #tpu.memory_space<vmem>>[vector<16xi32>, vector<16xi32>], vector<16xf32>,
      %gather3A_109 = tpu.vector_load_idx %arg6[%add3A_68, %and3A_107] : memref<512x64xf32, #tpu.memory_space<vmem>>[vector<16xi32>, vector<16xi32>], vector<16xf32>,
      %mul3A_110 = arith.mulf %gather3A_108, %gather3A_109 : vector<16xf32>
      %mul3A_111 = arith.mulf %gather3A_108, %gather3A_108 : vector<16xf32>
      %mul3A_112 = arith.mulf %gather3A_109, %gather3A_109 : vector<16xf32>
      %add3A_113 = arith.constant 4 : i32
      %add3A_114 = vector.broadcast %add3A_113 : i32 to vector<16xi32>
      %add3A_115 = arith.addi %iota3A, %add3A_114 : vector<16xi32>
      %and3A_116 = arith.constant 63 : i32
      %and3A_117 = vector.broadcast %and3A_116 : i32 to vector<16xi32>
      %and3A_118 = arith.andi %add3A_115, %and3A_117 : vector<16xi32>
      %gather3A_119 = tpu.vector_load_idx %arg7[%sub3A_70, %and3A_118] : memref<256x64xf32, #tpu.memory_space<vmem>>[vector<16xi32>, vector<16xi32>], vector<16xf32>,
      %gather3A_120 = tpu.vector_load_idx %arg6[%add3A_68, %and3A_118] : memref<512x64xf32, #tpu.memory_space<vmem>>[vector<16xi32>, vector<16xi32>], vector<16xf32>,
      %mul3A_121 = arith.mulf %gather3A_119, %gather3A_120 : vector<16xf32>
      %add3A_122 = arith.addf %mul3A_77, %mul3A_121 : vector<16xf32>
      %mul3A_123 = arith.mulf %gather3A_119, %gather3A_119 : vector<16xf32>
      %add3A_124 = arith.addf %mul3A_78, %mul3A_123 : vector<16xf32>
      %mul3A_125 = arith.mulf %gather3A_120, %gather3A_120 : vector<16xf32>
      %add3A_126 = arith.addf %mul3A_79, %mul3A_125 : vector<16xf32>
      %add3A_127 = arith.constant 5 : i32
      %add3A_128 = vector.broadcast %add3A_127 : i32 to vector<16xi32>
      %add3A_129 = arith.addi %iota3A, %add3A_128 : vector<16xi32>
      %and3A_130 = arith.constant 63 : i32
      %and3A_131 = vector.broadcast %and3A_130 : i32 to vector<16xi32>
      %and3A_132 = arith.andi %add3A_129, %and3A_131 : vector<16xi32>
      %gather3A_133 = tpu.vector_load_idx %arg7[%sub3A_70, %and3A_132] : memref<256x64xf32, #tpu.memory_space<vmem>>[vector<16xi32>, vector<16xi32>], vector<16xf32>,
      %gather3A_134 = tpu.vector_load_idx %arg6[%add3A_68, %and3A_132] : memref<512x64xf32, #tpu.memory_space<vmem>>[vector<16xi32>, vector<16xi32>], vector<16xf32>,
      %mul3A_135 = arith.mulf %gather3A_133, %gather3A_134 : vector<16xf32>
      %add3A_136 = arith.addf %mul3A_88, %mul3A_135 : vector<16xf32>
      %mul3A_137 = arith.mulf %gather3A_133, %gather3A_133 : vector<16xf32>
      %add3A_138 = arith.addf %mul3A_89, %mul3A_137 : vector<16xf32>
      %mul3A_139 = arith.mulf %gather3A_134, %gather3A_134 : vector<16xf32>
      %add3A_140 = arith.addf %mul3A_90, %mul3A_139 : vector<16xf32>
      %add3A_141 = arith.constant 6 : i32
      %add3A_142 = vector.broadcast %add3A_141 : i32 to vector<16xi32>
      %add3A_143 = arith.addi %iota3A, %add3A_142 : vector<16xi32>
      %and3A_144 = arith.constant 63 : i32
      %and3A_145 = vector.broadcast %and3A_144 : i32 to vector<16xi32>
      %and3A_146 = arith.andi %add3A_143, %and3A_145 : vector<16xi32>
      %gather3A_147 = tpu.vector_load_idx %arg7[%sub3A_70, %and3A_146] : memref<256x64xf32, #tpu.memory_space<vmem>>[vector<16xi32>, vector<16xi32>], vector<16xf32>,
      %gather3A_148 = tpu.vector_load_idx %arg6[%add3A_68, %and3A_146] : memref<512x64xf32, #tpu.memory_space<vmem>>[vector<16xi32>, vector<16xi32>], vector<16xf32>,
      %mul3A_149 = arith.mulf %gather3A_147, %gather3A_148 : vector<16xf32>
      %add3A_150 = arith.addf %mul3A_99, %mul3A_149 : vector<16xf32>
      %mul3A_151 = arith.mulf %gather3A_147, %gather3A_147 : vector<16xf32>
      %add3A_152 = arith.addf %mul3A_100, %mul3A_151 : vector<16xf32>
      %mul3A_153 = arith.mulf %gather3A_148, %gather3A_148 : vector<16xf32>
      %add3A_154 = arith.addf %mul3A_101, %mul3A_153 : vector<16xf32>
      %add3A_155 = arith.constant 7 : i32
      %add3A_156 = vector.broadcast %add3A_155 : i32 to vector<16xi32>
      %add3A_157 = arith.addi %iota3A, %add3A_156 : vector<16xi32>
      %and3A_158 = arith.constant 63 : i32
      %and3A_159 = vector.broadcast %and3A_158 : i32 to vector<16xi32>
      %and3A_160 = arith.andi %add3A_157, %and3A_159 : vector<16xi32>
      %gather3A_161 = tpu.vector_load_idx %arg7[%sub3A_70, %and3A_160] : memref<256x64xf32, #tpu.memory_space<vmem>>[vector<16xi32>, vector<16xi32>], vector<16xf32>,
      %gather3A_162 = tpu.vector_load_idx %arg6[%add3A_68, %and3A_160] : memref<512x64xf32, #tpu.memory_space<vmem>>[vector<16xi32>, vector<16xi32>], vector<16xf32>,
      %mul3A_163 = arith.mulf %gather3A_161, %gather3A_162 : vector<16xf32>
      %add3A_164 = arith.addf %mul3A_110, %mul3A_163 : vector<16xf32>
      %mul3A_165 = arith.mulf %gather3A_161, %gather3A_161 : vector<16xf32>
      %add3A_166 = arith.addf %mul3A_111, %mul3A_165 : vector<16xf32>
      %mul3A_167 = arith.mulf %gather3A_162, %gather3A_162 : vector<16xf32>
      %add3A_168 = arith.addf %mul3A_112, %mul3A_167 : vector<16xf32>
      %add3A_169 = arith.constant 8 : i32
      %add3A_170 = vector.broadcast %add3A_169 : i32 to vector<16xi32>
      %add3A_171 = arith.addi %iota3A, %add3A_170 : vector<16xi32>
      %and3A_172 = arith.constant 63 : i32
      %and3A_173 = vector.broadcast %and3A_172 : i32 to vector<16xi32>
      %and3A_174 = arith.andi %add3A_171, %and3A_173 : vector<16xi32>
      %gather3A_175 = tpu.vector_load_idx %arg7[%sub3A_70, %and3A_174] : memref<256x64xf32, #tpu.memory_space<vmem>>[vector<16xi32>, vector<16xi32>], vector<16xf32>,
      %gather3A_176 = tpu.vector_load_idx %arg6[%add3A_68, %and3A_174] : memref<512x64xf32, #tpu.memory_space<vmem>>[vector<16xi32>, vector<16xi32>], vector<16xf32>,
      %mul3A_177 = arith.mulf %gather3A_175, %gather3A_176 : vector<16xf32>
      %add3A_178 = arith.addf %add3A_122, %mul3A_177 : vector<16xf32>
      %mul3A_179 = arith.mulf %gather3A_175, %gather3A_175 : vector<16xf32>
      %add3A_180 = arith.addf %add3A_124, %mul3A_179 : vector<16xf32>
      %mul3A_181 = arith.mulf %gather3A_176, %gather3A_176 : vector<16xf32>
      %add3A_182 = arith.addf %add3A_126, %mul3A_181 : vector<16xf32>
      %add3A_183 = arith.constant 9 : i32
      %add3A_184 = vector.broadcast %add3A_183 : i32 to vector<16xi32>
      %add3A_185 = arith.addi %iota3A, %add3A_184 : vector<16xi32>
      %and3A_186 = arith.constant 63 : i32
      %and3A_187 = vector.broadcast %and3A_186 : i32 to vector<16xi32>
      %and3A_188 = arith.andi %add3A_185, %and3A_187 : vector<16xi32>
      %gather3A_189 = tpu.vector_load_idx %arg7[%sub3A_70, %and3A_188] : memref<256x64xf32, #tpu.memory_space<vmem>>[vector<16xi32>, vector<16xi32>], vector<16xf32>,
      %gather3A_190 = tpu.vector_load_idx %arg6[%add3A_68, %and3A_188] : memref<512x64xf32, #tpu.memory_space<vmem>>[vector<16xi32>, vector<16xi32>], vector<16xf32>,
      %mul3A_191 = arith.mulf %gather3A_189, %gather3A_190 : vector<16xf32>
      %add3A_192 = arith.addf %add3A_136, %mul3A_191 : vector<16xf32>
      %mul3A_193 = arith.mulf %gather3A_189, %gather3A_189 : vector<16xf32>
      %add3A_194 = arith.addf %add3A_138, %mul3A_193 : vector<16xf32>
      %mul3A_195 = arith.mulf %gather3A_190, %gather3A_190 : vector<16xf32>
      %add3A_196 = arith.addf %add3A_140, %mul3A_195 : vector<16xf32>
      %add3A_197 = arith.constant 10 : i32
      %add3A_198 = vector.broadcast %add3A_197 : i32 to vector<16xi32>
      %add3A_199 = arith.addi %iota3A, %add3A_198 : vector<16xi32>
      %and3A_200 = arith.constant 63 : i32
      %and3A_201 = vector.broadcast %and3A_200 : i32 to vector<16xi32>
      %and3A_202 = arith.andi %add3A_199, %and3A_201 : vector<16xi32>
      %gather3A_203 = tpu.vector_load_idx %arg7[%sub3A_70, %and3A_202] : memref<256x64xf32, #tpu.memory_space<vmem>>[vector<16xi32>, vector<16xi32>], vector<16xf32>,
      %gather3A_204 = tpu.vector_load_idx %arg6[%add3A_68, %and3A_202] : memref<512x64xf32, #tpu.memory_space<vmem>>[vector<16xi32>, vector<16xi32>], vector<16xf32>,
      %mul3A_205 = arith.mulf %gather3A_203, %gather3A_204 : vector<16xf32>
      %add3A_206 = arith.addf %add3A_150, %mul3A_205 : vector<16xf32>
      %mul3A_207 = arith.mulf %gather3A_203, %gather3A_203 : vector<16xf32>
      %add3A_208 = arith.addf %add3A_152, %mul3A_207 : vector<16xf32>
      %mul3A_209 = arith.mulf %gather3A_204, %gather3A_204 : vector<16xf32>
      %add3A_210 = arith.addf %add3A_154, %mul3A_209 : vector<16xf32>
      %add3A_211 = arith.constant 11 : i32
      %add3A_212 = vector.broadcast %add3A_211 : i32 to vector<16xi32>
      %add3A_213 = arith.addi %iota3A, %add3A_212 : vector<16xi32>
      %and3A_214 = arith.constant 63 : i32
      %and3A_215 = vector.broadcast %and3A_214 : i32 to vector<16xi32>
      %and3A_216 = arith.andi %add3A_213, %and3A_215 : vector<16xi32>
      %gather3A_217 = tpu.vector_load_idx %arg7[%sub3A_70, %and3A_216] : memref<256x64xf32, #tpu.memory_space<vmem>>[vector<16xi32>, vector<16xi32>], vector<16xf32>,
      %gather3A_218 = tpu.vector_load_idx %arg6[%add3A_68, %and3A_216] : memref<512x64xf32, #tpu.memory_space<vmem>>[vector<16xi32>, vector<16xi32>], vector<16xf32>,
      %mul3A_219 = arith.mulf %gather3A_217, %gather3A_218 : vector<16xf32>
      %add3A_220 = arith.addf %add3A_164, %mul3A_219 : vector<16xf32>
      %mul3A_221 = arith.mulf %gather3A_217, %gather3A_217 : vector<16xf32>
      %add3A_222 = arith.addf %add3A_166, %mul3A_221 : vector<16xf32>
      %mul3A_223 = arith.mulf %gather3A_218, %gather3A_218 : vector<16xf32>
      %add3A_224 = arith.addf %add3A_168, %mul3A_223 : vector<16xf32>
      %add3A_225 = arith.constant 12 : i32
      %add3A_226 = vector.broadcast %add3A_225 : i32 to vector<16xi32>
      %add3A_227 = arith.addi %iota3A, %add3A_226 : vector<16xi32>
      %and3A_228 = arith.constant 63 : i32
      %and3A_229 = vector.broadcast %and3A_228 : i32 to vector<16xi32>
      %and3A_230 = arith.andi %add3A_227, %and3A_229 : vector<16xi32>
      %gather3A_231 = tpu.vector_load_idx %arg7[%sub3A_70, %and3A_230] : memref<256x64xf32, #tpu.memory_space<vmem>>[vector<16xi32>, vector<16xi32>], vector<16xf32>,
      %gather3A_232 = tpu.vector_load_idx %arg6[%add3A_68, %and3A_230] : memref<512x64xf32, #tpu.memory_space<vmem>>[vector<16xi32>, vector<16xi32>], vector<16xf32>,
      %mul3A_233 = arith.mulf %gather3A_231, %gather3A_232 : vector<16xf32>
      %add3A_234 = arith.addf %add3A_178, %mul3A_233 : vector<16xf32>
      %mul3A_235 = arith.mulf %gather3A_231, %gather3A_231 : vector<16xf32>
      %add3A_236 = arith.addf %add3A_180, %mul3A_235 : vector<16xf32>
      %mul3A_237 = arith.mulf %gather3A_232, %gather3A_232 : vector<16xf32>
      %add3A_238 = arith.addf %add3A_182, %mul3A_237 : vector<16xf32>
      %add3A_239 = arith.constant 13 : i32
      %add3A_240 = vector.broadcast %add3A_239 : i32 to vector<16xi32>
      %add3A_241 = arith.addi %iota3A, %add3A_240 : vector<16xi32>
      %and3A_242 = arith.constant 63 : i32
      %and3A_243 = vector.broadcast %and3A_242 : i32 to vector<16xi32>
      %and3A_244 = arith.andi %add3A_241, %and3A_243 : vector<16xi32>
      %gather3A_245 = tpu.vector_load_idx %arg7[%sub3A_70, %and3A_244] : memref<256x64xf32, #tpu.memory_space<vmem>>[vector<16xi32>, vector<16xi32>], vector<16xf32>,
      %gather3A_246 = tpu.vector_load_idx %arg6[%add3A_68, %and3A_244] : memref<512x64xf32, #tpu.memory_space<vmem>>[vector<16xi32>, vector<16xi32>], vector<16xf32>,
      %mul3A_247 = arith.mulf %gather3A_245, %gather3A_246 : vector<16xf32>
      %add3A_248 = arith.addf %add3A_192, %mul3A_247 : vector<16xf32>
      %mul3A_249 = arith.mulf %gather3A_245, %gather3A_245 : vector<16xf32>
      %add3A_250 = arith.addf %add3A_194, %mul3A_249 : vector<16xf32>
      %mul3A_251 = arith.mulf %gather3A_246, %gather3A_246 : vector<16xf32>
      %add3A_252 = arith.addf %add3A_196, %mul3A_251 : vector<16xf32>
      %add3A_253 = arith.constant 14 : i32
      %add3A_254 = vector.broadcast %add3A_253 : i32 to vector<16xi32>
      %add3A_255 = arith.addi %iota3A, %add3A_254 : vector<16xi32>
      %and3A_256 = arith.constant 63 : i32
      %and3A_257 = vector.broadcast %and3A_256 : i32 to vector<16xi32>
      %and3A_258 = arith.andi %add3A_255, %and3A_257 : vector<16xi32>
      %gather3A_259 = tpu.vector_load_idx %arg7[%sub3A_70, %and3A_258] : memref<256x64xf32, #tpu.memory_space<vmem>>[vector<16xi32>, vector<16xi32>], vector<16xf32>,
      %gather3A_260 = tpu.vector_load_idx %arg6[%add3A_68, %and3A_258] : memref<512x64xf32, #tpu.memory_space<vmem>>[vector<16xi32>, vector<16xi32>], vector<16xf32>,
      %mul3A_261 = arith.mulf %gather3A_259, %gather3A_260 : vector<16xf32>
      %add3A_262 = arith.addf %add3A_206, %mul3A_261 : vector<16xf32>
      %mul3A_263 = arith.mulf %gather3A_259, %gather3A_259 : vector<16xf32>
      %add3A_264 = arith.addf %add3A_208, %mul3A_263 : vector<16xf32>
      %mul3A_265 = arith.mulf %gather3A_260, %gather3A_260 : vector<16xf32>
      %add3A_266 = arith.addf %add3A_210, %mul3A_265 : vector<16xf32>
      %add3A_267 = arith.constant 15 : i32
      %add3A_268 = vector.broadcast %add3A_267 : i32 to vector<16xi32>
      %add3A_269 = arith.addi %iota3A, %add3A_268 : vector<16xi32>
      %and3A_270 = arith.constant 63 : i32
      %and3A_271 = vector.broadcast %and3A_270 : i32 to vector<16xi32>
      %and3A_272 = arith.andi %add3A_269, %and3A_271 : vector<16xi32>
      %gather3A_273 = tpu.vector_load_idx %arg7[%sub3A_70, %and3A_272] : memref<256x64xf32, #tpu.memory_space<vmem>>[vector<16xi32>, vector<16xi32>], vector<16xf32>,
      %gather3A_274 = tpu.vector_load_idx %arg6[%add3A_68, %and3A_272] : memref<512x64xf32, #tpu.memory_space<vmem>>[vector<16xi32>, vector<16xi32>], vector<16xf32>,
      %mul3A_275 = arith.mulf %gather3A_273, %gather3A_274 : vector<16xf32>
      %add3A_276 = arith.addf %add3A_220, %mul3A_275 : vector<16xf32>
      %mul3A_277 = arith.mulf %gather3A_273, %gather3A_273 : vector<16xf32>
      %add3A_278 = arith.addf %add3A_222, %mul3A_277 : vector<16xf32>
      %mul3A_279 = arith.mulf %gather3A_274, %gather3A_274 : vector<16xf32>
      %add3A_280 = arith.addf %add3A_224, %mul3A_279 : vector<16xf32>
      %add3A_281 = arith.constant 16 : i32
      %add3A_282 = vector.broadcast %add3A_281 : i32 to vector<16xi32>
      %add3A_283 = arith.addi %iota3A, %add3A_282 : vector<16xi32>
      %and3A_284 = arith.constant 63 : i32
      %and3A_285 = vector.broadcast %and3A_284 : i32 to vector<16xi32>
      %and3A_286 = arith.andi %add3A_283, %and3A_285 : vector<16xi32>
      %gather3A_287 = tpu.vector_load_idx %arg7[%sub3A_70, %and3A_286] : memref<256x64xf32, #tpu.memory_space<vmem>>[vector<16xi32>, vector<16xi32>], vector<16xf32>,
      %gather3A_288 = tpu.vector_load_idx %arg6[%add3A_68, %and3A_286] : memref<512x64xf32, #tpu.memory_space<vmem>>[vector<16xi32>, vector<16xi32>], vector<16xf32>,
      %mul3A_289 = arith.mulf %gather3A_287, %gather3A_288 : vector<16xf32>
      %add3A_290 = arith.addf %add3A_234, %mul3A_289 : vector<16xf32>
      %mul3A_291 = arith.mulf %gather3A_287, %gather3A_287 : vector<16xf32>
      %add3A_292 = arith.addf %add3A_236, %mul3A_291 : vector<16xf32>
      %mul3A_293 = arith.mulf %gather3A_288, %gather3A_288 : vector<16xf32>
      %add3A_294 = arith.addf %add3A_238, %mul3A_293 : vector<16xf32>
      %add3A_295 = arith.constant 17 : i32
      %add3A_296 = vector.broadcast %add3A_295 : i32 to vector<16xi32>
      %add3A_297 = arith.addi %iota3A, %add3A_296 : vector<16xi32>
      %and3A_298 = arith.constant 63 : i32
      %and3A_299 = vector.broadcast %and3A_298 : i32 to vector<16xi32>
      %and3A_300 = arith.andi %add3A_297, %and3A_299 : vector<16xi32>
      %gather3A_301 = tpu.vector_load_idx %arg7[%sub3A_70, %and3A_300] : memref<256x64xf32, #tpu.memory_space<vmem>>[vector<16xi32>, vector<16xi32>], vector<16xf32>,
      %gather3A_302 = tpu.vector_load_idx %arg6[%add3A_68, %and3A_300] : memref<512x64xf32, #tpu.memory_space<vmem>>[vector<16xi32>, vector<16xi32>], vector<16xf32>,
      %mul3A_303 = arith.mulf %gather3A_301, %gather3A_302 : vector<16xf32>
      %add3A_304 = arith.addf %add3A_248, %mul3A_303 : vector<16xf32>
      %mul3A_305 = arith.mulf %gather3A_301, %gather3A_301 : vector<16xf32>
      %add3A_306 = arith.addf %add3A_250, %mul3A_305 : vector<16xf32>
      %mul3A_307 = arith.mulf %gather3A_302, %gather3A_302 : vector<16xf32>
      %add3A_308 = arith.addf %add3A_252, %mul3A_307 : vector<16xf32>
      %add3A_309 = arith.constant 18 : i32
      %add3A_310 = vector.broadcast %add3A_309 : i32 to vector<16xi32>
      %add3A_311 = arith.addi %iota3A, %add3A_310 : vector<16xi32>
      %and3A_312 = arith.constant 63 : i32
      %and3A_313 = vector.broadcast %and3A_312 : i32 to vector<16xi32>
      %and3A_314 = arith.andi %add3A_311, %and3A_313 : vector<16xi32>
      %gather3A_315 = tpu.vector_load_idx %arg7[%sub3A_70, %and3A_314] : memref<256x64xf32, #tpu.memory_space<vmem>>[vector<16xi32>, vector<16xi32>], vector<16xf32>,
      %gather3A_316 = tpu.vector_load_idx %arg6[%add3A_68, %and3A_314] : memref<512x64xf32, #tpu.memory_space<vmem>>[vector<16xi32>, vector<16xi32>], vector<16xf32>,
      %mul3A_317 = arith.mulf %gather3A_315, %gather3A_316 : vector<16xf32>
      %add3A_318 = arith.addf %add3A_262, %mul3A_317 : vector<16xf32>
      %mul3A_319 = arith.mulf %gather3A_315, %gather3A_315 : vector<16xf32>
      %add3A_320 = arith.addf %add3A_264, %mul3A_319 : vector<16xf32>
      %mul3A_321 = arith.mulf %gather3A_316, %gather3A_316 : vector<16xf32>
      %add3A_322 = arith.addf %add3A_266, %mul3A_321 : vector<16xf32>
      %add3A_323 = arith.constant 19 : i32
      %add3A_324 = vector.broadcast %add3A_323 : i32 to vector<16xi32>
      %add3A_325 = arith.addi %iota3A, %add3A_324 : vector<16xi32>
      %and3A_326 = arith.constant 63 : i32
      %and3A_327 = vector.broadcast %and3A_326 : i32 to vector<16xi32>
      %and3A_328 = arith.andi %add3A_325, %and3A_327 : vector<16xi32>
      %gather3A_329 = tpu.vector_load_idx %arg7[%sub3A_70, %and3A_328] : memref<256x64xf32, #tpu.memory_space<vmem>>[vector<16xi32>, vector<16xi32>], vector<16xf32>,
      %gather3A_330 = tpu.vector_load_idx %arg6[%add3A_68, %and3A_328] : memref<512x64xf32, #tpu.memory_space<vmem>>[vector<16xi32>, vector<16xi32>], vector<16xf32>,
      %mul3A_331 = arith.mulf %gather3A_329, %gather3A_330 : vector<16xf32>
      %add3A_332 = arith.addf %add3A_276, %mul3A_331 : vector<16xf32>
      %mul3A_333 = arith.mulf %gather3A_329, %gather3A_329 : vector<16xf32>
      %add3A_334 = arith.addf %add3A_278, %mul3A_333 : vector<16xf32>
      %mul3A_335 = arith.mulf %gather3A_330, %gather3A_330 : vector<16xf32>
      %add3A_336 = arith.addf %add3A_280, %mul3A_335 : vector<16xf32>
      %add3A_337 = arith.constant 20 : i32
      %add3A_338 = vector.broadcast %add3A_337 : i32 to vector<16xi32>
      %add3A_339 = arith.addi %iota3A, %add3A_338 : vector<16xi32>
      %and3A_340 = arith.constant 63 : i32
      %and3A_341 = vector.broadcast %and3A_340 : i32 to vector<16xi32>
      %and3A_342 = arith.andi %add3A_339, %and3A_341 : vector<16xi32>
      %gather3A_343 = tpu.vector_load_idx %arg7[%sub3A_70, %and3A_342] : memref<256x64xf32, #tpu.memory_space<vmem>>[vector<16xi32>, vector<16xi32>], vector<16xf32>,
      %gather3A_344 = tpu.vector_load_idx %arg6[%add3A_68, %and3A_342] : memref<512x64xf32, #tpu.memory_space<vmem>>[vector<16xi32>, vector<16xi32>], vector<16xf32>,
      %mul3A_345 = arith.mulf %gather3A_343, %gather3A_344 : vector<16xf32>
      %add3A_346 = arith.addf %add3A_290, %mul3A_345 : vector<16xf32>
      %mul3A_347 = arith.mulf %gather3A_343, %gather3A_343 : vector<16xf32>
      %add3A_348 = arith.addf %add3A_292, %mul3A_347 : vector<16xf32>
      %mul3A_349 = arith.mulf %gather3A_344, %gather3A_344 : vector<16xf32>
      %add3A_350 = arith.addf %add3A_294, %mul3A_349 : vector<16xf32>
      %add3A_351 = arith.constant 21 : i32
      %add3A_352 = vector.broadcast %add3A_351 : i32 to vector<16xi32>
      %add3A_353 = arith.addi %iota3A, %add3A_352 : vector<16xi32>
      %and3A_354 = arith.constant 63 : i32
      %and3A_355 = vector.broadcast %and3A_354 : i32 to vector<16xi32>
      %and3A_356 = arith.andi %add3A_353, %and3A_355 : vector<16xi32>
      %gather3A_357 = tpu.vector_load_idx %arg7[%sub3A_70, %and3A_356] : memref<256x64xf32, #tpu.memory_space<vmem>>[vector<16xi32>, vector<16xi32>], vector<16xf32>,
      %gather3A_358 = tpu.vector_load_idx %arg6[%add3A_68, %and3A_356] : memref<512x64xf32, #tpu.memory_space<vmem>>[vector<16xi32>, vector<16xi32>], vector<16xf32>,
      %mul3A_359 = arith.mulf %gather3A_357, %gather3A_358 : vector<16xf32>
      %add3A_360 = arith.addf %add3A_304, %mul3A_359 : vector<16xf32>
      %mul3A_361 = arith.mulf %gather3A_357, %gather3A_357 : vector<16xf32>
      %add3A_362 = arith.addf %add3A_306, %mul3A_361 : vector<16xf32>
      %mul3A_363 = arith.mulf %gather3A_358, %gather3A_358 : vector<16xf32>
      %add3A_364 = arith.addf %add3A_308, %mul3A_363 : vector<16xf32>
      %add3A_365 = arith.constant 22 : i32
      %add3A_366 = vector.broadcast %add3A_365 : i32 to vector<16xi32>
      %add3A_367 = arith.addi %iota3A, %add3A_366 : vector<16xi32>
      %and3A_368 = arith.constant 63 : i32
      %and3A_369 = vector.broadcast %and3A_368 : i32 to vector<16xi32>
      %and3A_370 = arith.andi %add3A_367, %and3A_369 : vector<16xi32>
      %gather3A_371 = tpu.vector_load_idx %arg7[%sub3A_70, %and3A_370] : memref<256x64xf32, #tpu.memory_space<vmem>>[vector<16xi32>, vector<16xi32>], vector<16xf32>,
      %gather3A_372 = tpu.vector_load_idx %arg6[%add3A_68, %and3A_370] : memref<512x64xf32, #tpu.memory_space<vmem>>[vector<16xi32>, vector<16xi32>], vector<16xf32>,
      %mul3A_373 = arith.mulf %gather3A_371, %gather3A_372 : vector<16xf32>
      %add3A_374 = arith.addf %add3A_318, %mul3A_373 : vector<16xf32>
      %mul3A_375 = arith.mulf %gather3A_371, %gather3A_371 : vector<16xf32>
      %add3A_376 = arith.addf %add3A_320, %mul3A_375 : vector<16xf32>
      %mul3A_377 = arith.mulf %gather3A_372, %gather3A_372 : vector<16xf32>
      %add3A_378 = arith.addf %add3A_322, %mul3A_377 : vector<16xf32>
      %add3A_379 = arith.constant 23 : i32
      %add3A_380 = vector.broadcast %add3A_379 : i32 to vector<16xi32>
      %add3A_381 = arith.addi %iota3A, %add3A_380 : vector<16xi32>
      %and3A_382 = arith.constant 63 : i32
      %and3A_383 = vector.broadcast %and3A_382 : i32 to vector<16xi32>
      %and3A_384 = arith.andi %add3A_381, %and3A_383 : vector<16xi32>
      %gather3A_385 = tpu.vector_load_idx %arg7[%sub3A_70, %and3A_384] : memref<256x64xf32, #tpu.memory_space<vmem>>[vector<16xi32>, vector<16xi32>], vector<16xf32>,
      %gather3A_386 = tpu.vector_load_idx %arg6[%add3A_68, %and3A_384] : memref<512x64xf32, #tpu.memory_space<vmem>>[vector<16xi32>, vector<16xi32>], vector<16xf32>,
      %mul3A_387 = arith.mulf %gather3A_385, %gather3A_386 : vector<16xf32>
      %add3A_388 = arith.addf %add3A_332, %mul3A_387 : vector<16xf32>
      %mul3A_389 = arith.mulf %gather3A_385, %gather3A_385 : vector<16xf32>
      %add3A_390 = arith.addf %add3A_334, %mul3A_389 : vector<16xf32>
      %mul3A_391 = arith.mulf %gather3A_386, %gather3A_386 : vector<16xf32>
      %add3A_392 = arith.addf %add3A_336, %mul3A_391 : vector<16xf32>
      %add3A_393 = arith.constant 24 : i32
      %add3A_394 = vector.broadcast %add3A_393 : i32 to vector<16xi32>
      %add3A_395 = arith.addi %iota3A, %add3A_394 : vector<16xi32>
      %and3A_396 = arith.constant 63 : i32
      %and3A_397 = vector.broadcast %and3A_396 : i32 to vector<16xi32>
      %and3A_398 = arith.andi %add3A_395, %and3A_397 : vector<16xi32>
      %gather3A_399 = tpu.vector_load_idx %arg7[%sub3A_70, %and3A_398] : memref<256x64xf32, #tpu.memory_space<vmem>>[vector<16xi32>, vector<16xi32>], vector<16xf32>,
      %gather3A_400 = tpu.vector_load_idx %arg6[%add3A_68, %and3A_398] : memref<512x64xf32, #tpu.memory_space<vmem>>[vector<16xi32>, vector<16xi32>], vector<16xf32>,
      %mul3A_401 = arith.mulf %gather3A_399, %gather3A_400 : vector<16xf32>
      %add3A_402 = arith.addf %add3A_346, %mul3A_401 : vector<16xf32>
      %mul3A_403 = arith.mulf %gather3A_399, %gather3A_399 : vector<16xf32>
      %add3A_404 = arith.addf %add3A_348, %mul3A_403 : vector<16xf32>
      %mul3A_405 = arith.mulf %gather3A_400, %gather3A_400 : vector<16xf32>
      %add3A_406 = arith.addf %add3A_350, %mul3A_405 : vector<16xf32>
      %add3A_407 = arith.constant 25 : i32
      %add3A_408 = vector.broadcast %add3A_407 : i32 to vector<16xi32>
      %add3A_409 = arith.addi %iota3A, %add3A_408 : vector<16xi32>
      %and3A_410 = arith.constant 63 : i32
      %and3A_411 = vector.broadcast %and3A_410 : i32 to vector<16xi32>
      %and3A_412 = arith.andi %add3A_409, %and3A_411 : vector<16xi32>
      %gather3A_413 = tpu.vector_load_idx %arg7[%sub3A_70, %and3A_412] : memref<256x64xf32, #tpu.memory_space<vmem>>[vector<16xi32>, vector<16xi32>], vector<16xf32>,
      %gather3A_414 = tpu.vector_load_idx %arg6[%add3A_68, %and3A_412] : memref<512x64xf32, #tpu.memory_space<vmem>>[vector<16xi32>, vector<16xi32>], vector<16xf32>,
      %mul3A_415 = arith.mulf %gather3A_413, %gather3A_414 : vector<16xf32>
      %add3A_416 = arith.addf %add3A_360, %mul3A_415 : vector<16xf32>
      %mul3A_417 = arith.mulf %gather3A_413, %gather3A_413 : vector<16xf32>
      %add3A_418 = arith.addf %add3A_362, %mul3A_417 : vector<16xf32>
      %mul3A_419 = arith.mulf %gather3A_414, %gather3A_414 : vector<16xf32>
      %add3A_420 = arith.addf %add3A_364, %mul3A_419 : vector<16xf32>
      %add3A_421 = arith.constant 26 : i32
      %add3A_422 = vector.broadcast %add3A_421 : i32 to vector<16xi32>
      %add3A_423 = arith.addi %iota3A, %add3A_422 : vector<16xi32>
      %and3A_424 = arith.constant 63 : i32
      %and3A_425 = vector.broadcast %and3A_424 : i32 to vector<16xi32>
      %and3A_426 = arith.andi %add3A_423, %and3A_425 : vector<16xi32>
      %gather3A_427 = tpu.vector_load_idx %arg7[%sub3A_70, %and3A_426] : memref<256x64xf32, #tpu.memory_space<vmem>>[vector<16xi32>, vector<16xi32>], vector<16xf32>,
      %gather3A_428 = tpu.vector_load_idx %arg6[%add3A_68, %and3A_426] : memref<512x64xf32, #tpu.memory_space<vmem>>[vector<16xi32>, vector<16xi32>], vector<16xf32>,
      %mul3A_429 = arith.mulf %gather3A_427, %gather3A_428 : vector<16xf32>
      %add3A_430 = arith.addf %add3A_374, %mul3A_429 : vector<16xf32>
      %mul3A_431 = arith.mulf %gather3A_427, %gather3A_427 : vector<16xf32>
      %add3A_432 = arith.addf %add3A_376, %mul3A_431 : vector<16xf32>
      %mul3A_433 = arith.mulf %gather3A_428, %gather3A_428 : vector<16xf32>
      %add3A_434 = arith.addf %add3A_378, %mul3A_433 : vector<16xf32>
      %add3A_435 = arith.constant 27 : i32
      %add3A_436 = vector.broadcast %add3A_435 : i32 to vector<16xi32>
      %add3A_437 = arith.addi %iota3A, %add3A_436 : vector<16xi32>
      %and3A_438 = arith.constant 63 : i32
      %and3A_439 = vector.broadcast %and3A_438 : i32 to vector<16xi32>
      %and3A_440 = arith.andi %add3A_437, %and3A_439 : vector<16xi32>
      %gather3A_441 = tpu.vector_load_idx %arg7[%sub3A_70, %and3A_440] : memref<256x64xf32, #tpu.memory_space<vmem>>[vector<16xi32>, vector<16xi32>], vector<16xf32>,
      %gather3A_442 = tpu.vector_load_idx %arg6[%add3A_68, %and3A_440] : memref<512x64xf32, #tpu.memory_space<vmem>>[vector<16xi32>, vector<16xi32>], vector<16xf32>,
      %mul3A_443 = arith.mulf %gather3A_441, %gather3A_442 : vector<16xf32>
      %add3A_444 = arith.addf %add3A_388, %mul3A_443 : vector<16xf32>
      %mul3A_445 = arith.mulf %gather3A_441, %gather3A_441 : vector<16xf32>
      %add3A_446 = arith.addf %add3A_390, %mul3A_445 : vector<16xf32>
      %mul3A_447 = arith.mulf %gather3A_442, %gather3A_442 : vector<16xf32>
      %add3A_448 = arith.addf %add3A_392, %mul3A_447 : vector<16xf32>
      %add3A_449 = arith.constant 28 : i32
      %add3A_450 = vector.broadcast %add3A_449 : i32 to vector<16xi32>
      %add3A_451 = arith.addi %iota3A, %add3A_450 : vector<16xi32>
      %and3A_452 = arith.constant 63 : i32
      %and3A_453 = vector.broadcast %and3A_452 : i32 to vector<16xi32>
      %and3A_454 = arith.andi %add3A_451, %and3A_453 : vector<16xi32>
      %gather3A_455 = tpu.vector_load_idx %arg7[%sub3A_70, %and3A_454] : memref<256x64xf32, #tpu.memory_space<vmem>>[vector<16xi32>, vector<16xi32>], vector<16xf32>,
      %gather3A_456 = tpu.vector_load_idx %arg6[%add3A_68, %and3A_454] : memref<512x64xf32, #tpu.memory_space<vmem>>[vector<16xi32>, vector<16xi32>], vector<16xf32>,
      %mul3A_457 = arith.mulf %gather3A_455, %gather3A_456 : vector<16xf32>
      %add3A_458 = arith.addf %add3A_402, %mul3A_457 : vector<16xf32>
      %mul3A_459 = arith.mulf %gather3A_455, %gather3A_455 : vector<16xf32>
      %add3A_460 = arith.addf %add3A_404, %mul3A_459 : vector<16xf32>
      %mul3A_461 = arith.mulf %gather3A_456, %gather3A_456 : vector<16xf32>
      %add3A_462 = arith.addf %add3A_406, %mul3A_461 : vector<16xf32>
      %add3A_463 = arith.constant 29 : i32
      %add3A_464 = vector.broadcast %add3A_463 : i32 to vector<16xi32>
      %add3A_465 = arith.addi %iota3A, %add3A_464 : vector<16xi32>
      %and3A_466 = arith.constant 63 : i32
      %and3A_467 = vector.broadcast %and3A_466 : i32 to vector<16xi32>
      %and3A_468 = arith.andi %add3A_465, %and3A_467 : vector<16xi32>
      %gather3A_469 = tpu.vector_load_idx %arg7[%sub3A_70, %and3A_468] : memref<256x64xf32, #tpu.memory_space<vmem>>[vector<16xi32>, vector<16xi32>], vector<16xf32>,
      %gather3A_470 = tpu.vector_load_idx %arg6[%add3A_68, %and3A_468] : memref<512x64xf32, #tpu.memory_space<vmem>>[vector<16xi32>, vector<16xi32>], vector<16xf32>,
      %mul3A_471 = arith.mulf %gather3A_469, %gather3A_470 : vector<16xf32>
      %add3A_472 = arith.addf %add3A_416, %mul3A_471 : vector<16xf32>
      %mul3A_473 = arith.mulf %gather3A_469, %gather3A_469 : vector<16xf32>
      %add3A_474 = arith.addf %add3A_418, %mul3A_473 : vector<16xf32>
      %mul3A_475 = arith.mulf %gather3A_470, %gather3A_470 : vector<16xf32>
      %add3A_476 = arith.addf %add3A_420, %mul3A_475 : vector<16xf32>
      %add3A_477 = arith.constant 30 : i32
      %add3A_478 = vector.broadcast %add3A_477 : i32 to vector<16xi32>
      %add3A_479 = arith.addi %iota3A, %add3A_478 : vector<16xi32>
      %and3A_480 = arith.constant 63 : i32
      %and3A_481 = vector.broadcast %and3A_480 : i32 to vector<16xi32>
      %and3A_482 = arith.andi %add3A_479, %and3A_481 : vector<16xi32>
      %gather3A_483 = tpu.vector_load_idx %arg7[%sub3A_70, %and3A_482] : memref<256x64xf32, #tpu.memory_space<vmem>>[vector<16xi32>, vector<16xi32>], vector<16xf32>,
      %gather3A_484 = tpu.vector_load_idx %arg6[%add3A_68, %and3A_482] : memref<512x64xf32, #tpu.memory_space<vmem>>[vector<16xi32>, vector<16xi32>], vector<16xf32>,
      %mul3A_485 = arith.mulf %gather3A_483, %gather3A_484 : vector<16xf32>
      %add3A_486 = arith.addf %add3A_430, %mul3A_485 : vector<16xf32>
      %mul3A_487 = arith.mulf %gather3A_483, %gather3A_483 : vector<16xf32>
      %add3A_488 = arith.addf %add3A_432, %mul3A_487 : vector<16xf32>
      %mul3A_489 = arith.mulf %gather3A_484, %gather3A_484 : vector<16xf32>
      %add3A_490 = arith.addf %add3A_434, %mul3A_489 : vector<16xf32>
      %add3A_491 = arith.constant 31 : i32
      %add3A_492 = vector.broadcast %add3A_491 : i32 to vector<16xi32>
      %add3A_493 = arith.addi %iota3A, %add3A_492 : vector<16xi32>
      %and3A_494 = arith.constant 63 : i32
      %and3A_495 = vector.broadcast %and3A_494 : i32 to vector<16xi32>
      %and3A_496 = arith.andi %add3A_493, %and3A_495 : vector<16xi32>
      %gather3A_497 = tpu.vector_load_idx %arg7[%sub3A_70, %and3A_496] : memref<256x64xf32, #tpu.memory_space<vmem>>[vector<16xi32>, vector<16xi32>], vector<16xf32>,
      %gather3A_498 = tpu.vector_load_idx %arg6[%add3A_68, %and3A_496] : memref<512x64xf32, #tpu.memory_space<vmem>>[vector<16xi32>, vector<16xi32>], vector<16xf32>,
      %mul3A_499 = arith.mulf %gather3A_497, %gather3A_498 : vector<16xf32>
      %add3A_500 = arith.addf %add3A_444, %mul3A_499 : vector<16xf32>
      %mul3A_501 = arith.mulf %gather3A_497, %gather3A_497 : vector<16xf32>
      %add3A_502 = arith.addf %add3A_446, %mul3A_501 : vector<16xf32>
      %mul3A_503 = arith.mulf %gather3A_498, %gather3A_498 : vector<16xf32>
      %add3A_504 = arith.addf %add3A_448, %mul3A_503 : vector<16xf32>
      %add3A_505 = arith.constant 32 : i32
      %add3A_506 = vector.broadcast %add3A_505 : i32 to vector<16xi32>
      %add3A_507 = arith.addi %iota3A, %add3A_506 : vector<16xi32>
      %and3A_508 = arith.constant 63 : i32
      %and3A_509 = vector.broadcast %and3A_508 : i32 to vector<16xi32>
      %and3A_510 = arith.andi %add3A_507, %and3A_509 : vector<16xi32>
      %gather3A_511 = tpu.vector_load_idx %arg7[%sub3A_70, %and3A_510] : memref<256x64xf32, #tpu.memory_space<vmem>>[vector<16xi32>, vector<16xi32>], vector<16xf32>,
      %gather3A_512 = tpu.vector_load_idx %arg6[%add3A_68, %and3A_510] : memref<512x64xf32, #tpu.memory_space<vmem>>[vector<16xi32>, vector<16xi32>], vector<16xf32>,
      %mul3A_513 = arith.mulf %gather3A_511, %gather3A_512 : vector<16xf32>
      %add3A_514 = arith.addf %add3A_458, %mul3A_513 : vector<16xf32>
      %mul3A_515 = arith.mulf %gather3A_511, %gather3A_511 : vector<16xf32>
      %add3A_516 = arith.addf %add3A_460, %mul3A_515 : vector<16xf32>
      %mul3A_517 = arith.mulf %gather3A_512, %gather3A_512 : vector<16xf32>
      %add3A_518 = arith.addf %add3A_462, %mul3A_517 : vector<16xf32>
      %add3A_519 = arith.constant 33 : i32
      %add3A_520 = vector.broadcast %add3A_519 : i32 to vector<16xi32>
      %add3A_521 = arith.addi %iota3A, %add3A_520 : vector<16xi32>
      %and3A_522 = arith.constant 63 : i32
      %and3A_523 = vector.broadcast %and3A_522 : i32 to vector<16xi32>
      %and3A_524 = arith.andi %add3A_521, %and3A_523 : vector<16xi32>
      %gather3A_525 = tpu.vector_load_idx %arg7[%sub3A_70, %and3A_524] : memref<256x64xf32, #tpu.memory_space<vmem>>[vector<16xi32>, vector<16xi32>], vector<16xf32>,
      %gather3A_526 = tpu.vector_load_idx %arg6[%add3A_68, %and3A_524] : memref<512x64xf32, #tpu.memory_space<vmem>>[vector<16xi32>, vector<16xi32>], vector<16xf32>,
      %mul3A_527 = arith.mulf %gather3A_525, %gather3A_526 : vector<16xf32>
      %add3A_528 = arith.addf %add3A_472, %mul3A_527 : vector<16xf32>
      %mul3A_529 = arith.mulf %gather3A_525, %gather3A_525 : vector<16xf32>
      %add3A_530 = arith.addf %add3A_474, %mul3A_529 : vector<16xf32>
      %mul3A_531 = arith.mulf %gather3A_526, %gather3A_526 : vector<16xf32>
      %add3A_532 = arith.addf %add3A_476, %mul3A_531 : vector<16xf32>
      %add3A_533 = arith.constant 34 : i32
      %add3A_534 = vector.broadcast %add3A_533 : i32 to vector<16xi32>
      %add3A_535 = arith.addi %iota3A, %add3A_534 : vector<16xi32>
      %and3A_536 = arith.constant 63 : i32
      %and3A_537 = vector.broadcast %and3A_536 : i32 to vector<16xi32>
      %and3A_538 = arith.andi %add3A_535, %and3A_537 : vector<16xi32>
      %gather3A_539 = tpu.vector_load_idx %arg7[%sub3A_70, %and3A_538] : memref<256x64xf32, #tpu.memory_space<vmem>>[vector<16xi32>, vector<16xi32>], vector<16xf32>,
      %gather3A_540 = tpu.vector_load_idx %arg6[%add3A_68, %and3A_538] : memref<512x64xf32, #tpu.memory_space<vmem>>[vector<16xi32>, vector<16xi32>], vector<16xf32>,
      %mul3A_541 = arith.mulf %gather3A_539, %gather3A_540 : vector<16xf32>
      %add3A_542 = arith.addf %add3A_486, %mul3A_541 : vector<16xf32>
      %mul3A_543 = arith.mulf %gather3A_539, %gather3A_539 : vector<16xf32>
      %add3A_544 = arith.addf %add3A_488, %mul3A_543 : vector<16xf32>
      %mul3A_545 = arith.mulf %gather3A_540, %gather3A_540 : vector<16xf32>
      %add3A_546 = arith.addf %add3A_490, %mul3A_545 : vector<16xf32>
      %add3A_547 = arith.constant 35 : i32
      %add3A_548 = vector.broadcast %add3A_547 : i32 to vector<16xi32>
      %add3A_549 = arith.addi %iota3A, %add3A_548 : vector<16xi32>
      %and3A_550 = arith.constant 63 : i32
      %and3A_551 = vector.broadcast %and3A_550 : i32 to vector<16xi32>
      %and3A_552 = arith.andi %add3A_549, %and3A_551 : vector<16xi32>
      %gather3A_553 = tpu.vector_load_idx %arg7[%sub3A_70, %and3A_552] : memref<256x64xf32, #tpu.memory_space<vmem>>[vector<16xi32>, vector<16xi32>], vector<16xf32>,
      %gather3A_554 = tpu.vector_load_idx %arg6[%add3A_68, %and3A_552] : memref<512x64xf32, #tpu.memory_space<vmem>>[vector<16xi32>, vector<16xi32>], vector<16xf32>,
      %mul3A_555 = arith.mulf %gather3A_553, %gather3A_554 : vector<16xf32>
      %add3A_556 = arith.addf %add3A_500, %mul3A_555 : vector<16xf32>
      %mul3A_557 = arith.mulf %gather3A_553, %gather3A_553 : vector<16xf32>
      %add3A_558 = arith.addf %add3A_502, %mul3A_557 : vector<16xf32>
      %mul3A_559 = arith.mulf %gather3A_554, %gather3A_554 : vector<16xf32>
      %add3A_560 = arith.addf %add3A_504, %mul3A_559 : vector<16xf32>
      %add3A_561 = arith.constant 36 : i32
      %add3A_562 = vector.broadcast %add3A_561 : i32 to vector<16xi32>
      %add3A_563 = arith.addi %iota3A, %add3A_562 : vector<16xi32>
      %and3A_564 = arith.constant 63 : i32
      %and3A_565 = vector.broadcast %and3A_564 : i32 to vector<16xi32>
      %and3A_566 = arith.andi %add3A_563, %and3A_565 : vector<16xi32>
      %gather3A_567 = tpu.vector_load_idx %arg7[%sub3A_70, %and3A_566] : memref<256x64xf32, #tpu.memory_space<vmem>>[vector<16xi32>, vector<16xi32>], vector<16xf32>,
      %gather3A_568 = tpu.vector_load_idx %arg6[%add3A_68, %and3A_566] : memref<512x64xf32, #tpu.memory_space<vmem>>[vector<16xi32>, vector<16xi32>], vector<16xf32>,
      %mul3A_569 = arith.mulf %gather3A_567, %gather3A_568 : vector<16xf32>
      %add3A_570 = arith.addf %add3A_514, %mul3A_569 : vector<16xf32>
      %mul3A_571 = arith.mulf %gather3A_567, %gather3A_567 : vector<16xf32>
      %add3A_572 = arith.addf %add3A_516, %mul3A_571 : vector<16xf32>
      %mul3A_573 = arith.mulf %gather3A_568, %gather3A_568 : vector<16xf32>
      %add3A_574 = arith.addf %add3A_518, %mul3A_573 : vector<16xf32>
      %add3A_575 = arith.constant 37 : i32
      %add3A_576 = vector.broadcast %add3A_575 : i32 to vector<16xi32>
      %add3A_577 = arith.addi %iota3A, %add3A_576 : vector<16xi32>
      %and3A_578 = arith.constant 63 : i32
      %and3A_579 = vector.broadcast %and3A_578 : i32 to vector<16xi32>
      %and3A_580 = arith.andi %add3A_577, %and3A_579 : vector<16xi32>
      %gather3A_581 = tpu.vector_load_idx %arg7[%sub3A_70, %and3A_580] : memref<256x64xf32, #tpu.memory_space<vmem>>[vector<16xi32>, vector<16xi32>], vector<16xf32>,
      %gather3A_582 = tpu.vector_load_idx %arg6[%add3A_68, %and3A_580] : memref<512x64xf32, #tpu.memory_space<vmem>>[vector<16xi32>, vector<16xi32>], vector<16xf32>,
      %mul3A_583 = arith.mulf %gather3A_581, %gather3A_582 : vector<16xf32>
      %add3A_584 = arith.addf %add3A_528, %mul3A_583 : vector<16xf32>
      %mul3A_585 = arith.mulf %gather3A_581, %gather3A_581 : vector<16xf32>
      %add3A_586 = arith.addf %add3A_530, %mul3A_585 : vector<16xf32>
      %mul3A_587 = arith.mulf %gather3A_582, %gather3A_582 : vector<16xf32>
      %add3A_588 = arith.addf %add3A_532, %mul3A_587 : vector<16xf32>
      %add3A_589 = arith.constant 38 : i32
      %add3A_590 = vector.broadcast %add3A_589 : i32 to vector<16xi32>
      %add3A_591 = arith.addi %iota3A, %add3A_590 : vector<16xi32>
      %and3A_592 = arith.constant 63 : i32
      %and3A_593 = vector.broadcast %and3A_592 : i32 to vector<16xi32>
      %and3A_594 = arith.andi %add3A_591, %and3A_593 : vector<16xi32>
      %gather3A_595 = tpu.vector_load_idx %arg7[%sub3A_70, %and3A_594] : memref<256x64xf32, #tpu.memory_space<vmem>>[vector<16xi32>, vector<16xi32>], vector<16xf32>,
      %gather3A_596 = tpu.vector_load_idx %arg6[%add3A_68, %and3A_594] : memref<512x64xf32, #tpu.memory_space<vmem>>[vector<16xi32>, vector<16xi32>], vector<16xf32>,
      %mul3A_597 = arith.mulf %gather3A_595, %gather3A_596 : vector<16xf32>
      %add3A_598 = arith.addf %add3A_542, %mul3A_597 : vector<16xf32>
      %mul3A_599 = arith.mulf %gather3A_595, %gather3A_595 : vector<16xf32>
      %add3A_600 = arith.addf %add3A_544, %mul3A_599 : vector<16xf32>
      %mul3A_601 = arith.mulf %gather3A_596, %gather3A_596 : vector<16xf32>
      %add3A_602 = arith.addf %add3A_546, %mul3A_601 : vector<16xf32>
      %add3A_603 = arith.constant 39 : i32
      %add3A_604 = vector.broadcast %add3A_603 : i32 to vector<16xi32>
      %add3A_605 = arith.addi %iota3A, %add3A_604 : vector<16xi32>
      %and3A_606 = arith.constant 63 : i32
      %and3A_607 = vector.broadcast %and3A_606 : i32 to vector<16xi32>
      %and3A_608 = arith.andi %add3A_605, %and3A_607 : vector<16xi32>
      %gather3A_609 = tpu.vector_load_idx %arg7[%sub3A_70, %and3A_608] : memref<256x64xf32, #tpu.memory_space<vmem>>[vector<16xi32>, vector<16xi32>], vector<16xf32>,
      %gather3A_610 = tpu.vector_load_idx %arg6[%add3A_68, %and3A_608] : memref<512x64xf32, #tpu.memory_space<vmem>>[vector<16xi32>, vector<16xi32>], vector<16xf32>,
      %mul3A_611 = arith.mulf %gather3A_609, %gather3A_610 : vector<16xf32>
      %add3A_612 = arith.addf %add3A_556, %mul3A_611 : vector<16xf32>
      %mul3A_613 = arith.mulf %gather3A_609, %gather3A_609 : vector<16xf32>
      %add3A_614 = arith.addf %add3A_558, %mul3A_613 : vector<16xf32>
      %mul3A_615 = arith.mulf %gather3A_610, %gather3A_610 : vector<16xf32>
      %add3A_616 = arith.addf %add3A_560, %mul3A_615 : vector<16xf32>
      %add3A_617 = arith.constant 40 : i32
      %add3A_618 = vector.broadcast %add3A_617 : i32 to vector<16xi32>
      %add3A_619 = arith.addi %iota3A, %add3A_618 : vector<16xi32>
      %and3A_620 = arith.constant 63 : i32
      %and3A_621 = vector.broadcast %and3A_620 : i32 to vector<16xi32>
      %and3A_622 = arith.andi %add3A_619, %and3A_621 : vector<16xi32>
      %gather3A_623 = tpu.vector_load_idx %arg7[%sub3A_70, %and3A_622] : memref<256x64xf32, #tpu.memory_space<vmem>>[vector<16xi32>, vector<16xi32>], vector<16xf32>,
      %gather3A_624 = tpu.vector_load_idx %arg6[%add3A_68, %and3A_622] : memref<512x64xf32, #tpu.memory_space<vmem>>[vector<16xi32>, vector<16xi32>], vector<16xf32>,
      %mul3A_625 = arith.mulf %gather3A_623, %gather3A_624 : vector<16xf32>
      %add3A_626 = arith.addf %add3A_570, %mul3A_625 : vector<16xf32>
      %mul3A_627 = arith.mulf %gather3A_623, %gather3A_623 : vector<16xf32>
      %add3A_628 = arith.addf %add3A_572, %mul3A_627 : vector<16xf32>
      %mul3A_629 = arith.mulf %gather3A_624, %gather3A_624 : vector<16xf32>
      %add3A_630 = arith.addf %add3A_574, %mul3A_629 : vector<16xf32>
      %add3A_631 = arith.constant 41 : i32
      %add3A_632 = vector.broadcast %add3A_631 : i32 to vector<16xi32>
      %add3A_633 = arith.addi %iota3A, %add3A_632 : vector<16xi32>
      %and3A_634 = arith.constant 63 : i32
      %and3A_635 = vector.broadcast %and3A_634 : i32 to vector<16xi32>
      %and3A_636 = arith.andi %add3A_633, %and3A_635 : vector<16xi32>
      %gather3A_637 = tpu.vector_load_idx %arg7[%sub3A_70, %and3A_636] : memref<256x64xf32, #tpu.memory_space<vmem>>[vector<16xi32>, vector<16xi32>], vector<16xf32>,
      %gather3A_638 = tpu.vector_load_idx %arg6[%add3A_68, %and3A_636] : memref<512x64xf32, #tpu.memory_space<vmem>>[vector<16xi32>, vector<16xi32>], vector<16xf32>,
      %mul3A_639 = arith.mulf %gather3A_637, %gather3A_638 : vector<16xf32>
      %add3A_640 = arith.addf %add3A_584, %mul3A_639 : vector<16xf32>
      %mul3A_641 = arith.mulf %gather3A_637, %gather3A_637 : vector<16xf32>
      %add3A_642 = arith.addf %add3A_586, %mul3A_641 : vector<16xf32>
      %mul3A_643 = arith.mulf %gather3A_638, %gather3A_638 : vector<16xf32>
      %add3A_644 = arith.addf %add3A_588, %mul3A_643 : vector<16xf32>
      %add3A_645 = arith.constant 42 : i32
      %add3A_646 = vector.broadcast %add3A_645 : i32 to vector<16xi32>
      %add3A_647 = arith.addi %iota3A, %add3A_646 : vector<16xi32>
      %and3A_648 = arith.constant 63 : i32
      %and3A_649 = vector.broadcast %and3A_648 : i32 to vector<16xi32>
      %and3A_650 = arith.andi %add3A_647, %and3A_649 : vector<16xi32>
      %gather3A_651 = tpu.vector_load_idx %arg7[%sub3A_70, %and3A_650] : memref<256x64xf32, #tpu.memory_space<vmem>>[vector<16xi32>, vector<16xi32>], vector<16xf32>,
      %gather3A_652 = tpu.vector_load_idx %arg6[%add3A_68, %and3A_650] : memref<512x64xf32, #tpu.memory_space<vmem>>[vector<16xi32>, vector<16xi32>], vector<16xf32>,
      %mul3A_653 = arith.mulf %gather3A_651, %gather3A_652 : vector<16xf32>
      %add3A_654 = arith.addf %add3A_598, %mul3A_653 : vector<16xf32>
      %mul3A_655 = arith.mulf %gather3A_651, %gather3A_651 : vector<16xf32>
      %add3A_656 = arith.addf %add3A_600, %mul3A_655 : vector<16xf32>
      %mul3A_657 = arith.mulf %gather3A_652, %gather3A_652 : vector<16xf32>
      %add3A_658 = arith.addf %add3A_602, %mul3A_657 : vector<16xf32>
      %add3A_659 = arith.constant 43 : i32
      %add3A_660 = vector.broadcast %add3A_659 : i32 to vector<16xi32>
      %add3A_661 = arith.addi %iota3A, %add3A_660 : vector<16xi32>
      %and3A_662 = arith.constant 63 : i32
      %and3A_663 = vector.broadcast %and3A_662 : i32 to vector<16xi32>
      %and3A_664 = arith.andi %add3A_661, %and3A_663 : vector<16xi32>
      %gather3A_665 = tpu.vector_load_idx %arg7[%sub3A_70, %and3A_664] : memref<256x64xf32, #tpu.memory_space<vmem>>[vector<16xi32>, vector<16xi32>], vector<16xf32>,
      %gather3A_666 = tpu.vector_load_idx %arg6[%add3A_68, %and3A_664] : memref<512x64xf32, #tpu.memory_space<vmem>>[vector<16xi32>, vector<16xi32>], vector<16xf32>,
      %mul3A_667 = arith.mulf %gather3A_665, %gather3A_666 : vector<16xf32>
      %add3A_668 = arith.addf %add3A_612, %mul3A_667 : vector<16xf32>
      %mul3A_669 = arith.mulf %gather3A_665, %gather3A_665 : vector<16xf32>
      %add3A_670 = arith.addf %add3A_614, %mul3A_669 : vector<16xf32>
      %mul3A_671 = arith.mulf %gather3A_666, %gather3A_666 : vector<16xf32>
      %add3A_672 = arith.addf %add3A_616, %mul3A_671 : vector<16xf32>
      %add3A_673 = arith.constant 44 : i32
      %add3A_674 = vector.broadcast %add3A_673 : i32 to vector<16xi32>
      %add3A_675 = arith.addi %iota3A, %add3A_674 : vector<16xi32>
      %and3A_676 = arith.constant 63 : i32
      %and3A_677 = vector.broadcast %and3A_676 : i32 to vector<16xi32>
      %and3A_678 = arith.andi %add3A_675, %and3A_677 : vector<16xi32>
      %gather3A_679 = tpu.vector_load_idx %arg7[%sub3A_70, %and3A_678] : memref<256x64xf32, #tpu.memory_space<vmem>>[vector<16xi32>, vector<16xi32>], vector<16xf32>,
      %gather3A_680 = tpu.vector_load_idx %arg6[%add3A_68, %and3A_678] : memref<512x64xf32, #tpu.memory_space<vmem>>[vector<16xi32>, vector<16xi32>], vector<16xf32>,
      %mul3A_681 = arith.mulf %gather3A_679, %gather3A_680 : vector<16xf32>
      %add3A_682 = arith.addf %add3A_626, %mul3A_681 : vector<16xf32>
      %mul3A_683 = arith.mulf %gather3A_679, %gather3A_679 : vector<16xf32>
      %add3A_684 = arith.addf %add3A_628, %mul3A_683 : vector<16xf32>
      %mul3A_685 = arith.mulf %gather3A_680, %gather3A_680 : vector<16xf32>
      %add3A_686 = arith.addf %add3A_630, %mul3A_685 : vector<16xf32>
      %add3A_687 = arith.constant 45 : i32
      %add3A_688 = vector.broadcast %add3A_687 : i32 to vector<16xi32>
      %add3A_689 = arith.addi %iota3A, %add3A_688 : vector<16xi32>
      %and3A_690 = arith.constant 63 : i32
      %and3A_691 = vector.broadcast %and3A_690 : i32 to vector<16xi32>
      %and3A_692 = arith.andi %add3A_689, %and3A_691 : vector<16xi32>
      %gather3A_693 = tpu.vector_load_idx %arg7[%sub3A_70, %and3A_692] : memref<256x64xf32, #tpu.memory_space<vmem>>[vector<16xi32>, vector<16xi32>], vector<16xf32>,
      %gather3A_694 = tpu.vector_load_idx %arg6[%add3A_68, %and3A_692] : memref<512x64xf32, #tpu.memory_space<vmem>>[vector<16xi32>, vector<16xi32>], vector<16xf32>,
      %mul3A_695 = arith.mulf %gather3A_693, %gather3A_694 : vector<16xf32>
      %add3A_696 = arith.addf %add3A_640, %mul3A_695 : vector<16xf32>
      %mul3A_697 = arith.mulf %gather3A_693, %gather3A_693 : vector<16xf32>
      %add3A_698 = arith.addf %add3A_642, %mul3A_697 : vector<16xf32>
      %mul3A_699 = arith.mulf %gather3A_694, %gather3A_694 : vector<16xf32>
      %add3A_700 = arith.addf %add3A_644, %mul3A_699 : vector<16xf32>
      %add3A_701 = arith.constant 46 : i32
      %add3A_702 = vector.broadcast %add3A_701 : i32 to vector<16xi32>
      %add3A_703 = arith.addi %iota3A, %add3A_702 : vector<16xi32>
      %and3A_704 = arith.constant 63 : i32
      %and3A_705 = vector.broadcast %and3A_704 : i32 to vector<16xi32>
      %and3A_706 = arith.andi %add3A_703, %and3A_705 : vector<16xi32>
      %gather3A_707 = tpu.vector_load_idx %arg7[%sub3A_70, %and3A_706] : memref<256x64xf32, #tpu.memory_space<vmem>>[vector<16xi32>, vector<16xi32>], vector<16xf32>,
      %gather3A_708 = tpu.vector_load_idx %arg6[%add3A_68, %and3A_706] : memref<512x64xf32, #tpu.memory_space<vmem>>[vector<16xi32>, vector<16xi32>], vector<16xf32>,
      %mul3A_709 = arith.mulf %gather3A_707, %gather3A_708 : vector<16xf32>
      %add3A_710 = arith.addf %add3A_654, %mul3A_709 : vector<16xf32>
      %mul3A_711 = arith.mulf %gather3A_707, %gather3A_707 : vector<16xf32>
      %add3A_712 = arith.addf %add3A_656, %mul3A_711 : vector<16xf32>
      %mul3A_713 = arith.mulf %gather3A_708, %gather3A_708 : vector<16xf32>
      %add3A_714 = arith.addf %add3A_658, %mul3A_713 : vector<16xf32>
      %add3A_715 = arith.constant 47 : i32
      %add3A_716 = vector.broadcast %add3A_715 : i32 to vector<16xi32>
      %add3A_717 = arith.addi %iota3A, %add3A_716 : vector<16xi32>
      %and3A_718 = arith.constant 63 : i32
      %and3A_719 = vector.broadcast %and3A_718 : i32 to vector<16xi32>
      %and3A_720 = arith.andi %add3A_717, %and3A_719 : vector<16xi32>
      %gather3A_721 = tpu.vector_load_idx %arg7[%sub3A_70, %and3A_720] : memref<256x64xf32, #tpu.memory_space<vmem>>[vector<16xi32>, vector<16xi32>], vector<16xf32>,
      %gather3A_722 = tpu.vector_load_idx %arg6[%add3A_68, %and3A_720] : memref<512x64xf32, #tpu.memory_space<vmem>>[vector<16xi32>, vector<16xi32>], vector<16xf32>,
      %mul3A_723 = arith.mulf %gather3A_721, %gather3A_722 : vector<16xf32>
      %add3A_724 = arith.addf %add3A_668, %mul3A_723 : vector<16xf32>
      %mul3A_725 = arith.mulf %gather3A_721, %gather3A_721 : vector<16xf32>
      %add3A_726 = arith.addf %add3A_670, %mul3A_725 : vector<16xf32>
      %mul3A_727 = arith.mulf %gather3A_722, %gather3A_722 : vector<16xf32>
      %add3A_728 = arith.addf %add3A_672, %mul3A_727 : vector<16xf32>
      %add3A_729 = arith.constant 48 : i32
      %add3A_730 = vector.broadcast %add3A_729 : i32 to vector<16xi32>
      %add3A_731 = arith.addi %iota3A, %add3A_730 : vector<16xi32>
      %and3A_732 = arith.constant 63 : i32
      %and3A_733 = vector.broadcast %and3A_732 : i32 to vector<16xi32>
      %and3A_734 = arith.andi %add3A_731, %and3A_733 : vector<16xi32>
      %gather3A_735 = tpu.vector_load_idx %arg7[%sub3A_70, %and3A_734] : memref<256x64xf32, #tpu.memory_space<vmem>>[vector<16xi32>, vector<16xi32>], vector<16xf32>,
      %gather3A_736 = tpu.vector_load_idx %arg6[%add3A_68, %and3A_734] : memref<512x64xf32, #tpu.memory_space<vmem>>[vector<16xi32>, vector<16xi32>], vector<16xf32>,
      %mul3A_737 = arith.mulf %gather3A_735, %gather3A_736 : vector<16xf32>
      %add3A_738 = arith.addf %add3A_682, %mul3A_737 : vector<16xf32>
      %mul3A_739 = arith.mulf %gather3A_735, %gather3A_735 : vector<16xf32>
      %add3A_740 = arith.addf %add3A_684, %mul3A_739 : vector<16xf32>
      %mul3A_741 = arith.mulf %gather3A_736, %gather3A_736 : vector<16xf32>
      %add3A_742 = arith.addf %add3A_686, %mul3A_741 : vector<16xf32>
      %add3A_743 = arith.constant 49 : i32
      %add3A_744 = vector.broadcast %add3A_743 : i32 to vector<16xi32>
      %add3A_745 = arith.addi %iota3A, %add3A_744 : vector<16xi32>
      %and3A_746 = arith.constant 63 : i32
      %and3A_747 = vector.broadcast %and3A_746 : i32 to vector<16xi32>
      %and3A_748 = arith.andi %add3A_745, %and3A_747 : vector<16xi32>
      %gather3A_749 = tpu.vector_load_idx %arg7[%sub3A_70, %and3A_748] : memref<256x64xf32, #tpu.memory_space<vmem>>[vector<16xi32>, vector<16xi32>], vector<16xf32>,
      %gather3A_750 = tpu.vector_load_idx %arg6[%add3A_68, %and3A_748] : memref<512x64xf32, #tpu.memory_space<vmem>>[vector<16xi32>, vector<16xi32>], vector<16xf32>,
      %mul3A_751 = arith.mulf %gather3A_749, %gather3A_750 : vector<16xf32>
      %add3A_752 = arith.addf %add3A_696, %mul3A_751 : vector<16xf32>
      %mul3A_753 = arith.mulf %gather3A_749, %gather3A_749 : vector<16xf32>
      %add3A_754 = arith.addf %add3A_698, %mul3A_753 : vector<16xf32>
      %mul3A_755 = arith.mulf %gather3A_750, %gather3A_750 : vector<16xf32>
      %add3A_756 = arith.addf %add3A_700, %mul3A_755 : vector<16xf32>
      %add3A_757 = arith.constant 50 : i32
      %add3A_758 = vector.broadcast %add3A_757 : i32 to vector<16xi32>
      %add3A_759 = arith.addi %iota3A, %add3A_758 : vector<16xi32>
      %and3A_760 = arith.constant 63 : i32
      %and3A_761 = vector.broadcast %and3A_760 : i32 to vector<16xi32>
      %and3A_762 = arith.andi %add3A_759, %and3A_761 : vector<16xi32>
      %gather3A_763 = tpu.vector_load_idx %arg7[%sub3A_70, %and3A_762] : memref<256x64xf32, #tpu.memory_space<vmem>>[vector<16xi32>, vector<16xi32>], vector<16xf32>,
      %gather3A_764 = tpu.vector_load_idx %arg6[%add3A_68, %and3A_762] : memref<512x64xf32, #tpu.memory_space<vmem>>[vector<16xi32>, vector<16xi32>], vector<16xf32>,
      %mul3A_765 = arith.mulf %gather3A_763, %gather3A_764 : vector<16xf32>
      %add3A_766 = arith.addf %add3A_710, %mul3A_765 : vector<16xf32>
      %mul3A_767 = arith.mulf %gather3A_763, %gather3A_763 : vector<16xf32>
      %add3A_768 = arith.addf %add3A_712, %mul3A_767 : vector<16xf32>
      %mul3A_769 = arith.mulf %gather3A_764, %gather3A_764 : vector<16xf32>
      %add3A_770 = arith.addf %add3A_714, %mul3A_769 : vector<16xf32>
      %add3A_771 = arith.constant 51 : i32
      %add3A_772 = vector.broadcast %add3A_771 : i32 to vector<16xi32>
      %add3A_773 = arith.addi %iota3A, %add3A_772 : vector<16xi32>
      %and3A_774 = arith.constant 63 : i32
      %and3A_775 = vector.broadcast %and3A_774 : i32 to vector<16xi32>
      %and3A_776 = arith.andi %add3A_773, %and3A_775 : vector<16xi32>
      %gather3A_777 = tpu.vector_load_idx %arg7[%sub3A_70, %and3A_776] : memref<256x64xf32, #tpu.memory_space<vmem>>[vector<16xi32>, vector<16xi32>], vector<16xf32>,
      %gather3A_778 = tpu.vector_load_idx %arg6[%add3A_68, %and3A_776] : memref<512x64xf32, #tpu.memory_space<vmem>>[vector<16xi32>, vector<16xi32>], vector<16xf32>,
      %mul3A_779 = arith.mulf %gather3A_777, %gather3A_778 : vector<16xf32>
      %add3A_780 = arith.addf %add3A_724, %mul3A_779 : vector<16xf32>
      %mul3A_781 = arith.mulf %gather3A_777, %gather3A_777 : vector<16xf32>
      %add3A_782 = arith.addf %add3A_726, %mul3A_781 : vector<16xf32>
      %mul3A_783 = arith.mulf %gather3A_778, %gather3A_778 : vector<16xf32>
      %add3A_784 = arith.addf %add3A_728, %mul3A_783 : vector<16xf32>
      %add3A_785 = arith.constant 52 : i32
      %add3A_786 = vector.broadcast %add3A_785 : i32 to vector<16xi32>
      %add3A_787 = arith.addi %iota3A, %add3A_786 : vector<16xi32>
      %and3A_788 = arith.constant 63 : i32
      %and3A_789 = vector.broadcast %and3A_788 : i32 to vector<16xi32>
      %and3A_790 = arith.andi %add3A_787, %and3A_789 : vector<16xi32>
      %gather3A_791 = tpu.vector_load_idx %arg7[%sub3A_70, %and3A_790] : memref<256x64xf32, #tpu.memory_space<vmem>>[vector<16xi32>, vector<16xi32>], vector<16xf32>,
      %gather3A_792 = tpu.vector_load_idx %arg6[%add3A_68, %and3A_790] : memref<512x64xf32, #tpu.memory_space<vmem>>[vector<16xi32>, vector<16xi32>], vector<16xf32>,
      %mul3A_793 = arith.mulf %gather3A_791, %gather3A_792 : vector<16xf32>
      %add3A_794 = arith.addf %add3A_738, %mul3A_793 : vector<16xf32>
      %mul3A_795 = arith.mulf %gather3A_791, %gather3A_791 : vector<16xf32>
      %add3A_796 = arith.addf %add3A_740, %mul3A_795 : vector<16xf32>
      %mul3A_797 = arith.mulf %gather3A_792, %gather3A_792 : vector<16xf32>
      %add3A_798 = arith.addf %add3A_742, %mul3A_797 : vector<16xf32>
      %add3A_799 = arith.constant 53 : i32
      %add3A_800 = vector.broadcast %add3A_799 : i32 to vector<16xi32>
      %add3A_801 = arith.addi %iota3A, %add3A_800 : vector<16xi32>
      %and3A_802 = arith.constant 63 : i32
      %and3A_803 = vector.broadcast %and3A_802 : i32 to vector<16xi32>
      %and3A_804 = arith.andi %add3A_801, %and3A_803 : vector<16xi32>
      %gather3A_805 = tpu.vector_load_idx %arg7[%sub3A_70, %and3A_804] : memref<256x64xf32, #tpu.memory_space<vmem>>[vector<16xi32>, vector<16xi32>], vector<16xf32>,
      %gather3A_806 = tpu.vector_load_idx %arg6[%add3A_68, %and3A_804] : memref<512x64xf32, #tpu.memory_space<vmem>>[vector<16xi32>, vector<16xi32>], vector<16xf32>,
      %mul3A_807 = arith.mulf %gather3A_805, %gather3A_806 : vector<16xf32>
      %add3A_808 = arith.addf %add3A_752, %mul3A_807 : vector<16xf32>
      %mul3A_809 = arith.mulf %gather3A_805, %gather3A_805 : vector<16xf32>
      %add3A_810 = arith.addf %add3A_754, %mul3A_809 : vector<16xf32>
      %mul3A_811 = arith.mulf %gather3A_806, %gather3A_806 : vector<16xf32>
      %add3A_812 = arith.addf %add3A_756, %mul3A_811 : vector<16xf32>
      %add3A_813 = arith.constant 54 : i32
      %add3A_814 = vector.broadcast %add3A_813 : i32 to vector<16xi32>
      %add3A_815 = arith.addi %iota3A, %add3A_814 : vector<16xi32>
      %and3A_816 = arith.constant 63 : i32
      %and3A_817 = vector.broadcast %and3A_816 : i32 to vector<16xi32>
      %and3A_818 = arith.andi %add3A_815, %and3A_817 : vector<16xi32>
      %gather3A_819 = tpu.vector_load_idx %arg7[%sub3A_70, %and3A_818] : memref<256x64xf32, #tpu.memory_space<vmem>>[vector<16xi32>, vector<16xi32>], vector<16xf32>,
      %gather3A_820 = tpu.vector_load_idx %arg6[%add3A_68, %and3A_818] : memref<512x64xf32, #tpu.memory_space<vmem>>[vector<16xi32>, vector<16xi32>], vector<16xf32>,
      %mul3A_821 = arith.mulf %gather3A_819, %gather3A_820 : vector<16xf32>
      %add3A_822 = arith.addf %add3A_766, %mul3A_821 : vector<16xf32>
      %mul3A_823 = arith.mulf %gather3A_819, %gather3A_819 : vector<16xf32>
      %add3A_824 = arith.addf %add3A_768, %mul3A_823 : vector<16xf32>
      %mul3A_825 = arith.mulf %gather3A_820, %gather3A_820 : vector<16xf32>
      %add3A_826 = arith.addf %add3A_770, %mul3A_825 : vector<16xf32>
      %add3A_827 = arith.constant 55 : i32
      %add3A_828 = vector.broadcast %add3A_827 : i32 to vector<16xi32>
      %add3A_829 = arith.addi %iota3A, %add3A_828 : vector<16xi32>
      %and3A_830 = arith.constant 63 : i32
      %and3A_831 = vector.broadcast %and3A_830 : i32 to vector<16xi32>
      %and3A_832 = arith.andi %add3A_829, %and3A_831 : vector<16xi32>
      %gather3A_833 = tpu.vector_load_idx %arg7[%sub3A_70, %and3A_832] : memref<256x64xf32, #tpu.memory_space<vmem>>[vector<16xi32>, vector<16xi32>], vector<16xf32>,
      %gather3A_834 = tpu.vector_load_idx %arg6[%add3A_68, %and3A_832] : memref<512x64xf32, #tpu.memory_space<vmem>>[vector<16xi32>, vector<16xi32>], vector<16xf32>,
      %mul3A_835 = arith.mulf %gather3A_833, %gather3A_834 : vector<16xf32>
      %add3A_836 = arith.addf %add3A_780, %mul3A_835 : vector<16xf32>
      %mul3A_837 = arith.mulf %gather3A_833, %gather3A_833 : vector<16xf32>
      %add3A_838 = arith.addf %add3A_782, %mul3A_837 : vector<16xf32>
      %mul3A_839 = arith.mulf %gather3A_834, %gather3A_834 : vector<16xf32>
      %add3A_840 = arith.addf %add3A_784, %mul3A_839 : vector<16xf32>
      %add3A_841 = arith.constant 56 : i32
      %add3A_842 = vector.broadcast %add3A_841 : i32 to vector<16xi32>
      %add3A_843 = arith.addi %iota3A, %add3A_842 : vector<16xi32>
      %and3A_844 = arith.constant 63 : i32
      %and3A_845 = vector.broadcast %and3A_844 : i32 to vector<16xi32>
      %and3A_846 = arith.andi %add3A_843, %and3A_845 : vector<16xi32>
      %gather3A_847 = tpu.vector_load_idx %arg7[%sub3A_70, %and3A_846] : memref<256x64xf32, #tpu.memory_space<vmem>>[vector<16xi32>, vector<16xi32>], vector<16xf32>,
      %gather3A_848 = tpu.vector_load_idx %arg6[%add3A_68, %and3A_846] : memref<512x64xf32, #tpu.memory_space<vmem>>[vector<16xi32>, vector<16xi32>], vector<16xf32>,
      %mul3A_849 = arith.mulf %gather3A_847, %gather3A_848 : vector<16xf32>
      %add3A_850 = arith.addf %add3A_794, %mul3A_849 : vector<16xf32>
      %mul3A_851 = arith.mulf %gather3A_847, %gather3A_847 : vector<16xf32>
      %add3A_852 = arith.addf %add3A_796, %mul3A_851 : vector<16xf32>
      %mul3A_853 = arith.mulf %gather3A_848, %gather3A_848 : vector<16xf32>
      %add3A_854 = arith.addf %add3A_798, %mul3A_853 : vector<16xf32>
      %add3A_855 = arith.constant 57 : i32
      %add3A_856 = vector.broadcast %add3A_855 : i32 to vector<16xi32>
      %add3A_857 = arith.addi %iota3A, %add3A_856 : vector<16xi32>
      %and3A_858 = arith.constant 63 : i32
      %and3A_859 = vector.broadcast %and3A_858 : i32 to vector<16xi32>
      %and3A_860 = arith.andi %add3A_857, %and3A_859 : vector<16xi32>
      %gather3A_861 = tpu.vector_load_idx %arg7[%sub3A_70, %and3A_860] : memref<256x64xf32, #tpu.memory_space<vmem>>[vector<16xi32>, vector<16xi32>], vector<16xf32>,
      %gather3A_862 = tpu.vector_load_idx %arg6[%add3A_68, %and3A_860] : memref<512x64xf32, #tpu.memory_space<vmem>>[vector<16xi32>, vector<16xi32>], vector<16xf32>,
      %mul3A_863 = arith.mulf %gather3A_861, %gather3A_862 : vector<16xf32>
      %add3A_864 = arith.addf %add3A_808, %mul3A_863 : vector<16xf32>
      %mul3A_865 = arith.mulf %gather3A_861, %gather3A_861 : vector<16xf32>
      %add3A_866 = arith.addf %add3A_810, %mul3A_865 : vector<16xf32>
      %mul3A_867 = arith.mulf %gather3A_862, %gather3A_862 : vector<16xf32>
      %add3A_868 = arith.addf %add3A_812, %mul3A_867 : vector<16xf32>
      %add3A_869 = arith.constant 58 : i32
      %add3A_870 = vector.broadcast %add3A_869 : i32 to vector<16xi32>
      %add3A_871 = arith.addi %iota3A, %add3A_870 : vector<16xi32>
      %and3A_872 = arith.constant 63 : i32
      %and3A_873 = vector.broadcast %and3A_872 : i32 to vector<16xi32>
      %and3A_874 = arith.andi %add3A_871, %and3A_873 : vector<16xi32>
      %gather3A_875 = tpu.vector_load_idx %arg7[%sub3A_70, %and3A_874] : memref<256x64xf32, #tpu.memory_space<vmem>>[vector<16xi32>, vector<16xi32>], vector<16xf32>,
      %gather3A_876 = tpu.vector_load_idx %arg6[%add3A_68, %and3A_874] : memref<512x64xf32, #tpu.memory_space<vmem>>[vector<16xi32>, vector<16xi32>], vector<16xf32>,
      %mul3A_877 = arith.mulf %gather3A_875, %gather3A_876 : vector<16xf32>
      %add3A_878 = arith.addf %add3A_822, %mul3A_877 : vector<16xf32>
      %mul3A_879 = arith.mulf %gather3A_875, %gather3A_875 : vector<16xf32>
      %add3A_880 = arith.addf %add3A_824, %mul3A_879 : vector<16xf32>
      %mul3A_881 = arith.mulf %gather3A_876, %gather3A_876 : vector<16xf32>
      %add3A_882 = arith.addf %add3A_826, %mul3A_881 : vector<16xf32>
      %add3A_883 = arith.constant 59 : i32
      %add3A_884 = vector.broadcast %add3A_883 : i32 to vector<16xi32>
      %add3A_885 = arith.addi %iota3A, %add3A_884 : vector<16xi32>
      %and3A_886 = arith.constant 63 : i32
      %and3A_887 = vector.broadcast %and3A_886 : i32 to vector<16xi32>
      %and3A_888 = arith.andi %add3A_885, %and3A_887 : vector<16xi32>
      %gather3A_889 = tpu.vector_load_idx %arg7[%sub3A_70, %and3A_888] : memref<256x64xf32, #tpu.memory_space<vmem>>[vector<16xi32>, vector<16xi32>], vector<16xf32>,
      %gather3A_890 = tpu.vector_load_idx %arg6[%add3A_68, %and3A_888] : memref<512x64xf32, #tpu.memory_space<vmem>>[vector<16xi32>, vector<16xi32>], vector<16xf32>,
      %mul3A_891 = arith.mulf %gather3A_889, %gather3A_890 : vector<16xf32>
      %add3A_892 = arith.addf %add3A_836, %mul3A_891 : vector<16xf32>
      %mul3A_893 = arith.mulf %gather3A_889, %gather3A_889 : vector<16xf32>
      %add3A_894 = arith.addf %add3A_838, %mul3A_893 : vector<16xf32>
      %mul3A_895 = arith.mulf %gather3A_890, %gather3A_890 : vector<16xf32>
      %add3A_896 = arith.addf %add3A_840, %mul3A_895 : vector<16xf32>
      %add3A_897 = arith.constant 60 : i32
      %add3A_898 = vector.broadcast %add3A_897 : i32 to vector<16xi32>
      %add3A_899 = arith.addi %iota3A, %add3A_898 : vector<16xi32>
      %and3A_900 = arith.constant 63 : i32
      %and3A_901 = vector.broadcast %and3A_900 : i32 to vector<16xi32>
      %and3A_902 = arith.andi %add3A_899, %and3A_901 : vector<16xi32>
      %gather3A_903 = tpu.vector_load_idx %arg7[%sub3A_70, %and3A_902] : memref<256x64xf32, #tpu.memory_space<vmem>>[vector<16xi32>, vector<16xi32>], vector<16xf32>,
      %gather3A_904 = tpu.vector_load_idx %arg6[%add3A_68, %and3A_902] : memref<512x64xf32, #tpu.memory_space<vmem>>[vector<16xi32>, vector<16xi32>], vector<16xf32>,
      %mul3A_905 = arith.mulf %gather3A_903, %gather3A_904 : vector<16xf32>
      %add3A_906 = arith.addf %add3A_850, %mul3A_905 : vector<16xf32>
      %mul3A_907 = arith.mulf %gather3A_903, %gather3A_903 : vector<16xf32>
      %add3A_908 = arith.addf %add3A_852, %mul3A_907 : vector<16xf32>
      %mul3A_909 = arith.mulf %gather3A_904, %gather3A_904 : vector<16xf32>
      %add3A_910 = arith.addf %add3A_854, %mul3A_909 : vector<16xf32>
      %add3A_911 = arith.constant 61 : i32
      %add3A_912 = vector.broadcast %add3A_911 : i32 to vector<16xi32>
      %add3A_913 = arith.addi %iota3A, %add3A_912 : vector<16xi32>
      %and3A_914 = arith.constant 63 : i32
      %and3A_915 = vector.broadcast %and3A_914 : i32 to vector<16xi32>
      %and3A_916 = arith.andi %add3A_913, %and3A_915 : vector<16xi32>
      %gather3A_917 = tpu.vector_load_idx %arg7[%sub3A_70, %and3A_916] : memref<256x64xf32, #tpu.memory_space<vmem>>[vector<16xi32>, vector<16xi32>], vector<16xf32>,
      %gather3A_918 = tpu.vector_load_idx %arg6[%add3A_68, %and3A_916] : memref<512x64xf32, #tpu.memory_space<vmem>>[vector<16xi32>, vector<16xi32>], vector<16xf32>,
      %mul3A_919 = arith.mulf %gather3A_917, %gather3A_918 : vector<16xf32>
      %add3A_920 = arith.addf %add3A_864, %mul3A_919 : vector<16xf32>
      %mul3A_921 = arith.mulf %gather3A_917, %gather3A_917 : vector<16xf32>
      %add3A_922 = arith.addf %add3A_866, %mul3A_921 : vector<16xf32>
      %mul3A_923 = arith.mulf %gather3A_918, %gather3A_918 : vector<16xf32>
      %add3A_924 = arith.addf %add3A_868, %mul3A_923 : vector<16xf32>
      %add3A_925 = arith.constant 62 : i32
      %add3A_926 = vector.broadcast %add3A_925 : i32 to vector<16xi32>
      %add3A_927 = arith.addi %iota3A, %add3A_926 : vector<16xi32>
      %and3A_928 = arith.constant 63 : i32
      %and3A_929 = vector.broadcast %and3A_928 : i32 to vector<16xi32>
      %and3A_930 = arith.andi %add3A_927, %and3A_929 : vector<16xi32>
      %gather3A_931 = tpu.vector_load_idx %arg7[%sub3A_70, %and3A_930] : memref<256x64xf32, #tpu.memory_space<vmem>>[vector<16xi32>, vector<16xi32>], vector<16xf32>,
      %gather3A_932 = tpu.vector_load_idx %arg6[%add3A_68, %and3A_930] : memref<512x64xf32, #tpu.memory_space<vmem>>[vector<16xi32>, vector<16xi32>], vector<16xf32>,
      %mul3A_933 = arith.mulf %gather3A_931, %gather3A_932 : vector<16xf32>
      %add3A_934 = arith.addf %add3A_878, %mul3A_933 : vector<16xf32>
      %mul3A_935 = arith.mulf %gather3A_931, %gather3A_931 : vector<16xf32>
      %add3A_936 = arith.addf %add3A_880, %mul3A_935 : vector<16xf32>
      %mul3A_937 = arith.mulf %gather3A_932, %gather3A_932 : vector<16xf32>
      %add3A_938 = arith.addf %add3A_882, %mul3A_937 : vector<16xf32>
      %add3A_939 = arith.constant 63 : i32
      %add3A_940 = vector.broadcast %add3A_939 : i32 to vector<16xi32>
      %add3A_941 = arith.addi %iota3A, %add3A_940 : vector<16xi32>
      %and3A_942 = arith.constant 63 : i32
      %and3A_943 = vector.broadcast %and3A_942 : i32 to vector<16xi32>
      %and3A_944 = arith.andi %add3A_941, %and3A_943 : vector<16xi32>
      %gather3A_945 = tpu.vector_load_idx %arg7[%sub3A_70, %and3A_944] : memref<256x64xf32, #tpu.memory_space<vmem>>[vector<16xi32>, vector<16xi32>], vector<16xf32>,
      %gather3A_946 = tpu.vector_load_idx %arg6[%add3A_68, %and3A_944] : memref<512x64xf32, #tpu.memory_space<vmem>>[vector<16xi32>, vector<16xi32>], vector<16xf32>,
      %mul3A_947 = arith.mulf %gather3A_945, %gather3A_946 : vector<16xf32>
      %add3A_948 = arith.addf %add3A_892, %mul3A_947 : vector<16xf32>
      %mul3A_949 = arith.mulf %gather3A_945, %gather3A_945 : vector<16xf32>
      %add3A_950 = arith.addf %add3A_894, %mul3A_949 : vector<16xf32>
      %mul3A_951 = arith.mulf %gather3A_946, %gather3A_946 : vector<16xf32>
      %add3A_952 = arith.addf %add3A_896, %mul3A_951 : vector<16xf32>
      %add3A_953 = arith.addf %add3A_906, %add3A_920 : vector<16xf32>
      %add3A_954 = arith.addf %add3A_934, %add3A_948 : vector<16xf32>
      %add3A_955 = arith.addf %add3A_953, %add3A_954 : vector<16xf32>
      %add3A_956 = arith.addf %add3A_908, %add3A_922 : vector<16xf32>
      %add3A_957 = arith.addf %add3A_936, %add3A_950 : vector<16xf32>
      %add3A_958 = arith.addf %add3A_956, %add3A_957 : vector<16xf32>
      %add3A_959 = arith.addf %add3A_910, %add3A_924 : vector<16xf32>
      %add3A_960 = arith.addf %add3A_938, %add3A_952 : vector<16xf32>
      %add3A_961 = arith.addf %add3A_959, %add3A_960 : vector<16xf32>
      %mul3A_962 = arith.mulf %add3A_958, %add3A_961 : vector<16xf32>
      %max3A = arith.constant 1.000000e-30 : f32
      %max3A_963 = vector.broadcast %max3A : f32 to vector<16xf32>
      %max3A_964 = arith.maximumf %mul3A_962, %max3A_963 : vector<16xf32>
      %bitcast3A = vector.bitcast %max3A_964 : vector<16xf32> to vector<16xi32>
      %shift_right_arithmetic3A = arith.constant 1 : i32
      %shift_right_arithmetic3A_965 = vector.broadcast %shift_right_arithmetic3A : i32 to vector<16xi32>
      %shift_right_arithmetic3A_966 = arith.shrsi %bitcast3A, %shift_right_arithmetic3A_965 : vector<16xi32>
      %sub3A_967 = arith.constant 1597463007 : i32
      %sub3A_968 = vector.broadcast %sub3A_967 : i32 to vector<16xi32>
      %sub3A_969 = arith.subi %sub3A_968, %shift_right_arithmetic3A_966 : vector<16xi32>
      %bitcast3A_970 = vector.bitcast %sub3A_969 : vector<16xi32> to vector<16xf32>
      %mul3A_971 = vector.broadcast %scan3A_29 : f32 to vector<16xf32>
      %mul3A_972 = arith.mulf %mul3A_971, %max3A_964 : vector<16xf32>
      %mul3A_973 = arith.mulf %mul3A_972, %bitcast3A_970 : vector<16xf32>
      %mul3A_974 = arith.mulf %mul3A_973, %bitcast3A_970 : vector<16xf32>
      %sub3A_975 = vector.broadcast %scan3A_30 : f32 to vector<16xf32>
      %sub3A_976 = arith.subf %sub3A_975, %mul3A_974 : vector<16xf32>
      %mul3A_977 = arith.mulf %bitcast3A_970, %sub3A_976 : vector<16xf32>
      %mul3A_978 = vector.broadcast %scan3A_29 : f32 to vector<16xf32>
      %mul3A_979 = arith.mulf %mul3A_978, %max3A_964 : vector<16xf32>
      %mul3A_980 = arith.mulf %mul3A_979, %mul3A_977 : vector<16xf32>
      %mul3A_981 = arith.mulf %mul3A_980, %mul3A_977 : vector<16xf32>
      %sub3A_982 = vector.broadcast %scan3A_30 : f32 to vector<16xf32>
      %sub3A_983 = arith.subf %sub3A_982, %mul3A_981 : vector<16xf32>
      %mul3A_984 = arith.mulf %mul3A_977, %sub3A_983 : vector<16xf32>
      %mul3A_985 = vector.broadcast %scan3A_29 : f32 to vector<16xf32>
      %mul3A_986 = arith.mulf %mul3A_985, %max3A_964 : vector<16xf32>
      %mul3A_987 = arith.mulf %mul3A_986, %mul3A_984 : vector<16xf32>
      %mul3A_988 = arith.mulf %mul3A_987, %mul3A_984 : vector<16xf32>
      %sub3A_989 = vector.broadcast %scan3A_30 : f32 to vector<16xf32>
      %sub3A_990 = arith.subf %sub3A_989, %mul3A_988 : vector<16xf32>
      %mul3A_991 = arith.mulf %mul3A_984, %sub3A_990 : vector<16xf32>
      %ge3A = arith.constant 1.000000e-18 : f32
      %ge3A_992 = vector.broadcast %ge3A : f32 to vector<16xf32>
      %ge3A_993 = arith.cmpf oge, %max3A_964, %ge3A_992 : vector<16xf32>
      %jit3A = arith.constant 1.000000e+09 : f32
      %broadcast_in_dim3A_994 = vector.broadcast %jit3A : f32 to vector<16xf32>
      %select_n3A = arith.select %ge3A_993, %mul3A_991, %broadcast_in_dim3A_994 : vector<16xi1>, vector<16xf32>
      %mul3A_995 = arith.mulf %add3A_955, %select_n3A : vector<16xf32>
      %sub3A_996 = vector.broadcast %scan3A_31 : f32 to vector<16xf32>
      %sub3A_997 = arith.subf %sub3A_996, %mul3A_995 : vector<16xf32>
      %mul3A_998 = arith.mulf %sub3A_997, %sub3A_997 : vector<16xf32>
      %add3A_999 = arith.addf %scan3A_64, %mul3A_998 : vector<16xf32>
      scf.yield %add3A_999 : vector<16xf32>
    }
    %scan3A_37 = arith.constant 16 : i32
    %scan3A_38 = arith.constant 0 : i32
    %scan3A_39 = arith.constant 256 : i32
    %scan3A_40 = arith.constant 256 : i32
    %scan3A_41 = arith.addi %scan3A_39, %scan3A_40 : i32
    %scan3A_42 = arith.constant 1 : i32
    scf.for %scan3A_63 = %scan3A_39 to %scan3A_41 step %scan3A_42  : i32 {
      %add3A_64 = arith.addi %mul3A_2, %scan3A_63 : i32
      %and3A = arith.constant 255 : i32
      %and3A_65 = arith.andi %scan3A_63, %and3A : i32
      %dma_start3A = arith.constant 0 : i32
      %dma_start3A_66 = tpu.memref_slice %arg7[%and3A_65, %dma_start3A] : memref<256x64xf32, #tpu.memory_space<vmem>> -> memref<1x64xf32, #tpu.memory_space<vmem>>
      %dma_start3A_67 = tpu.memref_squeeze %dma_start3A_66 : memref<1x64xf32, #tpu.memory_space<vmem>> -> memref<64xf32, #tpu.memory_space<vmem>>
      %dma_start3A_68 = arith.constant 0 : i32
      %dma_start3A_69 = tpu.memref_slice %arg2[%add3A_64, %dma_start3A_68] : memref<16384x64xf32, #tpu.memory_space<hbm>> -> memref<1x64xf32, #tpu.memory_space<hbm>>
      %dma_start3A_70 = tpu.memref_squeeze %dma_start3A_69 : memref<1x64xf32, #tpu.memory_space<hbm>> -> memref<64xf32, #tpu.memory_space<hbm>>
      %dma_start3A_71 = arith.constant 0 : i32
      %dma_start3A_72 = tpu.memref_slice %arg7[%and3A_65, %dma_start3A_71] : memref<256x64xf32, #tpu.memory_space<vmem>> -> memref<1x64xf32, #tpu.memory_space<vmem>>
      %dma_start3A_73 = tpu.memref_squeeze %dma_start3A_72 : memref<1x64xf32, #tpu.memory_space<vmem>> -> memref<64xf32, #tpu.memory_space<vmem>>
      %dma_start3A_74 = arith.constant 0 : i32
      %dma_start3A_75 = tpu.memref_slice %arg2[%add3A_64, %dma_start3A_74] : memref<16384x64xf32, #tpu.memory_space<hbm>> -> memref<1x64xf32, #tpu.memory_space<hbm>>
      %dma_start3A_76 = tpu.memref_squeeze %dma_start3A_75 : memref<1x64xf32, #tpu.memory_space<hbm>> -> memref<64xf32, #tpu.memory_space<hbm>>
      tpu.enqueue_dma source(%dma_start3A_76 : memref<64xf32, #tpu.memory_space<hbm>>) target(%dma_start3A_73 : memref<64xf32, #tpu.memory_space<vmem>>) target_semaphore(%arg10 : memref<!tpu.dma_semaphore, #tpu.memory_space<semaphore_mem>>)
    }
    %scan3A_43 = arith.constant 256 : i32
    %scan3A_44 = arith.constant 0 : i32
    %scan3A_45 = arith.constant 0 : i32
    %scan3A_46 = arith.constant 256 : i32
    %scan3A_47 = arith.addi %scan3A_45, %scan3A_46 : i32
    %scan3A_48 = arith.constant 1 : i32
    scf.for %scan3A_63 = %scan3A_45 to %scan3A_47 step %scan3A_48  : i32 {
      %dma_wait3A = arith.constant 0 : i32
      %dma_wait3A_64 = arith.constant 0 : i32
      %dma_wait3A_65 = arith.constant 0 : i32
      %dma_wait3A_66 = tpu.memref_slice %arg7[%dma_wait3A_64, %dma_wait3A_65] : memref<256x64xf32, #tpu.memory_space<vmem>> -> memref<1x64xf32, #tpu.memory_space<vmem>>
      %dma_wait3A_67 = tpu.memref_squeeze %dma_wait3A_66 : memref<1x64xf32, #tpu.memory_space<vmem>> -> memref<64xf32, #tpu.memory_space<vmem>>
      %dma_wait3A_68 = arith.constant 0 : i32
      %dma_wait3A_69 = tpu.memref_slice %arg2[%dma_wait3A, %dma_wait3A_68] : memref<16384x64xf32, #tpu.memory_space<hbm>> -> memref<1x64xf32, #tpu.memory_space<hbm>>
      %dma_wait3A_70 = tpu.memref_squeeze %dma_wait3A_69 : memref<1x64xf32, #tpu.memory_space<hbm>> -> memref<64xf32, #tpu.memory_space<hbm>>
      %dma_wait3A_71 = arith.constant 0 : i32
      %dma_wait3A_72 = tpu.memref_slice %arg7[%dma_wait3A_64, %dma_wait3A_71] : memref<256x64xf32, #tpu.memory_space<vmem>> -> memref<1x64xf32, #tpu.memory_space<vmem>>
      %dma_wait3A_73 = tpu.memref_squeeze %dma_wait3A_72 : memref<1x64xf32, #tpu.memory_space<vmem>> -> memref<64xf32, #tpu.memory_space<vmem>>
      %dma_wait3A_74 = arith.constant 0 : i32
      %dma_wait3A_75 = tpu.memref_slice %arg2[%dma_wait3A, %dma_wait3A_74] : memref<16384x64xf32, #tpu.memory_space<hbm>> -> memref<1x64xf32, #tpu.memory_space<hbm>>
      %dma_wait3A_76 = tpu.memref_squeeze %dma_wait3A_75 : memref<1x64xf32, #tpu.memory_space<hbm>> -> memref<64xf32, #tpu.memory_space<hbm>>
      tpu.wait_dma2 semaphore(%arg10 : memref<!tpu.dma_semaphore, #tpu.memory_space<semaphore_mem>>) src(%dma_wait3A_76 : memref<64xf32, #tpu.memory_space<hbm>>) dst(%dma_wait3A_73 : memref<64xf32, #tpu.memory_space<vmem>>)
    }
    %scan3A_49 = arith.constant 256 : i32
    %scan3A_50 = arith.constant 5.000000e-01 : f32
    %scan3A_51 = arith.constant 1.500000e+00 : f32
    %scan3A_52 = arith.constant 1.000000e+00 : f32
    %scan3A_53 = arith.constant 16 : i32
    %scan3A_54 = arith.constant 16 : i32
    %scan3A_55 = arith.addi %scan3A_53, %scan3A_54 : i32
    %scan3A_56 = arith.constant 1 : i32
    %scan3A_57 = scf.for %scan3A_63 = %scan3A_53 to %scan3A_55 step %scan3A_56 iter_args(%scan3A_64 = %scan3A_36) -> (vector<16xf32>)  : i32 {
      %mul3A_65 = arith.constant 16 : i32
      %mul3A_66 = arith.muli %scan3A_63, %mul3A_65 : i32
      %add3A_67 = vector.broadcast %mul3A_66 : i32 to vector<16xi32>
      %add3A_68 = arith.addi %iota3A, %add3A_67 : vector<16xi32>
      %sub3A = arith.constant 256 : i32
      %sub3A_69 = vector.broadcast %sub3A : i32 to vector<16xi32>
      %sub3A_70 = arith.subi %add3A_68, %sub3A_69 : vector<16xi32>
      %add3A_71 = arith.constant 0 : i32
      %add3A_72 = vector.broadcast %add3A_71 : i32 to vector<16xi32>
      %add3A_73 = arith.addi %iota3A, %add3A_72 : vector<16xi32>
      %and3A = arith.constant 63 : i32
      %and3A_74 = vector.broadcast %and3A : i32 to vector<16xi32>
      %and3A_75 = arith.andi %add3A_73, %and3A_74 : vector<16xi32>
      %gather3A = tpu.vector_load_idx %arg7[%sub3A_70, %and3A_75] : memref<256x64xf32, #tpu.memory_space<vmem>>[vector<16xi32>, vector<16xi32>], vector<16xf32>,
      %gather3A_76 = tpu.vector_load_idx %arg6[%add3A_68, %and3A_75] : memref<512x64xf32, #tpu.memory_space<vmem>>[vector<16xi32>, vector<16xi32>], vector<16xf32>,
      %mul3A_77 = arith.mulf %gather3A, %gather3A_76 : vector<16xf32>
      %mul3A_78 = arith.mulf %gather3A, %gather3A : vector<16xf32>
      %mul3A_79 = arith.mulf %gather3A_76, %gather3A_76 : vector<16xf32>
      %add3A_80 = arith.constant 1 : i32
      %add3A_81 = vector.broadcast %add3A_80 : i32 to vector<16xi32>
      %add3A_82 = arith.addi %iota3A, %add3A_81 : vector<16xi32>
      %and3A_83 = arith.constant 63 : i32
      %and3A_84 = vector.broadcast %and3A_83 : i32 to vector<16xi32>
      %and3A_85 = arith.andi %add3A_82, %and3A_84 : vector<16xi32>
      %gather3A_86 = tpu.vector_load_idx %arg7[%sub3A_70, %and3A_85] : memref<256x64xf32, #tpu.memory_space<vmem>>[vector<16xi32>, vector<16xi32>], vector<16xf32>,
      %gather3A_87 = tpu.vector_load_idx %arg6[%add3A_68, %and3A_85] : memref<512x64xf32, #tpu.memory_space<vmem>>[vector<16xi32>, vector<16xi32>], vector<16xf32>,
      %mul3A_88 = arith.mulf %gather3A_86, %gather3A_87 : vector<16xf32>
      %mul3A_89 = arith.mulf %gather3A_86, %gather3A_86 : vector<16xf32>
      %mul3A_90 = arith.mulf %gather3A_87, %gather3A_87 : vector<16xf32>
      %add3A_91 = arith.constant 2 : i32
      %add3A_92 = vector.broadcast %add3A_91 : i32 to vector<16xi32>
      %add3A_93 = arith.addi %iota3A, %add3A_92 : vector<16xi32>
      %and3A_94 = arith.constant 63 : i32
      %and3A_95 = vector.broadcast %and3A_94 : i32 to vector<16xi32>
      %and3A_96 = arith.andi %add3A_93, %and3A_95 : vector<16xi32>
      %gather3A_97 = tpu.vector_load_idx %arg7[%sub3A_70, %and3A_96] : memref<256x64xf32, #tpu.memory_space<vmem>>[vector<16xi32>, vector<16xi32>], vector<16xf32>,
      %gather3A_98 = tpu.vector_load_idx %arg6[%add3A_68, %and3A_96] : memref<512x64xf32, #tpu.memory_space<vmem>>[vector<16xi32>, vector<16xi32>], vector<16xf32>,
      %mul3A_99 = arith.mulf %gather3A_97, %gather3A_98 : vector<16xf32>
      %mul3A_100 = arith.mulf %gather3A_97, %gather3A_97 : vector<16xf32>
      %mul3A_101 = arith.mulf %gather3A_98, %gather3A_98 : vector<16xf32>
      %add3A_102 = arith.constant 3 : i32
      %add3A_103 = vector.broadcast %add3A_102 : i32 to vector<16xi32>
      %add3A_104 = arith.addi %iota3A, %add3A_103 : vector<16xi32>
      %and3A_105 = arith.constant 63 : i32
      %and3A_106 = vector.broadcast %and3A_105 : i32 to vector<16xi32>
      %and3A_107 = arith.andi %add3A_104, %and3A_106 : vector<16xi32>
      %gather3A_108 = tpu.vector_load_idx %arg7[%sub3A_70, %and3A_107] : memref<256x64xf32, #tpu.memory_space<vmem>>[vector<16xi32>, vector<16xi32>], vector<16xf32>,
      %gather3A_109 = tpu.vector_load_idx %arg6[%add3A_68, %and3A_107] : memref<512x64xf32, #tpu.memory_space<vmem>>[vector<16xi32>, vector<16xi32>], vector<16xf32>,
      %mul3A_110 = arith.mulf %gather3A_108, %gather3A_109 : vector<16xf32>
      %mul3A_111 = arith.mulf %gather3A_108, %gather3A_108 : vector<16xf32>
      %mul3A_112 = arith.mulf %gather3A_109, %gather3A_109 : vector<16xf32>
      %add3A_113 = arith.constant 4 : i32
      %add3A_114 = vector.broadcast %add3A_113 : i32 to vector<16xi32>
      %add3A_115 = arith.addi %iota3A, %add3A_114 : vector<16xi32>
      %and3A_116 = arith.constant 63 : i32
      %and3A_117 = vector.broadcast %and3A_116 : i32 to vector<16xi32>
      %and3A_118 = arith.andi %add3A_115, %and3A_117 : vector<16xi32>
      %gather3A_119 = tpu.vector_load_idx %arg7[%sub3A_70, %and3A_118] : memref<256x64xf32, #tpu.memory_space<vmem>>[vector<16xi32>, vector<16xi32>], vector<16xf32>,
      %gather3A_120 = tpu.vector_load_idx %arg6[%add3A_68, %and3A_118] : memref<512x64xf32, #tpu.memory_space<vmem>>[vector<16xi32>, vector<16xi32>], vector<16xf32>,
      %mul3A_121 = arith.mulf %gather3A_119, %gather3A_120 : vector<16xf32>
      %add3A_122 = arith.addf %mul3A_77, %mul3A_121 : vector<16xf32>
      %mul3A_123 = arith.mulf %gather3A_119, %gather3A_119 : vector<16xf32>
      %add3A_124 = arith.addf %mul3A_78, %mul3A_123 : vector<16xf32>
      %mul3A_125 = arith.mulf %gather3A_120, %gather3A_120 : vector<16xf32>
      %add3A_126 = arith.addf %mul3A_79, %mul3A_125 : vector<16xf32>
      %add3A_127 = arith.constant 5 : i32
      %add3A_128 = vector.broadcast %add3A_127 : i32 to vector<16xi32>
      %add3A_129 = arith.addi %iota3A, %add3A_128 : vector<16xi32>
      %and3A_130 = arith.constant 63 : i32
      %and3A_131 = vector.broadcast %and3A_130 : i32 to vector<16xi32>
      %and3A_132 = arith.andi %add3A_129, %and3A_131 : vector<16xi32>
      %gather3A_133 = tpu.vector_load_idx %arg7[%sub3A_70, %and3A_132] : memref<256x64xf32, #tpu.memory_space<vmem>>[vector<16xi32>, vector<16xi32>], vector<16xf32>,
      %gather3A_134 = tpu.vector_load_idx %arg6[%add3A_68, %and3A_132] : memref<512x64xf32, #tpu.memory_space<vmem>>[vector<16xi32>, vector<16xi32>], vector<16xf32>,
      %mul3A_135 = arith.mulf %gather3A_133, %gather3A_134 : vector<16xf32>
      %add3A_136 = arith.addf %mul3A_88, %mul3A_135 : vector<16xf32>
      %mul3A_137 = arith.mulf %gather3A_133, %gather3A_133 : vector<16xf32>
      %add3A_138 = arith.addf %mul3A_89, %mul3A_137 : vector<16xf32>
      %mul3A_139 = arith.mulf %gather3A_134, %gather3A_134 : vector<16xf32>
      %add3A_140 = arith.addf %mul3A_90, %mul3A_139 : vector<16xf32>
      %add3A_141 = arith.constant 6 : i32
      %add3A_142 = vector.broadcast %add3A_141 : i32 to vector<16xi32>
      %add3A_143 = arith.addi %iota3A, %add3A_142 : vector<16xi32>
      %and3A_144 = arith.constant 63 : i32
      %and3A_145 = vector.broadcast %and3A_144 : i32 to vector<16xi32>
      %and3A_146 = arith.andi %add3A_143, %and3A_145 : vector<16xi32>
      %gather3A_147 = tpu.vector_load_idx %arg7[%sub3A_70, %and3A_146] : memref<256x64xf32, #tpu.memory_space<vmem>>[vector<16xi32>, vector<16xi32>], vector<16xf32>,
      %gather3A_148 = tpu.vector_load_idx %arg6[%add3A_68, %and3A_146] : memref<512x64xf32, #tpu.memory_space<vmem>>[vector<16xi32>, vector<16xi32>], vector<16xf32>,
      %mul3A_149 = arith.mulf %gather3A_147, %gather3A_148 : vector<16xf32>
      %add3A_150 = arith.addf %mul3A_99, %mul3A_149 : vector<16xf32>
      %mul3A_151 = arith.mulf %gather3A_147, %gather3A_147 : vector<16xf32>
      %add3A_152 = arith.addf %mul3A_100, %mul3A_151 : vector<16xf32>
      %mul3A_153 = arith.mulf %gather3A_148, %gather3A_148 : vector<16xf32>
      %add3A_154 = arith.addf %mul3A_101, %mul3A_153 : vector<16xf32>
      %add3A_155 = arith.constant 7 : i32
      %add3A_156 = vector.broadcast %add3A_155 : i32 to vector<16xi32>
      %add3A_157 = arith.addi %iota3A, %add3A_156 : vector<16xi32>
      %and3A_158 = arith.constant 63 : i32
      %and3A_159 = vector.broadcast %and3A_158 : i32 to vector<16xi32>
      %and3A_160 = arith.andi %add3A_157, %and3A_159 : vector<16xi32>
      %gather3A_161 = tpu.vector_load_idx %arg7[%sub3A_70, %and3A_160] : memref<256x64xf32, #tpu.memory_space<vmem>>[vector<16xi32>, vector<16xi32>], vector<16xf32>,
      %gather3A_162 = tpu.vector_load_idx %arg6[%add3A_68, %and3A_160] : memref<512x64xf32, #tpu.memory_space<vmem>>[vector<16xi32>, vector<16xi32>], vector<16xf32>,
      %mul3A_163 = arith.mulf %gather3A_161, %gather3A_162 : vector<16xf32>
      %add3A_164 = arith.addf %mul3A_110, %mul3A_163 : vector<16xf32>
      %mul3A_165 = arith.mulf %gather3A_161, %gather3A_161 : vector<16xf32>
      %add3A_166 = arith.addf %mul3A_111, %mul3A_165 : vector<16xf32>
      %mul3A_167 = arith.mulf %gather3A_162, %gather3A_162 : vector<16xf32>
      %add3A_168 = arith.addf %mul3A_112, %mul3A_167 : vector<16xf32>
      %add3A_169 = arith.constant 8 : i32
      %add3A_170 = vector.broadcast %add3A_169 : i32 to vector<16xi32>
      %add3A_171 = arith.addi %iota3A, %add3A_170 : vector<16xi32>
      %and3A_172 = arith.constant 63 : i32
      %and3A_173 = vector.broadcast %and3A_172 : i32 to vector<16xi32>
      %and3A_174 = arith.andi %add3A_171, %and3A_173 : vector<16xi32>
      %gather3A_175 = tpu.vector_load_idx %arg7[%sub3A_70, %and3A_174] : memref<256x64xf32, #tpu.memory_space<vmem>>[vector<16xi32>, vector<16xi32>], vector<16xf32>,
      %gather3A_176 = tpu.vector_load_idx %arg6[%add3A_68, %and3A_174] : memref<512x64xf32, #tpu.memory_space<vmem>>[vector<16xi32>, vector<16xi32>], vector<16xf32>,
      %mul3A_177 = arith.mulf %gather3A_175, %gather3A_176 : vector<16xf32>
      %add3A_178 = arith.addf %add3A_122, %mul3A_177 : vector<16xf32>
      %mul3A_179 = arith.mulf %gather3A_175, %gather3A_175 : vector<16xf32>
      %add3A_180 = arith.addf %add3A_124, %mul3A_179 : vector<16xf32>
      %mul3A_181 = arith.mulf %gather3A_176, %gather3A_176 : vector<16xf32>
      %add3A_182 = arith.addf %add3A_126, %mul3A_181 : vector<16xf32>
      %add3A_183 = arith.constant 9 : i32
      %add3A_184 = vector.broadcast %add3A_183 : i32 to vector<16xi32>
      %add3A_185 = arith.addi %iota3A, %add3A_184 : vector<16xi32>
      %and3A_186 = arith.constant 63 : i32
      %and3A_187 = vector.broadcast %and3A_186 : i32 to vector<16xi32>
      %and3A_188 = arith.andi %add3A_185, %and3A_187 : vector<16xi32>
      %gather3A_189 = tpu.vector_load_idx %arg7[%sub3A_70, %and3A_188] : memref<256x64xf32, #tpu.memory_space<vmem>>[vector<16xi32>, vector<16xi32>], vector<16xf32>,
      %gather3A_190 = tpu.vector_load_idx %arg6[%add3A_68, %and3A_188] : memref<512x64xf32, #tpu.memory_space<vmem>>[vector<16xi32>, vector<16xi32>], vector<16xf32>,
      %mul3A_191 = arith.mulf %gather3A_189, %gather3A_190 : vector<16xf32>
      %add3A_192 = arith.addf %add3A_136, %mul3A_191 : vector<16xf32>
      %mul3A_193 = arith.mulf %gather3A_189, %gather3A_189 : vector<16xf32>
      %add3A_194 = arith.addf %add3A_138, %mul3A_193 : vector<16xf32>
      %mul3A_195 = arith.mulf %gather3A_190, %gather3A_190 : vector<16xf32>
      %add3A_196 = arith.addf %add3A_140, %mul3A_195 : vector<16xf32>
      %add3A_197 = arith.constant 10 : i32
      %add3A_198 = vector.broadcast %add3A_197 : i32 to vector<16xi32>
      %add3A_199 = arith.addi %iota3A, %add3A_198 : vector<16xi32>
      %and3A_200 = arith.constant 63 : i32
      %and3A_201 = vector.broadcast %and3A_200 : i32 to vector<16xi32>
      %and3A_202 = arith.andi %add3A_199, %and3A_201 : vector<16xi32>
      %gather3A_203 = tpu.vector_load_idx %arg7[%sub3A_70, %and3A_202] : memref<256x64xf32, #tpu.memory_space<vmem>>[vector<16xi32>, vector<16xi32>], vector<16xf32>,
      %gather3A_204 = tpu.vector_load_idx %arg6[%add3A_68, %and3A_202] : memref<512x64xf32, #tpu.memory_space<vmem>>[vector<16xi32>, vector<16xi32>], vector<16xf32>,
      %mul3A_205 = arith.mulf %gather3A_203, %gather3A_204 : vector<16xf32>
      %add3A_206 = arith.addf %add3A_150, %mul3A_205 : vector<16xf32>
      %mul3A_207 = arith.mulf %gather3A_203, %gather3A_203 : vector<16xf32>
      %add3A_208 = arith.addf %add3A_152, %mul3A_207 : vector<16xf32>
      %mul3A_209 = arith.mulf %gather3A_204, %gather3A_204 : vector<16xf32>
      %add3A_210 = arith.addf %add3A_154, %mul3A_209 : vector<16xf32>
      %add3A_211 = arith.constant 11 : i32
      %add3A_212 = vector.broadcast %add3A_211 : i32 to vector<16xi32>
      %add3A_213 = arith.addi %iota3A, %add3A_212 : vector<16xi32>
      %and3A_214 = arith.constant 63 : i32
      %and3A_215 = vector.broadcast %and3A_214 : i32 to vector<16xi32>
      %and3A_216 = arith.andi %add3A_213, %and3A_215 : vector<16xi32>
      %gather3A_217 = tpu.vector_load_idx %arg7[%sub3A_70, %and3A_216] : memref<256x64xf32, #tpu.memory_space<vmem>>[vector<16xi32>, vector<16xi32>], vector<16xf32>,
      %gather3A_218 = tpu.vector_load_idx %arg6[%add3A_68, %and3A_216] : memref<512x64xf32, #tpu.memory_space<vmem>>[vector<16xi32>, vector<16xi32>], vector<16xf32>,
      %mul3A_219 = arith.mulf %gather3A_217, %gather3A_218 : vector<16xf32>
      %add3A_220 = arith.addf %add3A_164, %mul3A_219 : vector<16xf32>
      %mul3A_221 = arith.mulf %gather3A_217, %gather3A_217 : vector<16xf32>
      %add3A_222 = arith.addf %add3A_166, %mul3A_221 : vector<16xf32>
      %mul3A_223 = arith.mulf %gather3A_218, %gather3A_218 : vector<16xf32>
      %add3A_224 = arith.addf %add3A_168, %mul3A_223 : vector<16xf32>
      %add3A_225 = arith.constant 12 : i32
      %add3A_226 = vector.broadcast %add3A_225 : i32 to vector<16xi32>
      %add3A_227 = arith.addi %iota3A, %add3A_226 : vector<16xi32>
      %and3A_228 = arith.constant 63 : i32
      %and3A_229 = vector.broadcast %and3A_228 : i32 to vector<16xi32>
      %and3A_230 = arith.andi %add3A_227, %and3A_229 : vector<16xi32>
      %gather3A_231 = tpu.vector_load_idx %arg7[%sub3A_70, %and3A_230] : memref<256x64xf32, #tpu.memory_space<vmem>>[vector<16xi32>, vector<16xi32>], vector<16xf32>,
      %gather3A_232 = tpu.vector_load_idx %arg6[%add3A_68, %and3A_230] : memref<512x64xf32, #tpu.memory_space<vmem>>[vector<16xi32>, vector<16xi32>], vector<16xf32>,
      %mul3A_233 = arith.mulf %gather3A_231, %gather3A_232 : vector<16xf32>
      %add3A_234 = arith.addf %add3A_178, %mul3A_233 : vector<16xf32>
      %mul3A_235 = arith.mulf %gather3A_231, %gather3A_231 : vector<16xf32>
      %add3A_236 = arith.addf %add3A_180, %mul3A_235 : vector<16xf32>
      %mul3A_237 = arith.mulf %gather3A_232, %gather3A_232 : vector<16xf32>
      %add3A_238 = arith.addf %add3A_182, %mul3A_237 : vector<16xf32>
      %add3A_239 = arith.constant 13 : i32
      %add3A_240 = vector.broadcast %add3A_239 : i32 to vector<16xi32>
      %add3A_241 = arith.addi %iota3A, %add3A_240 : vector<16xi32>
      %and3A_242 = arith.constant 63 : i32
      %and3A_243 = vector.broadcast %and3A_242 : i32 to vector<16xi32>
      %and3A_244 = arith.andi %add3A_241, %and3A_243 : vector<16xi32>
      %gather3A_245 = tpu.vector_load_idx %arg7[%sub3A_70, %and3A_244] : memref<256x64xf32, #tpu.memory_space<vmem>>[vector<16xi32>, vector<16xi32>], vector<16xf32>,
      %gather3A_246 = tpu.vector_load_idx %arg6[%add3A_68, %and3A_244] : memref<512x64xf32, #tpu.memory_space<vmem>>[vector<16xi32>, vector<16xi32>], vector<16xf32>,
      %mul3A_247 = arith.mulf %gather3A_245, %gather3A_246 : vector<16xf32>
      %add3A_248 = arith.addf %add3A_192, %mul3A_247 : vector<16xf32>
      %mul3A_249 = arith.mulf %gather3A_245, %gather3A_245 : vector<16xf32>
      %add3A_250 = arith.addf %add3A_194, %mul3A_249 : vector<16xf32>
      %mul3A_251 = arith.mulf %gather3A_246, %gather3A_246 : vector<16xf32>
      %add3A_252 = arith.addf %add3A_196, %mul3A_251 : vector<16xf32>
      %add3A_253 = arith.constant 14 : i32
      %add3A_254 = vector.broadcast %add3A_253 : i32 to vector<16xi32>
      %add3A_255 = arith.addi %iota3A, %add3A_254 : vector<16xi32>
      %and3A_256 = arith.constant 63 : i32
      %and3A_257 = vector.broadcast %and3A_256 : i32 to vector<16xi32>
      %and3A_258 = arith.andi %add3A_255, %and3A_257 : vector<16xi32>
      %gather3A_259 = tpu.vector_load_idx %arg7[%sub3A_70, %and3A_258] : memref<256x64xf32, #tpu.memory_space<vmem>>[vector<16xi32>, vector<16xi32>], vector<16xf32>,
      %gather3A_260 = tpu.vector_load_idx %arg6[%add3A_68, %and3A_258] : memref<512x64xf32, #tpu.memory_space<vmem>>[vector<16xi32>, vector<16xi32>], vector<16xf32>,
      %mul3A_261 = arith.mulf %gather3A_259, %gather3A_260 : vector<16xf32>
      %add3A_262 = arith.addf %add3A_206, %mul3A_261 : vector<16xf32>
      %mul3A_263 = arith.mulf %gather3A_259, %gather3A_259 : vector<16xf32>
      %add3A_264 = arith.addf %add3A_208, %mul3A_263 : vector<16xf32>
      %mul3A_265 = arith.mulf %gather3A_260, %gather3A_260 : vector<16xf32>
      %add3A_266 = arith.addf %add3A_210, %mul3A_265 : vector<16xf32>
      %add3A_267 = arith.constant 15 : i32
      %add3A_268 = vector.broadcast %add3A_267 : i32 to vector<16xi32>
      %add3A_269 = arith.addi %iota3A, %add3A_268 : vector<16xi32>
      %and3A_270 = arith.constant 63 : i32
      %and3A_271 = vector.broadcast %and3A_270 : i32 to vector<16xi32>
      %and3A_272 = arith.andi %add3A_269, %and3A_271 : vector<16xi32>
      %gather3A_273 = tpu.vector_load_idx %arg7[%sub3A_70, %and3A_272] : memref<256x64xf32, #tpu.memory_space<vmem>>[vector<16xi32>, vector<16xi32>], vector<16xf32>,
      %gather3A_274 = tpu.vector_load_idx %arg6[%add3A_68, %and3A_272] : memref<512x64xf32, #tpu.memory_space<vmem>>[vector<16xi32>, vector<16xi32>], vector<16xf32>,
      %mul3A_275 = arith.mulf %gather3A_273, %gather3A_274 : vector<16xf32>
      %add3A_276 = arith.addf %add3A_220, %mul3A_275 : vector<16xf32>
      %mul3A_277 = arith.mulf %gather3A_273, %gather3A_273 : vector<16xf32>
      %add3A_278 = arith.addf %add3A_222, %mul3A_277 : vector<16xf32>
      %mul3A_279 = arith.mulf %gather3A_274, %gather3A_274 : vector<16xf32>
      %add3A_280 = arith.addf %add3A_224, %mul3A_279 : vector<16xf32>
      %add3A_281 = arith.constant 16 : i32
      %add3A_282 = vector.broadcast %add3A_281 : i32 to vector<16xi32>
      %add3A_283 = arith.addi %iota3A, %add3A_282 : vector<16xi32>
      %and3A_284 = arith.constant 63 : i32
      %and3A_285 = vector.broadcast %and3A_284 : i32 to vector<16xi32>
      %and3A_286 = arith.andi %add3A_283, %and3A_285 : vector<16xi32>
      %gather3A_287 = tpu.vector_load_idx %arg7[%sub3A_70, %and3A_286] : memref<256x64xf32, #tpu.memory_space<vmem>>[vector<16xi32>, vector<16xi32>], vector<16xf32>,
      %gather3A_288 = tpu.vector_load_idx %arg6[%add3A_68, %and3A_286] : memref<512x64xf32, #tpu.memory_space<vmem>>[vector<16xi32>, vector<16xi32>], vector<16xf32>,
      %mul3A_289 = arith.mulf %gather3A_287, %gather3A_288 : vector<16xf32>
      %add3A_290 = arith.addf %add3A_234, %mul3A_289 : vector<16xf32>
      %mul3A_291 = arith.mulf %gather3A_287, %gather3A_287 : vector<16xf32>
      %add3A_292 = arith.addf %add3A_236, %mul3A_291 : vector<16xf32>
      %mul3A_293 = arith.mulf %gather3A_288, %gather3A_288 : vector<16xf32>
      %add3A_294 = arith.addf %add3A_238, %mul3A_293 : vector<16xf32>
      %add3A_295 = arith.constant 17 : i32
      %add3A_296 = vector.broadcast %add3A_295 : i32 to vector<16xi32>
      %add3A_297 = arith.addi %iota3A, %add3A_296 : vector<16xi32>
      %and3A_298 = arith.constant 63 : i32
      %and3A_299 = vector.broadcast %and3A_298 : i32 to vector<16xi32>
      %and3A_300 = arith.andi %add3A_297, %and3A_299 : vector<16xi32>
      %gather3A_301 = tpu.vector_load_idx %arg7[%sub3A_70, %and3A_300] : memref<256x64xf32, #tpu.memory_space<vmem>>[vector<16xi32>, vector<16xi32>], vector<16xf32>,
      %gather3A_302 = tpu.vector_load_idx %arg6[%add3A_68, %and3A_300] : memref<512x64xf32, #tpu.memory_space<vmem>>[vector<16xi32>, vector<16xi32>], vector<16xf32>,
      %mul3A_303 = arith.mulf %gather3A_301, %gather3A_302 : vector<16xf32>
      %add3A_304 = arith.addf %add3A_248, %mul3A_303 : vector<16xf32>
      %mul3A_305 = arith.mulf %gather3A_301, %gather3A_301 : vector<16xf32>
      %add3A_306 = arith.addf %add3A_250, %mul3A_305 : vector<16xf32>
      %mul3A_307 = arith.mulf %gather3A_302, %gather3A_302 : vector<16xf32>
      %add3A_308 = arith.addf %add3A_252, %mul3A_307 : vector<16xf32>
      %add3A_309 = arith.constant 18 : i32
      %add3A_310 = vector.broadcast %add3A_309 : i32 to vector<16xi32>
      %add3A_311 = arith.addi %iota3A, %add3A_310 : vector<16xi32>
      %and3A_312 = arith.constant 63 : i32
      %and3A_313 = vector.broadcast %and3A_312 : i32 to vector<16xi32>
      %and3A_314 = arith.andi %add3A_311, %and3A_313 : vector<16xi32>
      %gather3A_315 = tpu.vector_load_idx %arg7[%sub3A_70, %and3A_314] : memref<256x64xf32, #tpu.memory_space<vmem>>[vector<16xi32>, vector<16xi32>], vector<16xf32>,
      %gather3A_316 = tpu.vector_load_idx %arg6[%add3A_68, %and3A_314] : memref<512x64xf32, #tpu.memory_space<vmem>>[vector<16xi32>, vector<16xi32>], vector<16xf32>,
      %mul3A_317 = arith.mulf %gather3A_315, %gather3A_316 : vector<16xf32>
      %add3A_318 = arith.addf %add3A_262, %mul3A_317 : vector<16xf32>
      %mul3A_319 = arith.mulf %gather3A_315, %gather3A_315 : vector<16xf32>
      %add3A_320 = arith.addf %add3A_264, %mul3A_319 : vector<16xf32>
      %mul3A_321 = arith.mulf %gather3A_316, %gather3A_316 : vector<16xf32>
      %add3A_322 = arith.addf %add3A_266, %mul3A_321 : vector<16xf32>
      %add3A_323 = arith.constant 19 : i32
      %add3A_324 = vector.broadcast %add3A_323 : i32 to vector<16xi32>
      %add3A_325 = arith.addi %iota3A, %add3A_324 : vector<16xi32>
      %and3A_326 = arith.constant 63 : i32
      %and3A_327 = vector.broadcast %and3A_326 : i32 to vector<16xi32>
      %and3A_328 = arith.andi %add3A_325, %and3A_327 : vector<16xi32>
      %gather3A_329 = tpu.vector_load_idx %arg7[%sub3A_70, %and3A_328] : memref<256x64xf32, #tpu.memory_space<vmem>>[vector<16xi32>, vector<16xi32>], vector<16xf32>,
      %gather3A_330 = tpu.vector_load_idx %arg6[%add3A_68, %and3A_328] : memref<512x64xf32, #tpu.memory_space<vmem>>[vector<16xi32>, vector<16xi32>], vector<16xf32>,
      %mul3A_331 = arith.mulf %gather3A_329, %gather3A_330 : vector<16xf32>
      %add3A_332 = arith.addf %add3A_276, %mul3A_331 : vector<16xf32>
      %mul3A_333 = arith.mulf %gather3A_329, %gather3A_329 : vector<16xf32>
      %add3A_334 = arith.addf %add3A_278, %mul3A_333 : vector<16xf32>
      %mul3A_335 = arith.mulf %gather3A_330, %gather3A_330 : vector<16xf32>
      %add3A_336 = arith.addf %add3A_280, %mul3A_335 : vector<16xf32>
      %add3A_337 = arith.constant 20 : i32
      %add3A_338 = vector.broadcast %add3A_337 : i32 to vector<16xi32>
      %add3A_339 = arith.addi %iota3A, %add3A_338 : vector<16xi32>
      %and3A_340 = arith.constant 63 : i32
      %and3A_341 = vector.broadcast %and3A_340 : i32 to vector<16xi32>
      %and3A_342 = arith.andi %add3A_339, %and3A_341 : vector<16xi32>
      %gather3A_343 = tpu.vector_load_idx %arg7[%sub3A_70, %and3A_342] : memref<256x64xf32, #tpu.memory_space<vmem>>[vector<16xi32>, vector<16xi32>], vector<16xf32>,
      %gather3A_344 = tpu.vector_load_idx %arg6[%add3A_68, %and3A_342] : memref<512x64xf32, #tpu.memory_space<vmem>>[vector<16xi32>, vector<16xi32>], vector<16xf32>,
      %mul3A_345 = arith.mulf %gather3A_343, %gather3A_344 : vector<16xf32>
      %add3A_346 = arith.addf %add3A_290, %mul3A_345 : vector<16xf32>
      %mul3A_347 = arith.mulf %gather3A_343, %gather3A_343 : vector<16xf32>
      %add3A_348 = arith.addf %add3A_292, %mul3A_347 : vector<16xf32>
      %mul3A_349 = arith.mulf %gather3A_344, %gather3A_344 : vector<16xf32>
      %add3A_350 = arith.addf %add3A_294, %mul3A_349 : vector<16xf32>
      %add3A_351 = arith.constant 21 : i32
      %add3A_352 = vector.broadcast %add3A_351 : i32 to vector<16xi32>
      %add3A_353 = arith.addi %iota3A, %add3A_352 : vector<16xi32>
      %and3A_354 = arith.constant 63 : i32
      %and3A_355 = vector.broadcast %and3A_354 : i32 to vector<16xi32>
      %and3A_356 = arith.andi %add3A_353, %and3A_355 : vector<16xi32>
      %gather3A_357 = tpu.vector_load_idx %arg7[%sub3A_70, %and3A_356] : memref<256x64xf32, #tpu.memory_space<vmem>>[vector<16xi32>, vector<16xi32>], vector<16xf32>,
      %gather3A_358 = tpu.vector_load_idx %arg6[%add3A_68, %and3A_356] : memref<512x64xf32, #tpu.memory_space<vmem>>[vector<16xi32>, vector<16xi32>], vector<16xf32>,
      %mul3A_359 = arith.mulf %gather3A_357, %gather3A_358 : vector<16xf32>
      %add3A_360 = arith.addf %add3A_304, %mul3A_359 : vector<16xf32>
      %mul3A_361 = arith.mulf %gather3A_357, %gather3A_357 : vector<16xf32>
      %add3A_362 = arith.addf %add3A_306, %mul3A_361 : vector<16xf32>
      %mul3A_363 = arith.mulf %gather3A_358, %gather3A_358 : vector<16xf32>
      %add3A_364 = arith.addf %add3A_308, %mul3A_363 : vector<16xf32>
      %add3A_365 = arith.constant 22 : i32
      %add3A_366 = vector.broadcast %add3A_365 : i32 to vector<16xi32>
      %add3A_367 = arith.addi %iota3A, %add3A_366 : vector<16xi32>
      %and3A_368 = arith.constant 63 : i32
      %and3A_369 = vector.broadcast %and3A_368 : i32 to vector<16xi32>
      %and3A_370 = arith.andi %add3A_367, %and3A_369 : vector<16xi32>
      %gather3A_371 = tpu.vector_load_idx %arg7[%sub3A_70, %and3A_370] : memref<256x64xf32, #tpu.memory_space<vmem>>[vector<16xi32>, vector<16xi32>], vector<16xf32>,
      %gather3A_372 = tpu.vector_load_idx %arg6[%add3A_68, %and3A_370] : memref<512x64xf32, #tpu.memory_space<vmem>>[vector<16xi32>, vector<16xi32>], vector<16xf32>,
      %mul3A_373 = arith.mulf %gather3A_371, %gather3A_372 : vector<16xf32>
      %add3A_374 = arith.addf %add3A_318, %mul3A_373 : vector<16xf32>
      %mul3A_375 = arith.mulf %gather3A_371, %gather3A_371 : vector<16xf32>
      %add3A_376 = arith.addf %add3A_320, %mul3A_375 : vector<16xf32>
      %mul3A_377 = arith.mulf %gather3A_372, %gather3A_372 : vector<16xf32>
      %add3A_378 = arith.addf %add3A_322, %mul3A_377 : vector<16xf32>
      %add3A_379 = arith.constant 23 : i32
      %add3A_380 = vector.broadcast %add3A_379 : i32 to vector<16xi32>
      %add3A_381 = arith.addi %iota3A, %add3A_380 : vector<16xi32>
      %and3A_382 = arith.constant 63 : i32
      %and3A_383 = vector.broadcast %and3A_382 : i32 to vector<16xi32>
      %and3A_384 = arith.andi %add3A_381, %and3A_383 : vector<16xi32>
      %gather3A_385 = tpu.vector_load_idx %arg7[%sub3A_70, %and3A_384] : memref<256x64xf32, #tpu.memory_space<vmem>>[vector<16xi32>, vector<16xi32>], vector<16xf32>,
      %gather3A_386 = tpu.vector_load_idx %arg6[%add3A_68, %and3A_384] : memref<512x64xf32, #tpu.memory_space<vmem>>[vector<16xi32>, vector<16xi32>], vector<16xf32>,
      %mul3A_387 = arith.mulf %gather3A_385, %gather3A_386 : vector<16xf32>
      %add3A_388 = arith.addf %add3A_332, %mul3A_387 : vector<16xf32>
      %mul3A_389 = arith.mulf %gather3A_385, %gather3A_385 : vector<16xf32>
      %add3A_390 = arith.addf %add3A_334, %mul3A_389 : vector<16xf32>
      %mul3A_391 = arith.mulf %gather3A_386, %gather3A_386 : vector<16xf32>
      %add3A_392 = arith.addf %add3A_336, %mul3A_391 : vector<16xf32>
      %add3A_393 = arith.constant 24 : i32
      %add3A_394 = vector.broadcast %add3A_393 : i32 to vector<16xi32>
      %add3A_395 = arith.addi %iota3A, %add3A_394 : vector<16xi32>
      %and3A_396 = arith.constant 63 : i32
      %and3A_397 = vector.broadcast %and3A_396 : i32 to vector<16xi32>
      %and3A_398 = arith.andi %add3A_395, %and3A_397 : vector<16xi32>
      %gather3A_399 = tpu.vector_load_idx %arg7[%sub3A_70, %and3A_398] : memref<256x64xf32, #tpu.memory_space<vmem>>[vector<16xi32>, vector<16xi32>], vector<16xf32>,
      %gather3A_400 = tpu.vector_load_idx %arg6[%add3A_68, %and3A_398] : memref<512x64xf32, #tpu.memory_space<vmem>>[vector<16xi32>, vector<16xi32>], vector<16xf32>,
      %mul3A_401 = arith.mulf %gather3A_399, %gather3A_400 : vector<16xf32>
      %add3A_402 = arith.addf %add3A_346, %mul3A_401 : vector<16xf32>
      %mul3A_403 = arith.mulf %gather3A_399, %gather3A_399 : vector<16xf32>
      %add3A_404 = arith.addf %add3A_348, %mul3A_403 : vector<16xf32>
      %mul3A_405 = arith.mulf %gather3A_400, %gather3A_400 : vector<16xf32>
      %add3A_406 = arith.addf %add3A_350, %mul3A_405 : vector<16xf32>
      %add3A_407 = arith.constant 25 : i32
      %add3A_408 = vector.broadcast %add3A_407 : i32 to vector<16xi32>
      %add3A_409 = arith.addi %iota3A, %add3A_408 : vector<16xi32>
      %and3A_410 = arith.constant 63 : i32
      %and3A_411 = vector.broadcast %and3A_410 : i32 to vector<16xi32>
      %and3A_412 = arith.andi %add3A_409, %and3A_411 : vector<16xi32>
      %gather3A_413 = tpu.vector_load_idx %arg7[%sub3A_70, %and3A_412] : memref<256x64xf32, #tpu.memory_space<vmem>>[vector<16xi32>, vector<16xi32>], vector<16xf32>,
      %gather3A_414 = tpu.vector_load_idx %arg6[%add3A_68, %and3A_412] : memref<512x64xf32, #tpu.memory_space<vmem>>[vector<16xi32>, vector<16xi32>], vector<16xf32>,
      %mul3A_415 = arith.mulf %gather3A_413, %gather3A_414 : vector<16xf32>
      %add3A_416 = arith.addf %add3A_360, %mul3A_415 : vector<16xf32>
      %mul3A_417 = arith.mulf %gather3A_413, %gather3A_413 : vector<16xf32>
      %add3A_418 = arith.addf %add3A_362, %mul3A_417 : vector<16xf32>
      %mul3A_419 = arith.mulf %gather3A_414, %gather3A_414 : vector<16xf32>
      %add3A_420 = arith.addf %add3A_364, %mul3A_419 : vector<16xf32>
      %add3A_421 = arith.constant 26 : i32
      %add3A_422 = vector.broadcast %add3A_421 : i32 to vector<16xi32>
      %add3A_423 = arith.addi %iota3A, %add3A_422 : vector<16xi32>
      %and3A_424 = arith.constant 63 : i32
      %and3A_425 = vector.broadcast %and3A_424 : i32 to vector<16xi32>
      %and3A_426 = arith.andi %add3A_423, %and3A_425 : vector<16xi32>
      %gather3A_427 = tpu.vector_load_idx %arg7[%sub3A_70, %and3A_426] : memref<256x64xf32, #tpu.memory_space<vmem>>[vector<16xi32>, vector<16xi32>], vector<16xf32>,
      %gather3A_428 = tpu.vector_load_idx %arg6[%add3A_68, %and3A_426] : memref<512x64xf32, #tpu.memory_space<vmem>>[vector<16xi32>, vector<16xi32>], vector<16xf32>,
      %mul3A_429 = arith.mulf %gather3A_427, %gather3A_428 : vector<16xf32>
      %add3A_430 = arith.addf %add3A_374, %mul3A_429 : vector<16xf32>
      %mul3A_431 = arith.mulf %gather3A_427, %gather3A_427 : vector<16xf32>
      %add3A_432 = arith.addf %add3A_376, %mul3A_431 : vector<16xf32>
      %mul3A_433 = arith.mulf %gather3A_428, %gather3A_428 : vector<16xf32>
      %add3A_434 = arith.addf %add3A_378, %mul3A_433 : vector<16xf32>
      %add3A_435 = arith.constant 27 : i32
      %add3A_436 = vector.broadcast %add3A_435 : i32 to vector<16xi32>
      %add3A_437 = arith.addi %iota3A, %add3A_436 : vector<16xi32>
      %and3A_438 = arith.constant 63 : i32
      %and3A_439 = vector.broadcast %and3A_438 : i32 to vector<16xi32>
      %and3A_440 = arith.andi %add3A_437, %and3A_439 : vector<16xi32>
      %gather3A_441 = tpu.vector_load_idx %arg7[%sub3A_70, %and3A_440] : memref<256x64xf32, #tpu.memory_space<vmem>>[vector<16xi32>, vector<16xi32>], vector<16xf32>,
      %gather3A_442 = tpu.vector_load_idx %arg6[%add3A_68, %and3A_440] : memref<512x64xf32, #tpu.memory_space<vmem>>[vector<16xi32>, vector<16xi32>], vector<16xf32>,
      %mul3A_443 = arith.mulf %gather3A_441, %gather3A_442 : vector<16xf32>
      %add3A_444 = arith.addf %add3A_388, %mul3A_443 : vector<16xf32>
      %mul3A_445 = arith.mulf %gather3A_441, %gather3A_441 : vector<16xf32>
      %add3A_446 = arith.addf %add3A_390, %mul3A_445 : vector<16xf32>
      %mul3A_447 = arith.mulf %gather3A_442, %gather3A_442 : vector<16xf32>
      %add3A_448 = arith.addf %add3A_392, %mul3A_447 : vector<16xf32>
      %add3A_449 = arith.constant 28 : i32
      %add3A_450 = vector.broadcast %add3A_449 : i32 to vector<16xi32>
      %add3A_451 = arith.addi %iota3A, %add3A_450 : vector<16xi32>
      %and3A_452 = arith.constant 63 : i32
      %and3A_453 = vector.broadcast %and3A_452 : i32 to vector<16xi32>
      %and3A_454 = arith.andi %add3A_451, %and3A_453 : vector<16xi32>
      %gather3A_455 = tpu.vector_load_idx %arg7[%sub3A_70, %and3A_454] : memref<256x64xf32, #tpu.memory_space<vmem>>[vector<16xi32>, vector<16xi32>], vector<16xf32>,
      %gather3A_456 = tpu.vector_load_idx %arg6[%add3A_68, %and3A_454] : memref<512x64xf32, #tpu.memory_space<vmem>>[vector<16xi32>, vector<16xi32>], vector<16xf32>,
      %mul3A_457 = arith.mulf %gather3A_455, %gather3A_456 : vector<16xf32>
      %add3A_458 = arith.addf %add3A_402, %mul3A_457 : vector<16xf32>
      %mul3A_459 = arith.mulf %gather3A_455, %gather3A_455 : vector<16xf32>
      %add3A_460 = arith.addf %add3A_404, %mul3A_459 : vector<16xf32>
      %mul3A_461 = arith.mulf %gather3A_456, %gather3A_456 : vector<16xf32>
      %add3A_462 = arith.addf %add3A_406, %mul3A_461 : vector<16xf32>
      %add3A_463 = arith.constant 29 : i32
      %add3A_464 = vector.broadcast %add3A_463 : i32 to vector<16xi32>
      %add3A_465 = arith.addi %iota3A, %add3A_464 : vector<16xi32>
      %and3A_466 = arith.constant 63 : i32
      %and3A_467 = vector.broadcast %and3A_466 : i32 to vector<16xi32>
      %and3A_468 = arith.andi %add3A_465, %and3A_467 : vector<16xi32>
      %gather3A_469 = tpu.vector_load_idx %arg7[%sub3A_70, %and3A_468] : memref<256x64xf32, #tpu.memory_space<vmem>>[vector<16xi32>, vector<16xi32>], vector<16xf32>,
      %gather3A_470 = tpu.vector_load_idx %arg6[%add3A_68, %and3A_468] : memref<512x64xf32, #tpu.memory_space<vmem>>[vector<16xi32>, vector<16xi32>], vector<16xf32>,
      %mul3A_471 = arith.mulf %gather3A_469, %gather3A_470 : vector<16xf32>
      %add3A_472 = arith.addf %add3A_416, %mul3A_471 : vector<16xf32>
      %mul3A_473 = arith.mulf %gather3A_469, %gather3A_469 : vector<16xf32>
      %add3A_474 = arith.addf %add3A_418, %mul3A_473 : vector<16xf32>
      %mul3A_475 = arith.mulf %gather3A_470, %gather3A_470 : vector<16xf32>
      %add3A_476 = arith.addf %add3A_420, %mul3A_475 : vector<16xf32>
      %add3A_477 = arith.constant 30 : i32
      %add3A_478 = vector.broadcast %add3A_477 : i32 to vector<16xi32>
      %add3A_479 = arith.addi %iota3A, %add3A_478 : vector<16xi32>
      %and3A_480 = arith.constant 63 : i32
      %and3A_481 = vector.broadcast %and3A_480 : i32 to vector<16xi32>
      %and3A_482 = arith.andi %add3A_479, %and3A_481 : vector<16xi32>
      %gather3A_483 = tpu.vector_load_idx %arg7[%sub3A_70, %and3A_482] : memref<256x64xf32, #tpu.memory_space<vmem>>[vector<16xi32>, vector<16xi32>], vector<16xf32>,
      %gather3A_484 = tpu.vector_load_idx %arg6[%add3A_68, %and3A_482] : memref<512x64xf32, #tpu.memory_space<vmem>>[vector<16xi32>, vector<16xi32>], vector<16xf32>,
      %mul3A_485 = arith.mulf %gather3A_483, %gather3A_484 : vector<16xf32>
      %add3A_486 = arith.addf %add3A_430, %mul3A_485 : vector<16xf32>
      %mul3A_487 = arith.mulf %gather3A_483, %gather3A_483 : vector<16xf32>
      %add3A_488 = arith.addf %add3A_432, %mul3A_487 : vector<16xf32>
      %mul3A_489 = arith.mulf %gather3A_484, %gather3A_484 : vector<16xf32>
      %add3A_490 = arith.addf %add3A_434, %mul3A_489 : vector<16xf32>
      %add3A_491 = arith.constant 31 : i32
      %add3A_492 = vector.broadcast %add3A_491 : i32 to vector<16xi32>
      %add3A_493 = arith.addi %iota3A, %add3A_492 : vector<16xi32>
      %and3A_494 = arith.constant 63 : i32
      %and3A_495 = vector.broadcast %and3A_494 : i32 to vector<16xi32>
      %and3A_496 = arith.andi %add3A_493, %and3A_495 : vector<16xi32>
      %gather3A_497 = tpu.vector_load_idx %arg7[%sub3A_70, %and3A_496] : memref<256x64xf32, #tpu.memory_space<vmem>>[vector<16xi32>, vector<16xi32>], vector<16xf32>,
      %gather3A_498 = tpu.vector_load_idx %arg6[%add3A_68, %and3A_496] : memref<512x64xf32, #tpu.memory_space<vmem>>[vector<16xi32>, vector<16xi32>], vector<16xf32>,
      %mul3A_499 = arith.mulf %gather3A_497, %gather3A_498 : vector<16xf32>
      %add3A_500 = arith.addf %add3A_444, %mul3A_499 : vector<16xf32>
      %mul3A_501 = arith.mulf %gather3A_497, %gather3A_497 : vector<16xf32>
      %add3A_502 = arith.addf %add3A_446, %mul3A_501 : vector<16xf32>
      %mul3A_503 = arith.mulf %gather3A_498, %gather3A_498 : vector<16xf32>
      %add3A_504 = arith.addf %add3A_448, %mul3A_503 : vector<16xf32>
      %add3A_505 = arith.constant 32 : i32
      %add3A_506 = vector.broadcast %add3A_505 : i32 to vector<16xi32>
      %add3A_507 = arith.addi %iota3A, %add3A_506 : vector<16xi32>
      %and3A_508 = arith.constant 63 : i32
      %and3A_509 = vector.broadcast %and3A_508 : i32 to vector<16xi32>
      %and3A_510 = arith.andi %add3A_507, %and3A_509 : vector<16xi32>
      %gather3A_511 = tpu.vector_load_idx %arg7[%sub3A_70, %and3A_510] : memref<256x64xf32, #tpu.memory_space<vmem>>[vector<16xi32>, vector<16xi32>], vector<16xf32>,
      %gather3A_512 = tpu.vector_load_idx %arg6[%add3A_68, %and3A_510] : memref<512x64xf32, #tpu.memory_space<vmem>>[vector<16xi32>, vector<16xi32>], vector<16xf32>,
      %mul3A_513 = arith.mulf %gather3A_511, %gather3A_512 : vector<16xf32>
      %add3A_514 = arith.addf %add3A_458, %mul3A_513 : vector<16xf32>
      %mul3A_515 = arith.mulf %gather3A_511, %gather3A_511 : vector<16xf32>
      %add3A_516 = arith.addf %add3A_460, %mul3A_515 : vector<16xf32>
      %mul3A_517 = arith.mulf %gather3A_512, %gather3A_512 : vector<16xf32>
      %add3A_518 = arith.addf %add3A_462, %mul3A_517 : vector<16xf32>
      %add3A_519 = arith.constant 33 : i32
      %add3A_520 = vector.broadcast %add3A_519 : i32 to vector<16xi32>
      %add3A_521 = arith.addi %iota3A, %add3A_520 : vector<16xi32>
      %and3A_522 = arith.constant 63 : i32
      %and3A_523 = vector.broadcast %and3A_522 : i32 to vector<16xi32>
      %and3A_524 = arith.andi %add3A_521, %and3A_523 : vector<16xi32>
      %gather3A_525 = tpu.vector_load_idx %arg7[%sub3A_70, %and3A_524] : memref<256x64xf32, #tpu.memory_space<vmem>>[vector<16xi32>, vector<16xi32>], vector<16xf32>,
      %gather3A_526 = tpu.vector_load_idx %arg6[%add3A_68, %and3A_524] : memref<512x64xf32, #tpu.memory_space<vmem>>[vector<16xi32>, vector<16xi32>], vector<16xf32>,
      %mul3A_527 = arith.mulf %gather3A_525, %gather3A_526 : vector<16xf32>
      %add3A_528 = arith.addf %add3A_472, %mul3A_527 : vector<16xf32>
      %mul3A_529 = arith.mulf %gather3A_525, %gather3A_525 : vector<16xf32>
      %add3A_530 = arith.addf %add3A_474, %mul3A_529 : vector<16xf32>
      %mul3A_531 = arith.mulf %gather3A_526, %gather3A_526 : vector<16xf32>
      %add3A_532 = arith.addf %add3A_476, %mul3A_531 : vector<16xf32>
      %add3A_533 = arith.constant 34 : i32
      %add3A_534 = vector.broadcast %add3A_533 : i32 to vector<16xi32>
      %add3A_535 = arith.addi %iota3A, %add3A_534 : vector<16xi32>
      %and3A_536 = arith.constant 63 : i32
      %and3A_537 = vector.broadcast %and3A_536 : i32 to vector<16xi32>
      %and3A_538 = arith.andi %add3A_535, %and3A_537 : vector<16xi32>
      %gather3A_539 = tpu.vector_load_idx %arg7[%sub3A_70, %and3A_538] : memref<256x64xf32, #tpu.memory_space<vmem>>[vector<16xi32>, vector<16xi32>], vector<16xf32>,
      %gather3A_540 = tpu.vector_load_idx %arg6[%add3A_68, %and3A_538] : memref<512x64xf32, #tpu.memory_space<vmem>>[vector<16xi32>, vector<16xi32>], vector<16xf32>,
      %mul3A_541 = arith.mulf %gather3A_539, %gather3A_540 : vector<16xf32>
      %add3A_542 = arith.addf %add3A_486, %mul3A_541 : vector<16xf32>
      %mul3A_543 = arith.mulf %gather3A_539, %gather3A_539 : vector<16xf32>
      %add3A_544 = arith.addf %add3A_488, %mul3A_543 : vector<16xf32>
      %mul3A_545 = arith.mulf %gather3A_540, %gather3A_540 : vector<16xf32>
      %add3A_546 = arith.addf %add3A_490, %mul3A_545 : vector<16xf32>
      %add3A_547 = arith.constant 35 : i32
      %add3A_548 = vector.broadcast %add3A_547 : i32 to vector<16xi32>
      %add3A_549 = arith.addi %iota3A, %add3A_548 : vector<16xi32>
      %and3A_550 = arith.constant 63 : i32
      %and3A_551 = vector.broadcast %and3A_550 : i32 to vector<16xi32>
      %and3A_552 = arith.andi %add3A_549, %and3A_551 : vector<16xi32>
      %gather3A_553 = tpu.vector_load_idx %arg7[%sub3A_70, %and3A_552] : memref<256x64xf32, #tpu.memory_space<vmem>>[vector<16xi32>, vector<16xi32>], vector<16xf32>,
      %gather3A_554 = tpu.vector_load_idx %arg6[%add3A_68, %and3A_552] : memref<512x64xf32, #tpu.memory_space<vmem>>[vector<16xi32>, vector<16xi32>], vector<16xf32>,
      %mul3A_555 = arith.mulf %gather3A_553, %gather3A_554 : vector<16xf32>
      %add3A_556 = arith.addf %add3A_500, %mul3A_555 : vector<16xf32>
      %mul3A_557 = arith.mulf %gather3A_553, %gather3A_553 : vector<16xf32>
      %add3A_558 = arith.addf %add3A_502, %mul3A_557 : vector<16xf32>
      %mul3A_559 = arith.mulf %gather3A_554, %gather3A_554 : vector<16xf32>
      %add3A_560 = arith.addf %add3A_504, %mul3A_559 : vector<16xf32>
      %add3A_561 = arith.constant 36 : i32
      %add3A_562 = vector.broadcast %add3A_561 : i32 to vector<16xi32>
      %add3A_563 = arith.addi %iota3A, %add3A_562 : vector<16xi32>
      %and3A_564 = arith.constant 63 : i32
      %and3A_565 = vector.broadcast %and3A_564 : i32 to vector<16xi32>
      %and3A_566 = arith.andi %add3A_563, %and3A_565 : vector<16xi32>
      %gather3A_567 = tpu.vector_load_idx %arg7[%sub3A_70, %and3A_566] : memref<256x64xf32, #tpu.memory_space<vmem>>[vector<16xi32>, vector<16xi32>], vector<16xf32>,
      %gather3A_568 = tpu.vector_load_idx %arg6[%add3A_68, %and3A_566] : memref<512x64xf32, #tpu.memory_space<vmem>>[vector<16xi32>, vector<16xi32>], vector<16xf32>,
      %mul3A_569 = arith.mulf %gather3A_567, %gather3A_568 : vector<16xf32>
      %add3A_570 = arith.addf %add3A_514, %mul3A_569 : vector<16xf32>
      %mul3A_571 = arith.mulf %gather3A_567, %gather3A_567 : vector<16xf32>
      %add3A_572 = arith.addf %add3A_516, %mul3A_571 : vector<16xf32>
      %mul3A_573 = arith.mulf %gather3A_568, %gather3A_568 : vector<16xf32>
      %add3A_574 = arith.addf %add3A_518, %mul3A_573 : vector<16xf32>
      %add3A_575 = arith.constant 37 : i32
      %add3A_576 = vector.broadcast %add3A_575 : i32 to vector<16xi32>
      %add3A_577 = arith.addi %iota3A, %add3A_576 : vector<16xi32>
      %and3A_578 = arith.constant 63 : i32
      %and3A_579 = vector.broadcast %and3A_578 : i32 to vector<16xi32>
      %and3A_580 = arith.andi %add3A_577, %and3A_579 : vector<16xi32>
      %gather3A_581 = tpu.vector_load_idx %arg7[%sub3A_70, %and3A_580] : memref<256x64xf32, #tpu.memory_space<vmem>>[vector<16xi32>, vector<16xi32>], vector<16xf32>,
      %gather3A_582 = tpu.vector_load_idx %arg6[%add3A_68, %and3A_580] : memref<512x64xf32, #tpu.memory_space<vmem>>[vector<16xi32>, vector<16xi32>], vector<16xf32>,
      %mul3A_583 = arith.mulf %gather3A_581, %gather3A_582 : vector<16xf32>
      %add3A_584 = arith.addf %add3A_528, %mul3A_583 : vector<16xf32>
      %mul3A_585 = arith.mulf %gather3A_581, %gather3A_581 : vector<16xf32>
      %add3A_586 = arith.addf %add3A_530, %mul3A_585 : vector<16xf32>
      %mul3A_587 = arith.mulf %gather3A_582, %gather3A_582 : vector<16xf32>
      %add3A_588 = arith.addf %add3A_532, %mul3A_587 : vector<16xf32>
      %add3A_589 = arith.constant 38 : i32
      %add3A_590 = vector.broadcast %add3A_589 : i32 to vector<16xi32>
      %add3A_591 = arith.addi %iota3A, %add3A_590 : vector<16xi32>
      %and3A_592 = arith.constant 63 : i32
      %and3A_593 = vector.broadcast %and3A_592 : i32 to vector<16xi32>
      %and3A_594 = arith.andi %add3A_591, %and3A_593 : vector<16xi32>
      %gather3A_595 = tpu.vector_load_idx %arg7[%sub3A_70, %and3A_594] : memref<256x64xf32, #tpu.memory_space<vmem>>[vector<16xi32>, vector<16xi32>], vector<16xf32>,
      %gather3A_596 = tpu.vector_load_idx %arg6[%add3A_68, %and3A_594] : memref<512x64xf32, #tpu.memory_space<vmem>>[vector<16xi32>, vector<16xi32>], vector<16xf32>,
      %mul3A_597 = arith.mulf %gather3A_595, %gather3A_596 : vector<16xf32>
      %add3A_598 = arith.addf %add3A_542, %mul3A_597 : vector<16xf32>
      %mul3A_599 = arith.mulf %gather3A_595, %gather3A_595 : vector<16xf32>
      %add3A_600 = arith.addf %add3A_544, %mul3A_599 : vector<16xf32>
      %mul3A_601 = arith.mulf %gather3A_596, %gather3A_596 : vector<16xf32>
      %add3A_602 = arith.addf %add3A_546, %mul3A_601 : vector<16xf32>
      %add3A_603 = arith.constant 39 : i32
      %add3A_604 = vector.broadcast %add3A_603 : i32 to vector<16xi32>
      %add3A_605 = arith.addi %iota3A, %add3A_604 : vector<16xi32>
      %and3A_606 = arith.constant 63 : i32
      %and3A_607 = vector.broadcast %and3A_606 : i32 to vector<16xi32>
      %and3A_608 = arith.andi %add3A_605, %and3A_607 : vector<16xi32>
      %gather3A_609 = tpu.vector_load_idx %arg7[%sub3A_70, %and3A_608] : memref<256x64xf32, #tpu.memory_space<vmem>>[vector<16xi32>, vector<16xi32>], vector<16xf32>,
      %gather3A_610 = tpu.vector_load_idx %arg6[%add3A_68, %and3A_608] : memref<512x64xf32, #tpu.memory_space<vmem>>[vector<16xi32>, vector<16xi32>], vector<16xf32>,
      %mul3A_611 = arith.mulf %gather3A_609, %gather3A_610 : vector<16xf32>
      %add3A_612 = arith.addf %add3A_556, %mul3A_611 : vector<16xf32>
      %mul3A_613 = arith.mulf %gather3A_609, %gather3A_609 : vector<16xf32>
      %add3A_614 = arith.addf %add3A_558, %mul3A_613 : vector<16xf32>
      %mul3A_615 = arith.mulf %gather3A_610, %gather3A_610 : vector<16xf32>
      %add3A_616 = arith.addf %add3A_560, %mul3A_615 : vector<16xf32>
      %add3A_617 = arith.constant 40 : i32
      %add3A_618 = vector.broadcast %add3A_617 : i32 to vector<16xi32>
      %add3A_619 = arith.addi %iota3A, %add3A_618 : vector<16xi32>
      %and3A_620 = arith.constant 63 : i32
      %and3A_621 = vector.broadcast %and3A_620 : i32 to vector<16xi32>
      %and3A_622 = arith.andi %add3A_619, %and3A_621 : vector<16xi32>
      %gather3A_623 = tpu.vector_load_idx %arg7[%sub3A_70, %and3A_622] : memref<256x64xf32, #tpu.memory_space<vmem>>[vector<16xi32>, vector<16xi32>], vector<16xf32>,
      %gather3A_624 = tpu.vector_load_idx %arg6[%add3A_68, %and3A_622] : memref<512x64xf32, #tpu.memory_space<vmem>>[vector<16xi32>, vector<16xi32>], vector<16xf32>,
      %mul3A_625 = arith.mulf %gather3A_623, %gather3A_624 : vector<16xf32>
      %add3A_626 = arith.addf %add3A_570, %mul3A_625 : vector<16xf32>
      %mul3A_627 = arith.mulf %gather3A_623, %gather3A_623 : vector<16xf32>
      %add3A_628 = arith.addf %add3A_572, %mul3A_627 : vector<16xf32>
      %mul3A_629 = arith.mulf %gather3A_624, %gather3A_624 : vector<16xf32>
      %add3A_630 = arith.addf %add3A_574, %mul3A_629 : vector<16xf32>
      %add3A_631 = arith.constant 41 : i32
      %add3A_632 = vector.broadcast %add3A_631 : i32 to vector<16xi32>
      %add3A_633 = arith.addi %iota3A, %add3A_632 : vector<16xi32>
      %and3A_634 = arith.constant 63 : i32
      %and3A_635 = vector.broadcast %and3A_634 : i32 to vector<16xi32>
      %and3A_636 = arith.andi %add3A_633, %and3A_635 : vector<16xi32>
      %gather3A_637 = tpu.vector_load_idx %arg7[%sub3A_70, %and3A_636] : memref<256x64xf32, #tpu.memory_space<vmem>>[vector<16xi32>, vector<16xi32>], vector<16xf32>,
      %gather3A_638 = tpu.vector_load_idx %arg6[%add3A_68, %and3A_636] : memref<512x64xf32, #tpu.memory_space<vmem>>[vector<16xi32>, vector<16xi32>], vector<16xf32>,
      %mul3A_639 = arith.mulf %gather3A_637, %gather3A_638 : vector<16xf32>
      %add3A_640 = arith.addf %add3A_584, %mul3A_639 : vector<16xf32>
      %mul3A_641 = arith.mulf %gather3A_637, %gather3A_637 : vector<16xf32>
      %add3A_642 = arith.addf %add3A_586, %mul3A_641 : vector<16xf32>
      %mul3A_643 = arith.mulf %gather3A_638, %gather3A_638 : vector<16xf32>
      %add3A_644 = arith.addf %add3A_588, %mul3A_643 : vector<16xf32>
      %add3A_645 = arith.constant 42 : i32
      %add3A_646 = vector.broadcast %add3A_645 : i32 to vector<16xi32>
      %add3A_647 = arith.addi %iota3A, %add3A_646 : vector<16xi32>
      %and3A_648 = arith.constant 63 : i32
      %and3A_649 = vector.broadcast %and3A_648 : i32 to vector<16xi32>
      %and3A_650 = arith.andi %add3A_647, %and3A_649 : vector<16xi32>
      %gather3A_651 = tpu.vector_load_idx %arg7[%sub3A_70, %and3A_650] : memref<256x64xf32, #tpu.memory_space<vmem>>[vector<16xi32>, vector<16xi32>], vector<16xf32>,
      %gather3A_652 = tpu.vector_load_idx %arg6[%add3A_68, %and3A_650] : memref<512x64xf32, #tpu.memory_space<vmem>>[vector<16xi32>, vector<16xi32>], vector<16xf32>,
      %mul3A_653 = arith.mulf %gather3A_651, %gather3A_652 : vector<16xf32>
      %add3A_654 = arith.addf %add3A_598, %mul3A_653 : vector<16xf32>
      %mul3A_655 = arith.mulf %gather3A_651, %gather3A_651 : vector<16xf32>
      %add3A_656 = arith.addf %add3A_600, %mul3A_655 : vector<16xf32>
      %mul3A_657 = arith.mulf %gather3A_652, %gather3A_652 : vector<16xf32>
      %add3A_658 = arith.addf %add3A_602, %mul3A_657 : vector<16xf32>
      %add3A_659 = arith.constant 43 : i32
      %add3A_660 = vector.broadcast %add3A_659 : i32 to vector<16xi32>
      %add3A_661 = arith.addi %iota3A, %add3A_660 : vector<16xi32>
      %and3A_662 = arith.constant 63 : i32
      %and3A_663 = vector.broadcast %and3A_662 : i32 to vector<16xi32>
      %and3A_664 = arith.andi %add3A_661, %and3A_663 : vector<16xi32>
      %gather3A_665 = tpu.vector_load_idx %arg7[%sub3A_70, %and3A_664] : memref<256x64xf32, #tpu.memory_space<vmem>>[vector<16xi32>, vector<16xi32>], vector<16xf32>,
      %gather3A_666 = tpu.vector_load_idx %arg6[%add3A_68, %and3A_664] : memref<512x64xf32, #tpu.memory_space<vmem>>[vector<16xi32>, vector<16xi32>], vector<16xf32>,
      %mul3A_667 = arith.mulf %gather3A_665, %gather3A_666 : vector<16xf32>
      %add3A_668 = arith.addf %add3A_612, %mul3A_667 : vector<16xf32>
      %mul3A_669 = arith.mulf %gather3A_665, %gather3A_665 : vector<16xf32>
      %add3A_670 = arith.addf %add3A_614, %mul3A_669 : vector<16xf32>
      %mul3A_671 = arith.mulf %gather3A_666, %gather3A_666 : vector<16xf32>
      %add3A_672 = arith.addf %add3A_616, %mul3A_671 : vector<16xf32>
      %add3A_673 = arith.constant 44 : i32
      %add3A_674 = vector.broadcast %add3A_673 : i32 to vector<16xi32>
      %add3A_675 = arith.addi %iota3A, %add3A_674 : vector<16xi32>
      %and3A_676 = arith.constant 63 : i32
      %and3A_677 = vector.broadcast %and3A_676 : i32 to vector<16xi32>
      %and3A_678 = arith.andi %add3A_675, %and3A_677 : vector<16xi32>
      %gather3A_679 = tpu.vector_load_idx %arg7[%sub3A_70, %and3A_678] : memref<256x64xf32, #tpu.memory_space<vmem>>[vector<16xi32>, vector<16xi32>], vector<16xf32>,
      %gather3A_680 = tpu.vector_load_idx %arg6[%add3A_68, %and3A_678] : memref<512x64xf32, #tpu.memory_space<vmem>>[vector<16xi32>, vector<16xi32>], vector<16xf32>,
      %mul3A_681 = arith.mulf %gather3A_679, %gather3A_680 : vector<16xf32>
      %add3A_682 = arith.addf %add3A_626, %mul3A_681 : vector<16xf32>
      %mul3A_683 = arith.mulf %gather3A_679, %gather3A_679 : vector<16xf32>
      %add3A_684 = arith.addf %add3A_628, %mul3A_683 : vector<16xf32>
      %mul3A_685 = arith.mulf %gather3A_680, %gather3A_680 : vector<16xf32>
      %add3A_686 = arith.addf %add3A_630, %mul3A_685 : vector<16xf32>
      %add3A_687 = arith.constant 45 : i32
      %add3A_688 = vector.broadcast %add3A_687 : i32 to vector<16xi32>
      %add3A_689 = arith.addi %iota3A, %add3A_688 : vector<16xi32>
      %and3A_690 = arith.constant 63 : i32
      %and3A_691 = vector.broadcast %and3A_690 : i32 to vector<16xi32>
      %and3A_692 = arith.andi %add3A_689, %and3A_691 : vector<16xi32>
      %gather3A_693 = tpu.vector_load_idx %arg7[%sub3A_70, %and3A_692] : memref<256x64xf32, #tpu.memory_space<vmem>>[vector<16xi32>, vector<16xi32>], vector<16xf32>,
      %gather3A_694 = tpu.vector_load_idx %arg6[%add3A_68, %and3A_692] : memref<512x64xf32, #tpu.memory_space<vmem>>[vector<16xi32>, vector<16xi32>], vector<16xf32>,
      %mul3A_695 = arith.mulf %gather3A_693, %gather3A_694 : vector<16xf32>
      %add3A_696 = arith.addf %add3A_640, %mul3A_695 : vector<16xf32>
      %mul3A_697 = arith.mulf %gather3A_693, %gather3A_693 : vector<16xf32>
      %add3A_698 = arith.addf %add3A_642, %mul3A_697 : vector<16xf32>
      %mul3A_699 = arith.mulf %gather3A_694, %gather3A_694 : vector<16xf32>
      %add3A_700 = arith.addf %add3A_644, %mul3A_699 : vector<16xf32>
      %add3A_701 = arith.constant 46 : i32
      %add3A_702 = vector.broadcast %add3A_701 : i32 to vector<16xi32>
      %add3A_703 = arith.addi %iota3A, %add3A_702 : vector<16xi32>
      %and3A_704 = arith.constant 63 : i32
      %and3A_705 = vector.broadcast %and3A_704 : i32 to vector<16xi32>
      %and3A_706 = arith.andi %add3A_703, %and3A_705 : vector<16xi32>
      %gather3A_707 = tpu.vector_load_idx %arg7[%sub3A_70, %and3A_706] : memref<256x64xf32, #tpu.memory_space<vmem>>[vector<16xi32>, vector<16xi32>], vector<16xf32>,
      %gather3A_708 = tpu.vector_load_idx %arg6[%add3A_68, %and3A_706] : memref<512x64xf32, #tpu.memory_space<vmem>>[vector<16xi32>, vector<16xi32>], vector<16xf32>,
      %mul3A_709 = arith.mulf %gather3A_707, %gather3A_708 : vector<16xf32>
      %add3A_710 = arith.addf %add3A_654, %mul3A_709 : vector<16xf32>
      %mul3A_711 = arith.mulf %gather3A_707, %gather3A_707 : vector<16xf32>
      %add3A_712 = arith.addf %add3A_656, %mul3A_711 : vector<16xf32>
      %mul3A_713 = arith.mulf %gather3A_708, %gather3A_708 : vector<16xf32>
      %add3A_714 = arith.addf %add3A_658, %mul3A_713 : vector<16xf32>
      %add3A_715 = arith.constant 47 : i32
      %add3A_716 = vector.broadcast %add3A_715 : i32 to vector<16xi32>
      %add3A_717 = arith.addi %iota3A, %add3A_716 : vector<16xi32>
      %and3A_718 = arith.constant 63 : i32
      %and3A_719 = vector.broadcast %and3A_718 : i32 to vector<16xi32>
      %and3A_720 = arith.andi %add3A_717, %and3A_719 : vector<16xi32>
      %gather3A_721 = tpu.vector_load_idx %arg7[%sub3A_70, %and3A_720] : memref<256x64xf32, #tpu.memory_space<vmem>>[vector<16xi32>, vector<16xi32>], vector<16xf32>,
      %gather3A_722 = tpu.vector_load_idx %arg6[%add3A_68, %and3A_720] : memref<512x64xf32, #tpu.memory_space<vmem>>[vector<16xi32>, vector<16xi32>], vector<16xf32>,
      %mul3A_723 = arith.mulf %gather3A_721, %gather3A_722 : vector<16xf32>
      %add3A_724 = arith.addf %add3A_668, %mul3A_723 : vector<16xf32>
      %mul3A_725 = arith.mulf %gather3A_721, %gather3A_721 : vector<16xf32>
      %add3A_726 = arith.addf %add3A_670, %mul3A_725 : vector<16xf32>
      %mul3A_727 = arith.mulf %gather3A_722, %gather3A_722 : vector<16xf32>
      %add3A_728 = arith.addf %add3A_672, %mul3A_727 : vector<16xf32>
      %add3A_729 = arith.constant 48 : i32
      %add3A_730 = vector.broadcast %add3A_729 : i32 to vector<16xi32>
      %add3A_731 = arith.addi %iota3A, %add3A_730 : vector<16xi32>
      %and3A_732 = arith.constant 63 : i32
      %and3A_733 = vector.broadcast %and3A_732 : i32 to vector<16xi32>
      %and3A_734 = arith.andi %add3A_731, %and3A_733 : vector<16xi32>
      %gather3A_735 = tpu.vector_load_idx %arg7[%sub3A_70, %and3A_734] : memref<256x64xf32, #tpu.memory_space<vmem>>[vector<16xi32>, vector<16xi32>], vector<16xf32>,
      %gather3A_736 = tpu.vector_load_idx %arg6[%add3A_68, %and3A_734] : memref<512x64xf32, #tpu.memory_space<vmem>>[vector<16xi32>, vector<16xi32>], vector<16xf32>,
      %mul3A_737 = arith.mulf %gather3A_735, %gather3A_736 : vector<16xf32>
      %add3A_738 = arith.addf %add3A_682, %mul3A_737 : vector<16xf32>
      %mul3A_739 = arith.mulf %gather3A_735, %gather3A_735 : vector<16xf32>
      %add3A_740 = arith.addf %add3A_684, %mul3A_739 : vector<16xf32>
      %mul3A_741 = arith.mulf %gather3A_736, %gather3A_736 : vector<16xf32>
      %add3A_742 = arith.addf %add3A_686, %mul3A_741 : vector<16xf32>
      %add3A_743 = arith.constant 49 : i32
      %add3A_744 = vector.broadcast %add3A_743 : i32 to vector<16xi32>
      %add3A_745 = arith.addi %iota3A, %add3A_744 : vector<16xi32>
      %and3A_746 = arith.constant 63 : i32
      %and3A_747 = vector.broadcast %and3A_746 : i32 to vector<16xi32>
      %and3A_748 = arith.andi %add3A_745, %and3A_747 : vector<16xi32>
      %gather3A_749 = tpu.vector_load_idx %arg7[%sub3A_70, %and3A_748] : memref<256x64xf32, #tpu.memory_space<vmem>>[vector<16xi32>, vector<16xi32>], vector<16xf32>,
      %gather3A_750 = tpu.vector_load_idx %arg6[%add3A_68, %and3A_748] : memref<512x64xf32, #tpu.memory_space<vmem>>[vector<16xi32>, vector<16xi32>], vector<16xf32>,
      %mul3A_751 = arith.mulf %gather3A_749, %gather3A_750 : vector<16xf32>
      %add3A_752 = arith.addf %add3A_696, %mul3A_751 : vector<16xf32>
      %mul3A_753 = arith.mulf %gather3A_749, %gather3A_749 : vector<16xf32>
      %add3A_754 = arith.addf %add3A_698, %mul3A_753 : vector<16xf32>
      %mul3A_755 = arith.mulf %gather3A_750, %gather3A_750 : vector<16xf32>
      %add3A_756 = arith.addf %add3A_700, %mul3A_755 : vector<16xf32>
      %add3A_757 = arith.constant 50 : i32
      %add3A_758 = vector.broadcast %add3A_757 : i32 to vector<16xi32>
      %add3A_759 = arith.addi %iota3A, %add3A_758 : vector<16xi32>
      %and3A_760 = arith.constant 63 : i32
      %and3A_761 = vector.broadcast %and3A_760 : i32 to vector<16xi32>
      %and3A_762 = arith.andi %add3A_759, %and3A_761 : vector<16xi32>
      %gather3A_763 = tpu.vector_load_idx %arg7[%sub3A_70, %and3A_762] : memref<256x64xf32, #tpu.memory_space<vmem>>[vector<16xi32>, vector<16xi32>], vector<16xf32>,
      %gather3A_764 = tpu.vector_load_idx %arg6[%add3A_68, %and3A_762] : memref<512x64xf32, #tpu.memory_space<vmem>>[vector<16xi32>, vector<16xi32>], vector<16xf32>,
      %mul3A_765 = arith.mulf %gather3A_763, %gather3A_764 : vector<16xf32>
      %add3A_766 = arith.addf %add3A_710, %mul3A_765 : vector<16xf32>
      %mul3A_767 = arith.mulf %gather3A_763, %gather3A_763 : vector<16xf32>
      %add3A_768 = arith.addf %add3A_712, %mul3A_767 : vector<16xf32>
      %mul3A_769 = arith.mulf %gather3A_764, %gather3A_764 : vector<16xf32>
      %add3A_770 = arith.addf %add3A_714, %mul3A_769 : vector<16xf32>
      %add3A_771 = arith.constant 51 : i32
      %add3A_772 = vector.broadcast %add3A_771 : i32 to vector<16xi32>
      %add3A_773 = arith.addi %iota3A, %add3A_772 : vector<16xi32>
      %and3A_774 = arith.constant 63 : i32
      %and3A_775 = vector.broadcast %and3A_774 : i32 to vector<16xi32>
      %and3A_776 = arith.andi %add3A_773, %and3A_775 : vector<16xi32>
      %gather3A_777 = tpu.vector_load_idx %arg7[%sub3A_70, %and3A_776] : memref<256x64xf32, #tpu.memory_space<vmem>>[vector<16xi32>, vector<16xi32>], vector<16xf32>,
      %gather3A_778 = tpu.vector_load_idx %arg6[%add3A_68, %and3A_776] : memref<512x64xf32, #tpu.memory_space<vmem>>[vector<16xi32>, vector<16xi32>], vector<16xf32>,
      %mul3A_779 = arith.mulf %gather3A_777, %gather3A_778 : vector<16xf32>
      %add3A_780 = arith.addf %add3A_724, %mul3A_779 : vector<16xf32>
      %mul3A_781 = arith.mulf %gather3A_777, %gather3A_777 : vector<16xf32>
      %add3A_782 = arith.addf %add3A_726, %mul3A_781 : vector<16xf32>
      %mul3A_783 = arith.mulf %gather3A_778, %gather3A_778 : vector<16xf32>
      %add3A_784 = arith.addf %add3A_728, %mul3A_783 : vector<16xf32>
      %add3A_785 = arith.constant 52 : i32
      %add3A_786 = vector.broadcast %add3A_785 : i32 to vector<16xi32>
      %add3A_787 = arith.addi %iota3A, %add3A_786 : vector<16xi32>
      %and3A_788 = arith.constant 63 : i32
      %and3A_789 = vector.broadcast %and3A_788 : i32 to vector<16xi32>
      %and3A_790 = arith.andi %add3A_787, %and3A_789 : vector<16xi32>
      %gather3A_791 = tpu.vector_load_idx %arg7[%sub3A_70, %and3A_790] : memref<256x64xf32, #tpu.memory_space<vmem>>[vector<16xi32>, vector<16xi32>], vector<16xf32>,
      %gather3A_792 = tpu.vector_load_idx %arg6[%add3A_68, %and3A_790] : memref<512x64xf32, #tpu.memory_space<vmem>>[vector<16xi32>, vector<16xi32>], vector<16xf32>,
      %mul3A_793 = arith.mulf %gather3A_791, %gather3A_792 : vector<16xf32>
      %add3A_794 = arith.addf %add3A_738, %mul3A_793 : vector<16xf32>
      %mul3A_795 = arith.mulf %gather3A_791, %gather3A_791 : vector<16xf32>
      %add3A_796 = arith.addf %add3A_740, %mul3A_795 : vector<16xf32>
      %mul3A_797 = arith.mulf %gather3A_792, %gather3A_792 : vector<16xf32>
      %add3A_798 = arith.addf %add3A_742, %mul3A_797 : vector<16xf32>
      %add3A_799 = arith.constant 53 : i32
      %add3A_800 = vector.broadcast %add3A_799 : i32 to vector<16xi32>
      %add3A_801 = arith.addi %iota3A, %add3A_800 : vector<16xi32>
      %and3A_802 = arith.constant 63 : i32
      %and3A_803 = vector.broadcast %and3A_802 : i32 to vector<16xi32>
      %and3A_804 = arith.andi %add3A_801, %and3A_803 : vector<16xi32>
      %gather3A_805 = tpu.vector_load_idx %arg7[%sub3A_70, %and3A_804] : memref<256x64xf32, #tpu.memory_space<vmem>>[vector<16xi32>, vector<16xi32>], vector<16xf32>,
      %gather3A_806 = tpu.vector_load_idx %arg6[%add3A_68, %and3A_804] : memref<512x64xf32, #tpu.memory_space<vmem>>[vector<16xi32>, vector<16xi32>], vector<16xf32>,
      %mul3A_807 = arith.mulf %gather3A_805, %gather3A_806 : vector<16xf32>
      %add3A_808 = arith.addf %add3A_752, %mul3A_807 : vector<16xf32>
      %mul3A_809 = arith.mulf %gather3A_805, %gather3A_805 : vector<16xf32>
      %add3A_810 = arith.addf %add3A_754, %mul3A_809 : vector<16xf32>
      %mul3A_811 = arith.mulf %gather3A_806, %gather3A_806 : vector<16xf32>
      %add3A_812 = arith.addf %add3A_756, %mul3A_811 : vector<16xf32>
      %add3A_813 = arith.constant 54 : i32
      %add3A_814 = vector.broadcast %add3A_813 : i32 to vector<16xi32>
      %add3A_815 = arith.addi %iota3A, %add3A_814 : vector<16xi32>
      %and3A_816 = arith.constant 63 : i32
      %and3A_817 = vector.broadcast %and3A_816 : i32 to vector<16xi32>
      %and3A_818 = arith.andi %add3A_815, %and3A_817 : vector<16xi32>
      %gather3A_819 = tpu.vector_load_idx %arg7[%sub3A_70, %and3A_818] : memref<256x64xf32, #tpu.memory_space<vmem>>[vector<16xi32>, vector<16xi32>], vector<16xf32>,
      %gather3A_820 = tpu.vector_load_idx %arg6[%add3A_68, %and3A_818] : memref<512x64xf32, #tpu.memory_space<vmem>>[vector<16xi32>, vector<16xi32>], vector<16xf32>,
      %mul3A_821 = arith.mulf %gather3A_819, %gather3A_820 : vector<16xf32>
      %add3A_822 = arith.addf %add3A_766, %mul3A_821 : vector<16xf32>
      %mul3A_823 = arith.mulf %gather3A_819, %gather3A_819 : vector<16xf32>
      %add3A_824 = arith.addf %add3A_768, %mul3A_823 : vector<16xf32>
      %mul3A_825 = arith.mulf %gather3A_820, %gather3A_820 : vector<16xf32>
      %add3A_826 = arith.addf %add3A_770, %mul3A_825 : vector<16xf32>
      %add3A_827 = arith.constant 55 : i32
      %add3A_828 = vector.broadcast %add3A_827 : i32 to vector<16xi32>
      %add3A_829 = arith.addi %iota3A, %add3A_828 : vector<16xi32>
      %and3A_830 = arith.constant 63 : i32
      %and3A_831 = vector.broadcast %and3A_830 : i32 to vector<16xi32>
      %and3A_832 = arith.andi %add3A_829, %and3A_831 : vector<16xi32>
      %gather3A_833 = tpu.vector_load_idx %arg7[%sub3A_70, %and3A_832] : memref<256x64xf32, #tpu.memory_space<vmem>>[vector<16xi32>, vector<16xi32>], vector<16xf32>,
      %gather3A_834 = tpu.vector_load_idx %arg6[%add3A_68, %and3A_832] : memref<512x64xf32, #tpu.memory_space<vmem>>[vector<16xi32>, vector<16xi32>], vector<16xf32>,
      %mul3A_835 = arith.mulf %gather3A_833, %gather3A_834 : vector<16xf32>
      %add3A_836 = arith.addf %add3A_780, %mul3A_835 : vector<16xf32>
      %mul3A_837 = arith.mulf %gather3A_833, %gather3A_833 : vector<16xf32>
      %add3A_838 = arith.addf %add3A_782, %mul3A_837 : vector<16xf32>
      %mul3A_839 = arith.mulf %gather3A_834, %gather3A_834 : vector<16xf32>
      %add3A_840 = arith.addf %add3A_784, %mul3A_839 : vector<16xf32>
      %add3A_841 = arith.constant 56 : i32
      %add3A_842 = vector.broadcast %add3A_841 : i32 to vector<16xi32>
      %add3A_843 = arith.addi %iota3A, %add3A_842 : vector<16xi32>
      %and3A_844 = arith.constant 63 : i32
      %and3A_845 = vector.broadcast %and3A_844 : i32 to vector<16xi32>
      %and3A_846 = arith.andi %add3A_843, %and3A_845 : vector<16xi32>
      %gather3A_847 = tpu.vector_load_idx %arg7[%sub3A_70, %and3A_846] : memref<256x64xf32, #tpu.memory_space<vmem>>[vector<16xi32>, vector<16xi32>], vector<16xf32>,
      %gather3A_848 = tpu.vector_load_idx %arg6[%add3A_68, %and3A_846] : memref<512x64xf32, #tpu.memory_space<vmem>>[vector<16xi32>, vector<16xi32>], vector<16xf32>,
      %mul3A_849 = arith.mulf %gather3A_847, %gather3A_848 : vector<16xf32>
      %add3A_850 = arith.addf %add3A_794, %mul3A_849 : vector<16xf32>
      %mul3A_851 = arith.mulf %gather3A_847, %gather3A_847 : vector<16xf32>
      %add3A_852 = arith.addf %add3A_796, %mul3A_851 : vector<16xf32>
      %mul3A_853 = arith.mulf %gather3A_848, %gather3A_848 : vector<16xf32>
      %add3A_854 = arith.addf %add3A_798, %mul3A_853 : vector<16xf32>
      %add3A_855 = arith.constant 57 : i32
      %add3A_856 = vector.broadcast %add3A_855 : i32 to vector<16xi32>
      %add3A_857 = arith.addi %iota3A, %add3A_856 : vector<16xi32>
      %and3A_858 = arith.constant 63 : i32
      %and3A_859 = vector.broadcast %and3A_858 : i32 to vector<16xi32>
      %and3A_860 = arith.andi %add3A_857, %and3A_859 : vector<16xi32>
      %gather3A_861 = tpu.vector_load_idx %arg7[%sub3A_70, %and3A_860] : memref<256x64xf32, #tpu.memory_space<vmem>>[vector<16xi32>, vector<16xi32>], vector<16xf32>,
      %gather3A_862 = tpu.vector_load_idx %arg6[%add3A_68, %and3A_860] : memref<512x64xf32, #tpu.memory_space<vmem>>[vector<16xi32>, vector<16xi32>], vector<16xf32>,
      %mul3A_863 = arith.mulf %gather3A_861, %gather3A_862 : vector<16xf32>
      %add3A_864 = arith.addf %add3A_808, %mul3A_863 : vector<16xf32>
      %mul3A_865 = arith.mulf %gather3A_861, %gather3A_861 : vector<16xf32>
      %add3A_866 = arith.addf %add3A_810, %mul3A_865 : vector<16xf32>
      %mul3A_867 = arith.mulf %gather3A_862, %gather3A_862 : vector<16xf32>
      %add3A_868 = arith.addf %add3A_812, %mul3A_867 : vector<16xf32>
      %add3A_869 = arith.constant 58 : i32
      %add3A_870 = vector.broadcast %add3A_869 : i32 to vector<16xi32>
      %add3A_871 = arith.addi %iota3A, %add3A_870 : vector<16xi32>
      %and3A_872 = arith.constant 63 : i32
      %and3A_873 = vector.broadcast %and3A_872 : i32 to vector<16xi32>
      %and3A_874 = arith.andi %add3A_871, %and3A_873 : vector<16xi32>
      %gather3A_875 = tpu.vector_load_idx %arg7[%sub3A_70, %and3A_874] : memref<256x64xf32, #tpu.memory_space<vmem>>[vector<16xi32>, vector<16xi32>], vector<16xf32>,
      %gather3A_876 = tpu.vector_load_idx %arg6[%add3A_68, %and3A_874] : memref<512x64xf32, #tpu.memory_space<vmem>>[vector<16xi32>, vector<16xi32>], vector<16xf32>,
      %mul3A_877 = arith.mulf %gather3A_875, %gather3A_876 : vector<16xf32>
      %add3A_878 = arith.addf %add3A_822, %mul3A_877 : vector<16xf32>
      %mul3A_879 = arith.mulf %gather3A_875, %gather3A_875 : vector<16xf32>
      %add3A_880 = arith.addf %add3A_824, %mul3A_879 : vector<16xf32>
      %mul3A_881 = arith.mulf %gather3A_876, %gather3A_876 : vector<16xf32>
      %add3A_882 = arith.addf %add3A_826, %mul3A_881 : vector<16xf32>
      %add3A_883 = arith.constant 59 : i32
      %add3A_884 = vector.broadcast %add3A_883 : i32 to vector<16xi32>
      %add3A_885 = arith.addi %iota3A, %add3A_884 : vector<16xi32>
      %and3A_886 = arith.constant 63 : i32
      %and3A_887 = vector.broadcast %and3A_886 : i32 to vector<16xi32>
      %and3A_888 = arith.andi %add3A_885, %and3A_887 : vector<16xi32>
      %gather3A_889 = tpu.vector_load_idx %arg7[%sub3A_70, %and3A_888] : memref<256x64xf32, #tpu.memory_space<vmem>>[vector<16xi32>, vector<16xi32>], vector<16xf32>,
      %gather3A_890 = tpu.vector_load_idx %arg6[%add3A_68, %and3A_888] : memref<512x64xf32, #tpu.memory_space<vmem>>[vector<16xi32>, vector<16xi32>], vector<16xf32>,
      %mul3A_891 = arith.mulf %gather3A_889, %gather3A_890 : vector<16xf32>
      %add3A_892 = arith.addf %add3A_836, %mul3A_891 : vector<16xf32>
      %mul3A_893 = arith.mulf %gather3A_889, %gather3A_889 : vector<16xf32>
      %add3A_894 = arith.addf %add3A_838, %mul3A_893 : vector<16xf32>
      %mul3A_895 = arith.mulf %gather3A_890, %gather3A_890 : vector<16xf32>
      %add3A_896 = arith.addf %add3A_840, %mul3A_895 : vector<16xf32>
      %add3A_897 = arith.constant 60 : i32
      %add3A_898 = vector.broadcast %add3A_897 : i32 to vector<16xi32>
      %add3A_899 = arith.addi %iota3A, %add3A_898 : vector<16xi32>
      %and3A_900 = arith.constant 63 : i32
      %and3A_901 = vector.broadcast %and3A_900 : i32 to vector<16xi32>
      %and3A_902 = arith.andi %add3A_899, %and3A_901 : vector<16xi32>
      %gather3A_903 = tpu.vector_load_idx %arg7[%sub3A_70, %and3A_902] : memref<256x64xf32, #tpu.memory_space<vmem>>[vector<16xi32>, vector<16xi32>], vector<16xf32>,
      %gather3A_904 = tpu.vector_load_idx %arg6[%add3A_68, %and3A_902] : memref<512x64xf32, #tpu.memory_space<vmem>>[vector<16xi32>, vector<16xi32>], vector<16xf32>,
      %mul3A_905 = arith.mulf %gather3A_903, %gather3A_904 : vector<16xf32>
      %add3A_906 = arith.addf %add3A_850, %mul3A_905 : vector<16xf32>
      %mul3A_907 = arith.mulf %gather3A_903, %gather3A_903 : vector<16xf32>
      %add3A_908 = arith.addf %add3A_852, %mul3A_907 : vector<16xf32>
      %mul3A_909 = arith.mulf %gather3A_904, %gather3A_904 : vector<16xf32>
      %add3A_910 = arith.addf %add3A_854, %mul3A_909 : vector<16xf32>
      %add3A_911 = arith.constant 61 : i32
      %add3A_912 = vector.broadcast %add3A_911 : i32 to vector<16xi32>
      %add3A_913 = arith.addi %iota3A, %add3A_912 : vector<16xi32>
      %and3A_914 = arith.constant 63 : i32
      %and3A_915 = vector.broadcast %and3A_914 : i32 to vector<16xi32>
      %and3A_916 = arith.andi %add3A_913, %and3A_915 : vector<16xi32>
      %gather3A_917 = tpu.vector_load_idx %arg7[%sub3A_70, %and3A_916] : memref<256x64xf32, #tpu.memory_space<vmem>>[vector<16xi32>, vector<16xi32>], vector<16xf32>,
      %gather3A_918 = tpu.vector_load_idx %arg6[%add3A_68, %and3A_916] : memref<512x64xf32, #tpu.memory_space<vmem>>[vector<16xi32>, vector<16xi32>], vector<16xf32>,
      %mul3A_919 = arith.mulf %gather3A_917, %gather3A_918 : vector<16xf32>
      %add3A_920 = arith.addf %add3A_864, %mul3A_919 : vector<16xf32>
      %mul3A_921 = arith.mulf %gather3A_917, %gather3A_917 : vector<16xf32>
      %add3A_922 = arith.addf %add3A_866, %mul3A_921 : vector<16xf32>
      %mul3A_923 = arith.mulf %gather3A_918, %gather3A_918 : vector<16xf32>
      %add3A_924 = arith.addf %add3A_868, %mul3A_923 : vector<16xf32>
      %add3A_925 = arith.constant 62 : i32
      %add3A_926 = vector.broadcast %add3A_925 : i32 to vector<16xi32>
      %add3A_927 = arith.addi %iota3A, %add3A_926 : vector<16xi32>
      %and3A_928 = arith.constant 63 : i32
      %and3A_929 = vector.broadcast %and3A_928 : i32 to vector<16xi32>
      %and3A_930 = arith.andi %add3A_927, %and3A_929 : vector<16xi32>
      %gather3A_931 = tpu.vector_load_idx %arg7[%sub3A_70, %and3A_930] : memref<256x64xf32, #tpu.memory_space<vmem>>[vector<16xi32>, vector<16xi32>], vector<16xf32>,
      %gather3A_932 = tpu.vector_load_idx %arg6[%add3A_68, %and3A_930] : memref<512x64xf32, #tpu.memory_space<vmem>>[vector<16xi32>, vector<16xi32>], vector<16xf32>,
      %mul3A_933 = arith.mulf %gather3A_931, %gather3A_932 : vector<16xf32>
      %add3A_934 = arith.addf %add3A_878, %mul3A_933 : vector<16xf32>
      %mul3A_935 = arith.mulf %gather3A_931, %gather3A_931 : vector<16xf32>
      %add3A_936 = arith.addf %add3A_880, %mul3A_935 : vector<16xf32>
      %mul3A_937 = arith.mulf %gather3A_932, %gather3A_932 : vector<16xf32>
      %add3A_938 = arith.addf %add3A_882, %mul3A_937 : vector<16xf32>
      %add3A_939 = arith.constant 63 : i32
      %add3A_940 = vector.broadcast %add3A_939 : i32 to vector<16xi32>
      %add3A_941 = arith.addi %iota3A, %add3A_940 : vector<16xi32>
      %and3A_942 = arith.constant 63 : i32
      %and3A_943 = vector.broadcast %and3A_942 : i32 to vector<16xi32>
      %and3A_944 = arith.andi %add3A_941, %and3A_943 : vector<16xi32>
      %gather3A_945 = tpu.vector_load_idx %arg7[%sub3A_70, %and3A_944] : memref<256x64xf32, #tpu.memory_space<vmem>>[vector<16xi32>, vector<16xi32>], vector<16xf32>,
      %gather3A_946 = tpu.vector_load_idx %arg6[%add3A_68, %and3A_944] : memref<512x64xf32, #tpu.memory_space<vmem>>[vector<16xi32>, vector<16xi32>], vector<16xf32>,
      %mul3A_947 = arith.mulf %gather3A_945, %gather3A_946 : vector<16xf32>
      %add3A_948 = arith.addf %add3A_892, %mul3A_947 : vector<16xf32>
      %mul3A_949 = arith.mulf %gather3A_945, %gather3A_945 : vector<16xf32>
      %add3A_950 = arith.addf %add3A_894, %mul3A_949 : vector<16xf32>
      %mul3A_951 = arith.mulf %gather3A_946, %gather3A_946 : vector<16xf32>
      %add3A_952 = arith.addf %add3A_896, %mul3A_951 : vector<16xf32>
      %add3A_953 = arith.addf %add3A_906, %add3A_920 : vector<16xf32>
      %add3A_954 = arith.addf %add3A_934, %add3A_948 : vector<16xf32>
      %add3A_955 = arith.addf %add3A_953, %add3A_954 : vector<16xf32>
      %add3A_956 = arith.addf %add3A_908, %add3A_922 : vector<16xf32>
      %add3A_957 = arith.addf %add3A_936, %add3A_950 : vector<16xf32>
      %add3A_958 = arith.addf %add3A_956, %add3A_957 : vector<16xf32>
      %add3A_959 = arith.addf %add3A_910, %add3A_924 : vector<16xf32>
      %add3A_960 = arith.addf %add3A_938, %add3A_952 : vector<16xf32>
      %add3A_961 = arith.addf %add3A_959, %add3A_960 : vector<16xf32>
      %mul3A_962 = arith.mulf %add3A_958, %add3A_961 : vector<16xf32>
      %max3A = arith.constant 1.000000e-30 : f32
      %max3A_963 = vector.broadcast %max3A : f32 to vector<16xf32>
      %max3A_964 = arith.maximumf %mul3A_962, %max3A_963 : vector<16xf32>
      %bitcast3A = vector.bitcast %max3A_964 : vector<16xf32> to vector<16xi32>
      %shift_right_arithmetic3A = arith.constant 1 : i32
      %shift_right_arithmetic3A_965 = vector.broadcast %shift_right_arithmetic3A : i32 to vector<16xi32>
      %shift_right_arithmetic3A_966 = arith.shrsi %bitcast3A, %shift_right_arithmetic3A_965 : vector<16xi32>
      %sub3A_967 = arith.constant 1597463007 : i32
      %sub3A_968 = vector.broadcast %sub3A_967 : i32 to vector<16xi32>
      %sub3A_969 = arith.subi %sub3A_968, %shift_right_arithmetic3A_966 : vector<16xi32>
      %bitcast3A_970 = vector.bitcast %sub3A_969 : vector<16xi32> to vector<16xf32>
      %mul3A_971 = vector.broadcast %scan3A_50 : f32 to vector<16xf32>
      %mul3A_972 = arith.mulf %mul3A_971, %max3A_964 : vector<16xf32>
      %mul3A_973 = arith.mulf %mul3A_972, %bitcast3A_970 : vector<16xf32>
      %mul3A_974 = arith.mulf %mul3A_973, %bitcast3A_970 : vector<16xf32>
      %sub3A_975 = vector.broadcast %scan3A_51 : f32 to vector<16xf32>
      %sub3A_976 = arith.subf %sub3A_975, %mul3A_974 : vector<16xf32>
      %mul3A_977 = arith.mulf %bitcast3A_970, %sub3A_976 : vector<16xf32>
      %mul3A_978 = vector.broadcast %scan3A_50 : f32 to vector<16xf32>
      %mul3A_979 = arith.mulf %mul3A_978, %max3A_964 : vector<16xf32>
      %mul3A_980 = arith.mulf %mul3A_979, %mul3A_977 : vector<16xf32>
      %mul3A_981 = arith.mulf %mul3A_980, %mul3A_977 : vector<16xf32>
      %sub3A_982 = vector.broadcast %scan3A_51 : f32 to vector<16xf32>
      %sub3A_983 = arith.subf %sub3A_982, %mul3A_981 : vector<16xf32>
      %mul3A_984 = arith.mulf %mul3A_977, %sub3A_983 : vector<16xf32>
      %mul3A_985 = vector.broadcast %scan3A_50 : f32 to vector<16xf32>
      %mul3A_986 = arith.mulf %mul3A_985, %max3A_964 : vector<16xf32>
      %mul3A_987 = arith.mulf %mul3A_986, %mul3A_984 : vector<16xf32>
      %mul3A_988 = arith.mulf %mul3A_987, %mul3A_984 : vector<16xf32>
      %sub3A_989 = vector.broadcast %scan3A_51 : f32 to vector<16xf32>
      %sub3A_990 = arith.subf %sub3A_989, %mul3A_988 : vector<16xf32>
      %mul3A_991 = arith.mulf %mul3A_984, %sub3A_990 : vector<16xf32>
      %ge3A = arith.constant 1.000000e-18 : f32
      %ge3A_992 = vector.broadcast %ge3A : f32 to vector<16xf32>
      %ge3A_993 = arith.cmpf oge, %max3A_964, %ge3A_992 : vector<16xf32>
      %jit3A = arith.constant 1.000000e+09 : f32
      %broadcast_in_dim3A_994 = vector.broadcast %jit3A : f32 to vector<16xf32>
      %select_n3A = arith.select %ge3A_993, %mul3A_991, %broadcast_in_dim3A_994 : vector<16xi1>, vector<16xf32>
      %mul3A_995 = arith.mulf %add3A_955, %select_n3A : vector<16xf32>
      %sub3A_996 = vector.broadcast %scan3A_52 : f32 to vector<16xf32>
      %sub3A_997 = arith.subf %sub3A_996, %mul3A_995 : vector<16xf32>
      %mul3A_998 = arith.mulf %sub3A_997, %sub3A_997 : vector<16xf32>
      %add3A_999 = arith.addf %scan3A_64, %mul3A_998 : vector<16xf32>
      scf.yield %add3A_999 : vector<16xf32>
    }
    %scan3A_58 = arith.constant 16 : i32
    %mul3A_59 = arith.constant 6.10351563E-5 : f32
    %mul3A_60 = vector.broadcast %mul3A_59 : f32 to vector<16xf32>
    %mul3A_61 = arith.mulf %scan3A_57, %mul3A_60 : vector<16xf32>
    %swap3A = arith.constant 0 : index
    %swap3A_62 = tpu.vector_load %arg8[%swap3A] {strides = array<i32>} : memref<16xf32, #tpu.memory_space<vmem>>, vector<16xf32>,
    tpu.vector_store %arg8[%swap3A], %mul3A_61 {strides = array<i32>} : memref<16xf32, #tpu.memory_space<vmem>>, vector<16xf32>,
    "tpu.region"() ({
      %run_scoped3A = tpu.sem_alloc : memref<!tpu.dma_semaphore, #tpu.memory_space<semaphore_mem>>
      %dma_start3A = arith.constant 0 : i32
      %dma_start3A_63 = tpu.memref_slice %arg5[%add3A, %dma_start3A] : memref<32x16xf32, #tpu.memory_space<hbm>> -> memref<1x16xf32, #tpu.memory_space<hbm>>
      %dma_start3A_64 = tpu.memref_squeeze %dma_start3A_63 : memref<1x16xf32, #tpu.memory_space<hbm>> -> memref<16xf32, #tpu.memory_space<hbm>>
      %dma_start3A_65 = arith.constant 0 : i32
      %dma_start3A_66 = tpu.memref_slice %arg5[%add3A, %dma_start3A_65] : memref<32x16xf32, #tpu.memory_space<hbm>> -> memref<1x16xf32, #tpu.memory_space<hbm>>
      %dma_start3A_67 = tpu.memref_squeeze %dma_start3A_66 : memref<1x16xf32, #tpu.memory_space<hbm>> -> memref<16xf32, #tpu.memory_space<hbm>>
      tpu.enqueue_dma source(%arg8 : memref<16xf32, #tpu.memory_space<vmem>>) target(%dma_start3A_67 : memref<16xf32, #tpu.memory_space<hbm>>) target_semaphore(%run_scoped3A : memref<!tpu.dma_semaphore, #tpu.memory_space<semaphore_mem>>)
      %dma_wait3A = arith.constant 0 : i32
      %dma_wait3A_68 = tpu.memref_slice %arg5[%add3A, %dma_wait3A] : memref<32x16xf32, #tpu.memory_space<hbm>> -> memref<1x16xf32, #tpu.memory_space<hbm>>
      %dma_wait3A_69 = tpu.memref_squeeze %dma_wait3A_68 : memref<1x16xf32, #tpu.memory_space<hbm>> -> memref<16xf32, #tpu.memory_space<hbm>>
      %dma_wait3A_70 = arith.constant 0 : i32
      %dma_wait3A_71 = tpu.memref_slice %arg5[%add3A, %dma_wait3A_70] : memref<32x16xf32, #tpu.memory_space<hbm>> -> memref<1x16xf32, #tpu.memory_space<hbm>>
      %dma_wait3A_72 = tpu.memref_squeeze %dma_wait3A_71 : memref<1x16xf32, #tpu.memory_space<hbm>> -> memref<16xf32, #tpu.memory_space<hbm>>
      tpu.wait_dma2 semaphore(%run_scoped3A : memref<!tpu.dma_semaphore, #tpu.memory_space<semaphore_mem>>) src(%arg8 : memref<16xf32, #tpu.memory_space<vmem>>) dst(%dma_wait3A_72 : memref<16xf32, #tpu.memory_space<hbm>>)
      tpu.yield
    }) : () -> ()
    return
  }
}

</mosaic_0001>

<sc_bundles>
// kernel: kernel.3.cloned.1.call-start
scs
__scs_entry_jumppad:
0x0: {  	(pc) =	sbr.rel $0x88, $3  }
0x1: {  	(tag) =	ssettag $0x0;
	lr =	simm.s32 $0x1  }
0x2: {  	[smem:$0x3F9E] =	sst lr;
	_ =	strace $0xD0000000  }
0x3: {  	_ = 	snop  }
0x4: {  	_ = 	snop  }
0x5: {  	_ = 	snop  }
0x6: {  	_ = 	snop  }
0x7: {  	_ = 	snop  }
__scs_overlays_trampoline_lowered:
0x8: {  	[smem:$0x3FAD] =	sst s0  }
0x9: {  	[smem:$0x3FAE] =	sst s1  }
0xa: {  	[smem:$0x3FAF] =	sst s2  }
0xb: {  	[smem:$0x3FB0] =	sst s3  }
0xc: {  	[smem:$0x3FB1] =	sst s4  }
0xd: {  	[smem:$0x3FB2] =	sst s5  }
0xe: {  	[smem:$0x3FB3] =	sst s6  }
0xf: {  	[smem:$0x3FB4] =	sst s7  }
0x10: {  	[smem:$0x3FB5] =	sst s8  }
0x11: {  	[smem:$0x3FB6] =	sst s9;
	s0 =	simm.s32 @!p0 $0x0  }
0x12: {  	s1 =	sld [smem:$0x3F9C];
	s0 =	simm.s32 @p0 $0x1  }
0x13: {  	[smem:$0x3FB7] =	sst s0;
	s0 =	simm.s32 @!p1 $0x0  }
0x14: {  	s2 =	sld [smem:$0x3F9B];
	s0 =	simm.s32 @p1 $0x1  }
0x15: {  	[smem:$0x3FB8] =	sst s0;
	s0 =	simm.s32 @!p2 $0x0  }
0x16: {  	s3 =	sld [smem:$0x3FDB];
	s0 =	simm.s32 @p2 $0x1  }
0x17: {  	s4 =	simm.s32 $0x1BF5;
	[smem:$0x3FBA] =	sst s0  }
0x18: {  	s0 =	sld [smem:$0x3F9D];
	_ =	swait.ge [sflag:s4], $0x0  }
0x19: {  	s7 =	sld [smem:$0x3F9E]  }
0x1a: {  	s8 =	sadd.s32 $0xFFFFE003, lr  }
0x1b: {  	s9 =	sadd.s32 $0xFFFFFEF7, lr;
	s5 =	simm.s32 $0xFFFFFFFF;
	p2 =	slt.u32 s8, $0xFFFFF086  }
0x1c: {  	p1 =	slt.u32 s9, $0xF7A;
	s5 =	simm.s32 @!p2 $0x0  }
0x1d: {  	s5 =	simm.s32 @p1 $0x1;
	p0 =	seq.s32 s7, s2  }
0x1e: {  	s7 =	smul.u32 @!p0 $0xF7A, s2;
	p2 =	seq.s32 @!p0 s5, $0x0  }
0x1f: {  	s9 =	smul.u32 $0xF7A, s1;
	s8 =	simm.s32 @!p0 $0x1BF5;
	p2 =	por !p2, p0  }
0x20: {  	[sflag:s8] =	ssyncset.s32 @!p0 $0xFFFFF086;
	s6 =	sadd.s32 @!p0 s3, s7;
	s7 =	simm.s32 @!p0 $0x108  }
0x21: {  	s3 =	sadd.s32 s3, s9;
	s6 =	sadd.s32 @!p0 $0x88, s6;
	s7 =	simm.s32 @p2 $0x1082  }
0x22: {  	[simem:s7], [sflag:s8] =	dma.local @!p0 [hbm:s6], $0xF7A  }
0x23: {  	s9 =	sor.u32 $0xD0000000, s2;
	s6 =	simm.s32 $0x108;
	_ =	swait.ge @!p0 [sflag:s8], $0x0  }
0x24: {  	s3 =	sadd.s32 $0x88, s3;
	s6 =	simm.s32 @!p1 $0x1082;
	[sflag:s4] =	ssyncset.s32 $0xFFFFF086  }
0x25: {  	[simem:s6], [sflag:s4] =	dma.local [hbm:s3], $0xF7A  }
0x26: {  	[smem:$0x3F9E] =	sst s1;
	(tag) =	ssettag s2;
	_ =	strace s9  }
0x27: {  	s1 =	sld [smem:$0x3FAE]  }
0x28: {  	s2 =	sld [smem:$0x3FAF]  }
0x29: {  	s4 =	sld [smem:$0x3FB1]  }
0x2a: {  	p0 =	seq.s32 s5, $0x0;
	s5 =	sld [smem:$0x3FB2]  }
0x2b: {  	s6 =	sld [smem:$0x3FB3]  }
0x2c: {  	s7 =	sld [smem:$0x3FB4]  }
0x2d: {  	s3 =	simm.s32 $0x108;
	s8 =	sld [smem:$0x3FB5]  }
0x2e: {  	s3 =	simm.s32 @!p0 $0x1082;
	s9 =	sld [smem:$0x3FB6]  }
0x2f: {  	lr =	sadd.s32 s0, s3;
	s0 =	sld [smem:$0x3FAD]  }
0x30: {  	s3 =	sld [smem:$0x3FB0]  }
0x31: {  	[smem:$0x3FB9] =	sst s10  }
0x32: {  	s10 =	sld [smem:$0x3FB7];
	_ =	sdelay $0x3  }
0x33: {  	p0 =	seq.s32 s10, $0x1;
	s10 =	sld [smem:$0x3FB9];
	_ =	sdelay $0x3  }
0x34: {  	[smem:$0x3FB9] =	sst s10  }
0x35: {  	s10 =	sld [smem:$0x3FB8];
	_ =	sdelay $0x3  }
0x36: {  	p1 =	seq.s32 s10, $0x1;
	s10 =	sld [smem:$0x3FB9];
	_ =	sdelay $0x3  }
0x37: {  	[smem:$0x3FB9] =	sst s10  }
0x38: {  	s10 =	sld [smem:$0x3FBA]  }
0x39: {  	_ = 	snop;
	(pc) =	sbr.ind lr, $3  }
0x3a: {  	_ = 	snop  }
0x3b: {  	_ = 	snop  }
0x3c: {  	p2 =	seq.s32 s10, $0x1;
	s10 =	sld [smem:$0x3FB9]  }
0x3d: {  	_ =	shalt  }
0x3e: {  	_ =	shalt  }
0x3f: {  	_ =	shalt  }
0x40: {  	_ =	shalt  }
0x41: {  	_ =	shalt  }
0x42: {  	_ =	shalt  }
0x43: {  	_ =	shalt  }
0x44: {  	_ =	shalt  }
0x45: {  	_ =	shalt  }
0x46: {  	_ =	shalt  }
0x47: {  	_ =	shalt  }
0x48: {  	_ =	shalt  }
0x49: {  	_ =	shalt  }
0x4a: {  	_ =	shalt  }
0x4b: {  	_ =	shalt  }
0x4c: {  	_ =	shalt  }
0x4d: {  	_ =	shalt  }
0x4e: {  	_ =	shalt  }
0x4f: {  	_ =	shalt  }
0x50: {  	_ =	shalt  }
0x51: {  	_ =	shalt  }
0x52: {  	_ =	shalt  }
0x53: {  	_ =	shalt  }
0x54: {  	_ =	shalt  }
0x55: {  	_ =	shalt  }
0x56: {  	_ =	shalt  }
0x57: {  	_ =	shalt  }
0x58: {  	_ =	shalt  }
0x59: {  	_ =	shalt  }
0x5a: {  	_ =	shalt  }
0x5b: {  	_ =	shalt  }
0x5c: {  	_ =	shalt  }
0x5d: {  	_ =	shalt  }
0x5e: {  	_ =	shalt  }
0x5f: {  	_ =	shalt  }
0x60: {  	_ =	shalt  }
0x61: {  	_ =	shalt  }
0x62: {  	_ =	shalt  }
0x63: {  	_ =	shalt  }
0x64: {  	_ =	shalt  }
0x65: {  	_ =	shalt  }
0x66: {  	_ =	shalt  }
0x67: {  	_ =	shalt  }
0x68: {  	_ =	shalt  }
0x69: {  	_ =	shalt  }
0x6a: {  	_ =	shalt  }
0x6b: {  	_ =	shalt  }
0x6c: {  	_ =	shalt  }
0x6d: {  	_ =	shalt  }
0x6e: {  	_ =	shalt  }
0x6f: {  	_ =	shalt  }
0x70: {  	_ =	shalt  }
0x71: {  	_ =	shalt  }
0x72: {  	_ =	shalt  }
0x73: {  	_ =	shalt  }
0x74: {  	_ =	shalt  }
0x75: {  	_ =	shalt  }
0x76: {  	_ =	shalt  }
0x77: {  	_ =	shalt  }
0x78: {  	_ =	shalt  }
0x79: {  	_ =	shalt  }
0x7a: {  	_ =	shalt  }
0x7b: {  	_ =	shalt  }
0x7c: {  	_ =	shalt  }
0x7d: {  	_ =	shalt  }
0x7e: {  	_ =	shalt  }
0x7f: {  	_ =	shalt  }
0x80: {  	_ =	shalt  }
0x81: {  	_ =	shalt  }
0x82: {  	_ =	shalt  }
0x83: {  	_ =	shalt  }
0x84: {  	_ =	shalt  }
0x85: {  	_ =	shalt  }
0x86: {  	_ =	shalt  }
0x87: {  	_ =	shalt  }
.Lfunc_end0:
.L_simem_size_0:
called_computation_lowered:
.L_overlay_start_0:
0x88: {  	s2 =	sld [smem:$0x3FD9]  }
0x89: {  	s3 =	sld [smem:$0x3FFE];
	_ =	sdelay $0x1  }
0x8a: {  	s1 =	srdreg.scid  }
0x8b: {  	s0 =	sand.u32 $0x1, s1  }
0x8c: {  	s16 =	sshll.u32 s0, $0xA;
	s2 =	sadd.s32 s3, s2  }
0x8d: {  	s2 =	sadd.s32 s2, s16  }
0x8e: {  	[smem:$0x3FC5] =	sst s2  }
0x8f: {  	_ = 	snop  }
0x90: {  	(tm) =	ssettm $0x1  }
0x91: {  	s17 =	sld [smem:$0x3FFB];
	_ =	sdelay $0x3  }
0x92: {  	_ =	strace s17  }
0x93: {  	s2 =	sld [smem:$0x3FFC];
	_ =	sdelay $0x3  }
0x94: {  	_ =	strace s2  }
0x95: {  	s2 =	sld [smem:$0x3FFD];
	_ =	sdelay $0x3  }
0x96: {  	_ =	strace s2  }
0x97: {  	_ =	strace $0x8FFFFFFF  }
0x98: {  	s18 =	sld [smem:$0x3FDB];
	_ =	sdelay $0x1  }
0x99: {  	s19 =	simm.s32 $_scs_section_size  }
0x9a: {  	s4 =	simm.s32 $_size__tile_overlayer_lowered;
	s5 =	simm.s32 $_tile_overlayer_lowered  }
0x9b: {  	s22 =	simm.s32 $0x1BFF;
	s21 =	sshll.u32 s5, $0x1;
	s2 =	sadd.s32 s19, s18  }
0x9c: {  	s6 =	simm.s32 $0x0;
	s20 =	sshll.u32 s4, $0x1;
	s4 =	sadd.s32 s21, s2  }
0x9d: {  	[timem:s6], [sflag:s22] =	dma.local [hbm:s4], s20  }
0x9e: {  	_ =	swait.ge [sflag:s22], s20  }
0x9f: {  	s3 =	ssub.s32 $0x0, s20;
	[sflag:s22] =	ssyncset.done $0x0  }
0xa0: {  	[sflag:s22] =	ssyncadd.s32 s3;
	_ =	sdelay $0x1  }
0xa1: {  	s23 =	simm.s32 $0x1B8B  }
0xa2: {  	_ =	swait.ge [sflag:s23], $0x1  }
0xa3: {  	[sflag:s23] =	ssyncset.done $0x0  }
0xa4: {  	s25 =	simm.s32 $0x1B8E;
	s24 =	sld [smem:$0x3FFE];
	[sflag:s23] =	ssyncadd.s32 $0xFFFFFFFF  }
0xa5: {  	s26 =	simm.s32 $execute0_lowered;
	[smem:$0x3FD2] =	sst s25  }
0xa6: {  	s4 =	sshll.u32 s26, $0x1;
	_ =	strace $0x80000046;
	[dreg:$0x1] =	wrdreg $0xFFFFFFFF  }
0xa7: {  	s28 =	simm.s32 $_size_execute0_lowered;
	s2 =	sadd.s32 s2, s4;
	[dreg:$0x0] =	wrdreg $0x0  }
0xa8: {  	s4 =	sshll.u32 s28, $0x1;
	[dreg:$0x2] =	wrdreg s2  }
0xa9: {  	[dreg:$0x3] =	wrdreg s4  }
0xaa: {  	[dreg:$0x4] =	wrdreg $0xC0  }
0xab: {  	_ =	task [dreg:s6], $0x5FFFF  }
0xac: {  	[dreg:$0x1] =	wrdreg $0xFFFFFFFF  }
0xad: {  	[dreg:$0x0] =	wrdreg $0x60  }
0xae: {  	[dreg:$0x2] =	wrdreg s24  }
0xaf: {  	[dreg:$0x3] =	wrdreg $0x9  }
0xb0: {  	_ =	task.clear_ibuf [dreg:s6], $0x4FFFF;
	_ =	strace $0x90000046  }
0xb1: {  	s29 =	simm.s32 $0x9;
	_ =	strace $0x80000048  }
0xb2: {  	_ =	swait.ge [sflag:s29], $0x1  }
0xb3: {  	[sflag:s29] =	ssyncadd.s32 $0xFFFFFFFF  }
0xb4: {  	_ =	strace $0x90000048  }
0xb5: {  	_ =	sfence  }
0xb6: {  	s30 =	sld [smem:$0x0];
	_ =	sdelay $0x2  }
0xb7: {  	s31 =	sshll.u32 s1, $0xD;
	s1 =	sshrl.u32 s1, $0x2  }
0xb8: {  	s3 =	sand.u32 $0x4000, s31;
	s1 =	sadd.s32 s1, s30  }
0xb9: {  	s0 =	sor.u32 s3, s0;
	s1 =	sshll.u32 s1, $0x11  }
0xba: {  	s0 =	sor.u32 s1, s0  }
0xbb: {  	s0 =	sadd.s32 $0x8F2B, s0  }
0xbc: {  	[sflag:s0] =	ssyncadd.remote.s32 $0x1  }
0xbd: {  	_ =	sfence.sel $0xFFFF  }
0xbe: {  	[dreg:$0x0] =	wrdreg $0xFFFFFFFF;
	(pc) =	sbr.abs _section_cstart, $3  }
0xbf: {  	[dreg:$0x1] =	wrdreg $0xFFFFFFFF  }
0xc0: {  	_ =	task.clear_ibuf [dreg:s6], $0x2FFFF;
	_ =	strace $0x9FFFFFFF  }
0xc1: {  	(tm) =	ssettm $0x7FFFFFFF  }
tec
execute0_lowered:
.L_overlay_start_1:
0x0: {  	(tag) =	ssettag $0x1  }
0x1: {  	v11 =	vlaneseq.u32;
	v60 =	vimm.s32 $0x34333231;
	v1 =	vimm.s32 $0x38373635  }
0x2: {  	v2 =	vimm.s32 $0x3C3B3A39;
	v3 =	vimm.s32 $0x3F3E3D;
	vm0 =	vcmask $0x1F10  }
0x3: {  	v61 =	vimm.s32 $0x35343332;
	v4 =	vimm.s32 $0x39383736;
	v5 =	vimm.s32 $0x3D3C3B3A  }
0x4: {  	v6 =	vimm.s32 $0x1003F3E;
	v24 =	vimm.s32 $0x36353433;
	v25 =	vimm.s32 $0x3020100  }
0x5: {  	v26 =	vimm.s32 $0x3A393837;
	v7 =	vimm.s32 $0x201003F;
	v8 =	vimm.s32 $0x3F3E3D3C  }
0x6: {  	v9 =	vimm.s32 $0x37363534;
	v10 =	vimm.s32 $0x3B3A3938;
	vm1 =	vcmask $0x2F10  }
0x7: {  	v0 =	vadd.s32 $0x8, v11;
	v57 =	vadd.s32 $0xB, v11;
	v58 =	vadd.s32 $0xC, v11  }
0x8: {  	v59 =	vadd.s32 $0x21, v11;
	v19 =	vunpack.c.0.s8.s32 v1;
	v21 =	vunpack.c.0.s8.s32 v2  }
0x9: {  	v1 =	vunpack.c.0.s8.s32 v3;
	v2 =	vunpack.c.0.s8.s32 v61;
	v22 =	vunpack.c.0.s8.s32 v4  }
0xa: {  	v23 =	vunpack.c.0.s8.s32 v5;
	v4 =	vunpack.c.0.s8.s32 v6;
	v5 =	vunpack.c.0.s8.s32 v25  }
0xb: {  	v56 =	vunpack.c.0.s8.s32 v8;
	v8 =	vunpack.c.0.s8.s32 v9;
	[tilespmem:$0x1FB70] =	vst v0;
	v0 =	vunpack.c.0.s8.s32 v60  }
0xc: {  	v10 =	vunpack.c.0.s8.s32 v10;
	[tilespmem:$0x1FBA0] =	vst v59;
	v59 =	vunpack.c.0.s8.s32 v7;
	v60 =	vimm.s32 $0x87654321  }
0xd: {  	v3 =	vsel vm0, v1, v21;
	v62 =	vsel vm0, v22, v2;
	v0 =	vsel vm0, v19, v0  }
0xe: {  	v55 =	vcombine.low v0, v3;
	v0 =	vunpack.c.0.s8.s32 v24;
	v24 =	vimm.s32 $0x32107654  }
0xf: {  	v2 =	vsel vm0, v4, v23;
	v5 =	vsel vm0, v5, v56;
	v7 =	vunpack.c.l.s4.s8 v24  }
0x10: {  	[tilespmem:$0x1FB80] =	vst v57;
	v61 =	vsel vm0, v10, v8;
	v57 =	vcombine.low v62, v2;
	v62 =	vimm.s32 $0x4030201  }
0x11: {  	v61 =	vcombine.low v61, v5;
	v5 =	vunpack.c.0.s8.s32 v62;
	v7 =	vunpack.c.0.s8.s32 v7  }
0x12: {  	[tilespmem:$0x1FB90] =	vst v58;
	v58 =	vunpack.c.0.s8.s32 v26;
	v26 =	vimm.s32 $0xB0A0908;
	v6 =	vunpack.c.l.s4.s8 v60  }
0x13: {  	v60 =	vsel vm0, v5, v1;
	v5 =	vand.u32 $0xF, v7;
	v7 =	vunpack.c.0.s8.s32 v26  }
0x14: {  	vm2 =	vcmask $0x3F30;
	v5 =	vsel vm1, v5, v56  }
0x15: {  	s1 =	simm.s32 $0x0;
	v12 =	vmul.u32 $0x80, v11;
	v7 =	vsel vm2, v7, v5  }
0x16: {  	[smem:$0x7FF] =	sst s1;
	[tilespmem:$0x1FBB0] =	vst v7  }
0x17: {  	s0 =	rddreg [dreg:$0x0];
	v13 =	vadd.s32 $0x1, v11;
	_ =	strace $0x80000047;
	[tilespmem:$0x1FC60] =	vst v12  }
0x18: {  	v14 =	vadd.s32 $0x2, v11;
	[tilespmem:$0x1FC70] =	vst v13  }
0x19: {  	v15 =	vadd.s32 $0x3, v11;
	[tilespmem:$0x1FC80] =	vst v14  }
0x1a: {  	v16 =	vadd.s32 $0x4, v11;
	[tilespmem:$0x1FC90] =	vst v15  }
0x1b: {  	v17 =	vadd.s32 $0x5, v11;
	[tilespmem:$0x1FCA0] =	vst v16  }
0x1c: {  	v18 =	vadd.s32 $0x6, v11;
	[tilespmem:$0x1FCB0] =	vst v17  }
0x1d: {  	v20 =	vadd.s32 $0x7, v11;
	[tilespmem:$0x1FCC0] =	vst v18  }
0x1e: {  	v49 =	vadd.s32 $0x9, v11;
	[tilespmem:$0x1FCD0] =	vst v20  }
0x1f: {  	v63 =	vadd.s32 $0xA, v11;
	[tilespmem:$0x1FCE0] =	vst v49  }
0x20: {  	v29 =	vadd.s32 $0xD, v11;
	[tilespmem:$0x1FCF0] =	vst v63  }
0x21: {  	v30 =	vadd.s32 $0xE, v11;
	[tilespmem:$0x1FD00] =	vst v29  }
0x22: {  	v31 =	vadd.s32 $0xF, v11;
	[tilespmem:$0x1FD10] =	vst v30  }
0x23: {  	v32 =	vor.u32 $0x10, v11;
	[tilespmem:$0x1FD20] =	vst v31  }
0x24: {  	v33 =	vadd.s32 $0x11, v11;
	[tilespmem:$0x1FD30] =	vst v32  }
0x25: {  	v34 =	vadd.s32 $0x12, v11;
	[tilespmem:$0x1FD40] =	vst v33  }
0x26: {  	v35 =	vadd.s32 $0x13, v11;
	[tilespmem:$0x1FD50] =	vst v34  }
0x27: {  	v36 =	vadd.s32 $0x14, v11;
	[tilespmem:$0x1FD60] =	vst v35  }
0x28: {  	v37 =	vadd.s32 $0x15, v11;
	[tilespmem:$0x1FD70] =	vst v36  }
0x29: {  	v38 =	vadd.s32 $0x16, v11;
	[tilespmem:$0x1FD80] =	vst v37  }
0x2a: {  	v39 =	vadd.s32 $0x17, v11;
	[tilespmem:$0x1FD90] =	vst v38  }
0x2b: {  	v40 =	vadd.s32 $0x18, v11;
	[tilespmem:$0x1FDA0] =	vst v39  }
0x2c: {  	v41 =	vadd.s32 $0x19, v11;
	[tilespmem:$0x1FDB0] =	vst v40  }
0x2d: {  	v42 =	vadd.s32 $0x1A, v11;
	[tilespmem:$0x1FDC0] =	vst v41  }
0x2e: {  	v43 =	vadd.s32 $0x1B, v11;
	[tilespmem:$0x1FDD0] =	vst v42  }
0x2f: {  	v44 =	vadd.s32 $0x1C, v11;
	[tilespmem:$0x1FDE0] =	vst v43  }
0x30: {  	v45 =	vadd.s32 $0x1D, v11;
	[tilespmem:$0x1FDF0] =	vst v44  }
0x31: {  	v46 =	vadd.s32 $0x1E, v11;
	[tilespmem:$0x1FE00] =	vst v45  }
0x32: {  	v47 =	vadd.s32 $0x1F, v11;
	[tilespmem:$0x1FE10] =	vst v46  }
0x33: {  	v48 =	vor.u32 $0x20, v11;
	[tilespmem:$0x1FE20] =	vst v47  }
0x34: {  	v50 =	vadd.s32 $0x22, v11;
	[tilespmem:$0x1FE30] =	vst v48  }
0x35: {  	v51 =	vadd.s32 $0x23, v11;
	[tilespmem:$0x1FE40] =	vst v50  }
0x36: {  	[tilespmem:$0x1FE50] =	vst v51  }
0x37: {  	[tilespmem:$0x1FE60] =	vst v19  }
0x38: {  	v52 =	vadd.s32 $0x24, v11;
	[tilespmem:$0x1FE70] =	vst v21  }
0x39: {  	[tilespmem:$0x1FE80] =	vst v52  }
0x3a: {  	[tilespmem:$0x1FE90] =	vst v22  }
0x3b: {  	v53 =	vadd.s32 $0x25, v11;
	[tilespmem:$0x1FEA0] =	vst v23  }
0x3c: {  	v54 =	vadd.s32 $0x26, v11;
	[tilespmem:$0x1FEB0] =	vst v53  }
0x3d: {  	v9 =	vimm.s32 $0x98765432;
	v6 =	vunpack.c.0.s8.s32 v6;
	[tilespmem:$0x1FEC0] =	vst v54  }
0x3e: {  	v9 =	vunpack.c.l.s4.s8 v9;
	v8 =	vimm.s32 $0x5040302;
	[tilespmem:$0x1FED0] =	vst v55  }
0x3f: {  	v25 =	vimm.s32 $0x43218765;
	v8 =	vunpack.c.0.s8.s32 v8;
	v6 =	vand.u32 $0xF, v6;
	[tilespmem:$0x1FEE0] =	vst v57  }
0x40: {  	v24 =	vcombine.low v3, v6;
	v3 =	vunpack.c.0.s8.s32 v9;
	v6 =	vunpack.c.l.s4.s8 v25;
	[tilespmem:$0x1FEF0] =	vst v56  }
0x41: {  	v62 =	vsel vm0, v8, v4;
	[tilespmem:$0x1FF00] =	vst v10  }
0x42: {  	v8 =	vimm.s32 $0x54329876;
	v3 =	vand.u32 $0xF, v3;
	v6 =	vunpack.c.0.s8.s32 v6;
	[tilespmem:$0x1FF10] =	vst v58  }
0x43: {  	v25 =	vimm.s32 $0xC0B0A09;
	v26 =	vimm.s32 $0x6543A987;
	v9 =	vcombine.low v2, v3;
	[tilespmem:$0x1FF20] =	vst v59  }
0x44: {  	v2 =	vunpack.c.l.s4.s8 v8;
	v3 =	vand.u32 $0xF, v6;
	v5 =	vunpack.c.0.s8.s32 v25;
	[tilespmem:$0x1FF30] =	vst v61  }
0x45: {  	v6 =	vunpack.c.l.s4.s8 v26;
	v25 =	vimm.s32 $0xD0C0B0A;
	v26 =	vimm.s32 $0xE0D0C0B;
	[tilespmem:$0x1FF40] =	vst v60  }
0x46: {  	v2 =	vunpack.c.0.s8.s32 v2;
	v1 =	vsel vm1, v3, v1;
	v3 =	vimm.s32 $0xA9876543;
	[tilespmem:$0x1FF50] =	vst v62  }
0x47: {  	v7 =	vimm.s32 $0x6050403;
	v8 =	vsel vm2, v5, v1;
	v3 =	vunpack.c.l.s4.s8 v3;
	[tilespmem:$0x1FF60] =	vst v24  }
0x48: {  	[tilespmem:$0x1FF70] =	vst v9;
	v5 =	vand.u32 $0xF, v2;
	v2 =	vunpack.c.0.s8.s32 v6;
	v6 =	vunpack.c.0.s8.s32 v7  }
0x49: {  	v7 =	vsel vm0, v58, v0;
	[tilespmem:$0x1FF80] =	vst v8;
	v1 =	vsel vm1, v5, v4;
	v4 =	vunpack.c.0.s8.s32 v25  }
0x4a: {  	v25 =	vimm.s32 $0x76543210;
	v3 =	vunpack.c.0.s8.s32 v3;
	[tilespmem:$0x1FFB0] =	vst v7;
	v6 =	vsel vm0, v6, v59  }
0x4b: {  	v4 =	vsel vm2, v4, v1;
	v1 =	vunpack.c.l.s4.s8 v25;
	v25 =	vadd.s32 $0x27, v11;
	[tilespmem:$0x1FFD0] =	vst v6  }
0x4c: {  	v5 =	vunpack.c.0.s8.s32 v26;
	v2 =	vand.u32 $0xF, v2;
	[tilespmem:$0x1FBC0] =	vst v25  }
0x4d: {  	v26 =	vimm.s32 $0x3E3D3C3B;
	v2 =	vsel vm1, v2, v59;
	v3 =	vand.u32 $0xF, v3;
	[tilespmem:$0x1FF90] =	vst v4  }
0x4e: {  	v5 =	vsel vm2, v5, v2;
	v2 =	vunpack.c.0.s8.s32 v26;
	v26 =	vadd.s32 $0x28, v11;
	[tilespmem:$0x1FFF0] =	vst v3  }
0x4f: {  	v25 =	vadd.s32 $0x29, v11;
	[tilespmem:$0x1FBD0] =	vst v26  }
0x50: {  	[tilespmem:$0x1FBE0] =	vst v25  }
0x51: {  	v26 =	vadd.s32 $0x2A, v11;
	[tilespmem:$0x1FFA0] =	vst v5  }
0x52: {  	s2 =	srdreg.scid;
	s9 =	stileid.u32;
	v25 =	vadd.s32 $0x2B, v11;
	[tilespmem:$0x1FBF0] =	vst v26  }
0x53: {  	s12 =	simm.s32 $0x2;
	s2 =	sand.u32 $0x1, s2;
	s4 =	sshll.u32 s9, $0x1;
	[tilespmem:$0x1FC00] =	vst v25  }
0x54: {  	s3 =	sadd.s32 $0x1000, s0;
	s29 =	sshll.u32 s9, $0xE;
	s5 =	sor.u32 s2, s4;
	v26 =	vadd.s32 $0x2C, v11;
	[tilespmem:$0x1FFC0] =	vst v2  }
0x55: {  	s6 =	ssub.s32 $0x2, s2;
	s4 =	sadd.s32 $0x41000, s0;
	s2 =	sshll.u32 s2, $0xD;
	v1 =	vunpack.c.0.s8.s32 v1;
	v25 =	vadd.s32 $0x2D, v11;
	[tilespmem:$0x1FC10] =	vst v26  }
0x56: {  	s7 =	sshll.u32 s5, $0x4;
	s8 =	sshrl.u32 s6, $0x1;
	s5 =	sshll.u32 s5, $0x7;
	[tilespmem:$0x1FC20] =	vst v25  }
0x57: {  	s7 =	sadd.s32 s7, s0;
	s8 =	ssub.s32 s6, s8;
	s0 =	sadd.s32 s0, s5;
	v26 =	vadd.s32 $0x2E, v11;
	[tilespmem:$0x1FFE0] =	vst v1  }
0x58: {  	s5 =	simm.s32 $0x3;
	s30 =	sadd.s32 $0x1C7A00, s7;
	[dreg:$0x2] =	wrdreg s0;
	v25 =	vadd.s32 $0x2F, v11;
	[tilespmem:$0x1FC30] =	vst v26  }
0x59: {  	s6 =	simm.s32 $0x0;
	s31 =	smax.u32 s8, $0x1;
	[dreg:$0x3] =	wrdreg s30;
	[tilespmem:$0x1FC40] =	vst v25;
	v26 =	vor.u32 $0x30, v11  }
0x5a: {  	s8 =	sor.u32 s2, s29;
	s2 =	simm.s32 $0x10000;
	[dreg:$0x4] =	wrdreg s31;
	[tilespmem:$0x1FC50] =	vst v26  }
.LBB2_1:
0x5b: {  	[dreg:$0x5] =	wrdreg s6  }
0x5c: {  	s0 =	rddreg [dreg:$0x2]  }
0x5d: {  	[tilespmem:s2], [sflag:$0x3] =	stream.linear.gather [hbm4b:s0+s1], $0x400, $0x38;
	[tilespmem:$0x18080] =	vst v63  }
0x5e: {  	_ =	swait.ge [sflag:s5], $0x400  }
0x5f: {  	s29 =	sand.u32 $0x30, s1;
	s31 =	sand.u32 $0x380, s1;
	[sflag:s5] =	ssyncset.done $0x0  }
0x60: {  	s0 =	sor.u32 s29, s31;
	[sflag:s5] =	ssyncadd.s32 $0xFFFFFC00  }
0x61: {  	v0 =	vld [tilespmem:s0+$0x10000];
	_ =	sdelay $0x4  }
0x62: {  	v0 =	vshll.u32 v0, $0x4  }
0x63: {  	(v2sf) =	vpush v0, $0x0  }
0x64: {  	(v2sf) =	vpush v0, $0x1  }
0x65: {  	(v2sf) =	vpush v0, $0x3  }
0x66: {  	(v2sf) =	vpush v0, $0x2;
	_ =	sdelay $0x1  }
0x67: {  	(v2sf) =	vpush v0, $0xF;
	_ =	sdelay $0x1  }
0x68: {  	(v2sf) =	vpush v0, $0x4  }
0x69: {  	s15 =	simm.s32 $0x2000;
	s16 =	simm.s32 $0x20;
	s19 =	simm.s32 $0x4000  }
0x6a: {  	s17 =	simm.s32 $0x0;
	s30 =	simm.s32 $0x180;
	s23 =	simm.s32 $0x480;
	(v2sf) =	vpush v0, $0x5  }
0x6b: {  	s20 =	simm.s32 $0x500;
	s13 =	simm.s32 $0x80;
	s26 =	simm.s32 $0x280  }
0x6c: {  	s25 =	simm.s32 $0x380;
	s21 =	simm.s32 $0x40;
	s22 =	simm.s32 $0x20;
	(v2sf) =	vpush v0, $0x6  }
0x6d: {  	s28 =	simm.s32 $0x300;
	s18 =	simm.s32 $0x0;
	s0 =	simm.s32 $0x10  }
.LBB2_2:
0x6e: {  	p0 =	sne.s32 s19, $0x3E000;
	s6 =	sadd.s32 $0x200, s17;
	s31 =	sadd.s32 $0x680, s17;
	(v2sf) =	vpush v0, $0x7  }
0x6f: {  	s5 =	sadd.s32 $0x400, s17;
	s24 =	smov.u32 s19;
	s19 =	sadd.s32 $0x2000, s19  }
0x70: {  	s29 =	sand.u32 $0x30, s0;
	s2 =	sadd.s32 $0x580, s17;
	s0 =	spop (v2sf);
	(v2sf) =	vpush v0, $0x8  }
0x71: {  	s7 =	sand.u32 $0x1FFFFFF0, s0;
	s0 =	sadd.s32 $0x600, s17;
	s10 =	spop (v2sf)  }
0x72: {  	s7 =	sadd.s32 s4, s7;
	s10 =	sand.u32 $0x1FFFFFF0, s10;
	s14 =	spop (v2sf);
	(v2sf) =	vpush v0, $0x9  }
0x73: {  	s11 =	sadd.s32 $0x100, s17;
	s14 =	sand.u32 $0x1FFFFFF0, s14;
	s9 =	spop (v2sf)  }
0x74: {  	[tilespmem:s17], [sflag:$0x1] =	stream.linear.gather [hbm4b:s7+s18], $0x80, $0x38;
	(v2sf) =	vpush v0, $0xA;
	[tilespmem:$0x18080] =	vst v63  }
0x75: {  	s7 =	sadd.s32 s4, s10;
	s9 =	sand.u32 $0x1FFFFFF0, s9;
	s10 =	spop (v2sf)  }
0x76: {  	[tilespmem:s13], [sflag:$0x1] =	stream.linear.gather [hbm4b:s7+s18], $0x80, $0x38;
	(v2sf) =	vpush v0, $0xB;
	[tilespmem:$0x18080] =	vst v63  }
0x77: {  	s7 =	sadd.s32 s4, s9;
	s13 =	sand.u32 $0x1FFFFFF0, s10;
	s9 =	spop (v2sf)  }
0x78: {  	[tilespmem:s11], [sflag:$0x1] =	stream.linear.gather [hbm4b:s7+s18], $0x80, $0x38;
	(v2sf) =	vpush v0, $0xC;
	[tilespmem:$0x18080] =	vst v63  }
0x79: {  	s7 =	sadd.s32 s4, s14;
	s9 =	sand.u32 $0x1FFFFFF0, s9;
	s10 =	spop (v2sf)  }
0x7a: {  	[tilespmem:s30], [sflag:$0x1] =	stream.linear.gather [hbm4b:s7+s18], $0x80, $0x38;
	(v2sf) =	vpush v0, $0xD;
	[tilespmem:$0x18080] =	vst v63  }
0x7b: {  	s7 =	sadd.s32 s4, s9;
	s9 =	sand.u32 $0x1FFFFFF0, s10;
	s10 =	spop (v2sf)  }
0x7c: {  	[tilespmem:s6], [sflag:$0x1] =	stream.linear.gather [hbm4b:s7+s18], $0x80, $0x38;
	(v2sf) =	vpush v0, $0xE;
	[tilespmem:$0x18080] =	vst v63  }
0x7d: {  	s6 =	sadd.s32 s4, s9;
	s7 =	sand.u32 $0x1FFFFFF0, s10;
	s9 =	spop (v2sf)  }
0x7e: {  	[tilespmem:s26], [sflag:$0x1] =	stream.linear.gather [hbm4b:s6+s18], $0x80, $0x38;
	[tilespmem:$0x18080] =	vst v63  }
0x7f: {  	s6 =	sadd.s32 s4, s7;
	s7 =	sand.u32 $0x1FFFFFF0, s9;
	s9 =	spop (v2sf)  }
0x80: {  	[tilespmem:s28], [sflag:$0x1] =	stream.linear.gather [hbm4b:s6+s18], $0x80, $0x38;
	[tilespmem:$0x18080] =	vst v63  }
0x81: {  	s6 =	sadd.s32 s4, s7;
	s7 =	sand.u32 $0x1FFFFFF0, s9;
	s9 =	spop (v2sf)  }
0x82: {  	[tilespmem:s25], [sflag:$0x1] =	stream.linear.gather [hbm4b:s6+s18], $0x80, $0x38;
	[tilespmem:$0x18080] =	vst v63  }
0x83: {  	s6 =	sadd.s32 s4, s7;
	s7 =	sand.u32 $0x1FFFFFF0, s9;
	s9 =	spop (v2sf)  }
0x84: {  	[tilespmem:s5], [sflag:$0x1] =	stream.linear.gather [hbm4b:s6+s18], $0x80, $0x38;
	[tilespmem:$0x18080] =	vst v63  }
0x85: {  	s5 =	sadd.s32 s4, s7;
	s6 =	sand.u32 $0x1FFFFFF0, s9;
	s7 =	spop (v2sf)  }
0x86: {  	[tilespmem:s23], [sflag:$0x1] =	stream.linear.gather [hbm4b:s5+s18], $0x80, $0x38;
	[tilespmem:$0x18080] =	vst v63  }
0x87: {  	s5 =	sadd.s32 s4, s6;
	s6 =	sand.u32 $0x1FFFFFF0, s7;
	s7 =	spop (v2sf)  }
0x88: {  	[tilespmem:s20], [sflag:$0x1] =	stream.linear.gather [hbm4b:s5+s18], $0x80, $0x38;
	[tilespmem:$0x18080] =	vst v63  }
0x89: {  	s5 =	sadd.s32 s4, s6;
	s6 =	sand.u32 $0x1FFFFFF0, s7;
	s7 =	spop (v2sf)  }
0x8a: {  	[tilespmem:s2], [sflag:$0x1] =	stream.linear.gather [hbm4b:s5+s18], $0x80, $0x38;
	[tilespmem:$0x18080] =	vst v63  }
0x8b: {  	s2 =	sadd.s32 s4, s6;
	s5 =	sand.u32 $0x1FFFFFF0, s7;
	s6 =	spop (v2sf)  }
0x8c: {  	[tilespmem:s0], [sflag:$0x1] =	stream.linear.gather [hbm4b:s2+s18], $0x80, $0x38;
	[tilespmem:$0x18080] =	vst v63  }
0x8d: {  	s0 =	sadd.s32 s4, s5;
	s2 =	sadd.s32 $0x700, s17;
	s5 =	sand.u32 $0x1FFFFFF0, s6  }
0x8e: {  	[tilespmem:s31], [sflag:$0x1] =	stream.linear.gather [hbm4b:s0+s18], $0x80, $0x38;
	[tilespmem:$0x18080] =	vst v63  }
0x8f: {  	s6 =	sadd.s32 $0x780, s17;
	s5 =	sadd.s32 s4, s5;
	s0 =	sand.u32 $0x380, s16  }
0x90: {  	[tilespmem:s2], [sflag:$0x1] =	stream.linear.gather [hbm4b:s5+s18], $0x80, $0x38;
	[tilespmem:$0x18080] =	vst v63  }
0x91: {  	s16 =	smov.u32 s21;
	s0 =	sor.u32 s29, s0;
	s2 =	sadd.s32 s4, s13  }
0x92: {  	[tilespmem:s6], [sflag:$0x1] =	stream.linear.gather [hbm4b:s2+s18], $0x80, $0x38;
	[tilespmem:$0x18080] =	vst v63  }
0x93: {  	v0 =	vld [tilespmem:s0+$0x10000];
	s0 =	smov.u32 s22;
	_ =	sdelay $0x4  }
0x94: {  	v0 =	vshll.u32 v0, $0x4  }
0x95: {  	(v2sf) =	vpush v0, $0x0  }
0x96: {  	(v2sf) =	vpush v0, $0x1  }
0x97: {  	(v2sf) =	vpush v0, $0x3  }
0x98: {  	(v2sf) =	vpush v0, $0x2;
	_ =	sdelay $0x1  }
0x99: {  	(v2sf) =	vpush v0, $0xF;
	_ =	sdelay $0x1  }
0x9a: {  	(v2sf) =	vpush v0, $0x4  }
.Ltmp0:
0x9b: {  	s18 =	simm.s32 $0x0;
	(pc) =	sbr.rel @p0 .LBB2_2-.Ltmp0, $4  }
0x9c: {  	s17 =	sshra.s32 s15, $0x2;
	s15 =	smov.u32 s24;
	(v2sf) =	vpush v0, $0x5  }
0x9d: {  	s30 =	sadd.s32 $0x180, s17;
	s23 =	sadd.s32 $0x480, s17;
	s20 =	sadd.s32 $0x500, s17  }
0x9e: {  	s26 =	sadd.s32 $0x280, s17;
	s25 =	sadd.s32 $0x380, s17;
	s13 =	sadd.s32 $0x80, s17;
	(v2sf) =	vpush v0, $0x6  }
0x9f: {  	s28 =	sadd.s32 $0x300, s17;
	s21 =	sadd.s32 $0x20, s21;
	s22 =	sadd.s32 $0x10, s22  }
0xa0: {  	(v2sf) =	vpush v0, $0x7  }
0xa1: {  	s5 =	sadd.s32 $0x200, s17;
	s2 =	sadd.s32 $0x680, s17  }
0xa2: {  	s6 =	sadd.s32 $0x400, s17;
	s0 =	sand.u32 $0x30, s0;
	s7 =	spop (v2sf);
	(v2sf) =	vpush v0, $0x8  }
0xa3: {  	s9 =	sadd.s32 $0x580, s17;
	s11 =	sadd.s32 $0x600, s17;
	s10 =	spop (v2sf)  }
0xa4: {  	s19 =	sadd.s32 $0x100, s17;
	s7 =	sand.u32 $0x1FFFFFF0, s7;
	s14 =	spop (v2sf);
	(v2sf) =	vpush v0, $0x9  }
0xa5: {  	s7 =	sadd.s32 s4, s7;
	s10 =	sand.u32 $0x1FFFFFF0, s10;
	s21 =	spop (v2sf)  }
0xa6: {  	[tilespmem:s17], [sflag:$0x1] =	stream.linear.gather [hbm4b:s7+s18], $0x80, $0x38;
	(v2sf) =	vpush v0, $0xA;
	[tilespmem:$0x18080] =	vst v63  }
0xa7: {  	s29 =	sadd.s32 s4, s10;
	s31 =	sand.u32 $0x1FFFFFF0, s21;
	s21 =	spop (v2sf)  }
0xa8: {  	[tilespmem:s13], [sflag:$0x1] =	stream.linear.gather [hbm4b:s29+s18], $0x80, $0x38;
	(v2sf) =	vpush v0, $0xB;
	[tilespmem:$0x18080] =	vst v63  }
0xa9: {  	s22 =	sand.u32 $0x1FFFFFF0, s14;
	s10 =	sadd.s32 s4, s31;
	s24 =	spop (v2sf)  }
0xaa: {  	[tilespmem:s19], [sflag:$0x1] =	stream.linear.gather [hbm4b:s10+s18], $0x80, $0x38;
	(v2sf) =	vpush v0, $0xC;
	[tilespmem:$0x18080] =	vst v63  }
0xab: {  	s7 =	sadd.s32 s4, s22;
	s29 =	sand.u32 $0x1FFFFFF0, s24;
	s31 =	spop (v2sf)  }
0xac: {  	[tilespmem:s30], [sflag:$0x1] =	stream.linear.gather [hbm4b:s7+s18], $0x80, $0x38;
	(v2sf) =	vpush v0, $0xD;
	[tilespmem:$0x18080] =	vst v63  }
0xad: {  	s10 =	sadd.s32 s4, s29;
	s13 =	sand.u32 $0x1FFFFFF0, s31;
	s14 =	spop (v2sf)  }
0xae: {  	(v2sf) =	vpush v0, $0xE;
	[tilespmem:s5], [sflag:$0x1] =	stream.linear.gather [hbm4b:s10+s18], $0x80, $0x38;
	[tilespmem:$0x18080] =	vst v63  }
0xaf: {  	s19 =	sadd.s32 s4, s13;
	s22 =	sand.u32 $0x1FFFFFF0, s14;
	s24 =	spop (v2sf)  }
0xb0: {  	[tilespmem:s26], [sflag:$0x1] =	stream.linear.gather [hbm4b:s19+s18], $0x80, $0x38;
	[tilespmem:$0x18080] =	vst v63  }
0xb1: {  	s29 =	sadd.s32 s4, s22;
	s30 =	sand.u32 $0x1FFFFFF0, s24;
	s31 =	spop (v2sf)  }
0xb2: {  	[tilespmem:s28], [sflag:$0x1] =	stream.linear.gather [hbm4b:s29+s18], $0x80, $0x38;
	[tilespmem:$0x18080] =	vst v63  }
0xb3: {  	s7 =	sadd.s32 s4, s30;
	s13 =	sand.u32 $0x1FFFFFF0, s31;
	s14 =	spop (v2sf)  }
0xb4: {  	[tilespmem:s25], [sflag:$0x1] =	stream.linear.gather [hbm4b:s7+s18], $0x80, $0x38;
	[tilespmem:$0x18080] =	vst v63  }
0xb5: {  	s19 =	sadd.s32 s4, s13;
	s22 =	sand.u32 $0x1FFFFFF0, s14;
	s24 =	spop (v2sf)  }
0xb6: {  	[tilespmem:s6], [sflag:$0x1] =	stream.linear.gather [hbm4b:s19+s18], $0x80, $0x38;
	[tilespmem:$0x18080] =	vst v63  }
0xb7: {  	s25 =	sadd.s32 s4, s22;
	s26 =	sand.u32 $0x1FFFFFF0, s24;
	s28 =	spop (v2sf)  }
0xb8: {  	[tilespmem:s23], [sflag:$0x1] =	stream.linear.gather [hbm4b:s25+s18], $0x80, $0x38;
	[tilespmem:$0x18080] =	vst v63  }
0xb9: {  	s29 =	sadd.s32 s4, s26;
	s30 =	sand.u32 $0x1FFFFFF0, s28;
	s31 =	spop (v2sf)  }
0xba: {  	[tilespmem:s20], [sflag:$0x1] =	stream.linear.gather [hbm4b:s29+s18], $0x80, $0x38;
	[tilespmem:$0x18080] =	vst v63  }
0xbb: {  	s6 =	sadd.s32 s4, s30;
	s7 =	sand.u32 $0x1FFFFFF0, s31;
	s10 =	spop (v2sf)  }
0xbc: {  	[tilespmem:s9], [sflag:$0x1] =	stream.linear.gather [hbm4b:s6+s18], $0x80, $0x38;
	[tilespmem:$0x18080] =	vst v63  }
0xbd: {  	s13 =	sadd.s32 s4, s7;
	s14 =	sand.u32 $0x1FFFFFF0, s10;
	s19 =	spop (v2sf)  }
0xbe: {  	[tilespmem:s11], [sflag:$0x1] =	stream.linear.gather [hbm4b:s13+s18], $0x80, $0x38;
	[tilespmem:$0x18080] =	vst v63  }
0xbf: {  	s22 =	sand.u32 $0x380, s16;
	s6 =	sadd.s32 s4, s14;
	s7 =	sand.u32 $0x1FFFFFF0, s19  }
0xc0: {  	[tilespmem:s2], [sflag:$0x1] =	stream.linear.gather [hbm4b:s6+s18], $0x80, $0x38;
	[tilespmem:$0x18080] =	vst v63  }
0xc1: {  	s20 =	sand.u32 $0x1FFFFFF0, s21;
	s21 =	sadd.s32 $0x700, s17;
	s7 =	sadd.s32 s4, s7  }
0xc2: {  	[tilespmem:s21], [sflag:$0x1] =	stream.linear.gather [hbm4b:s7+s18], $0x80, $0x38;
	[tilespmem:$0x18080] =	vst v63  }
0xc3: {  	s0 =	sor.u32 s0, s22;
	s23 =	sadd.s32 $0x780, s17;
	s5 =	sadd.s32 s4, s20  }
0xc4: {  	[tilespmem:s23], [sflag:$0x1] =	stream.linear.gather [hbm4b:s5+s18], $0x80, $0x38;
	[tilespmem:$0x18080] =	vst v63  }
0xc5: {  	v62 =	vld [tilespmem:s0+$0x10000];
	_ =	sdelay $0x4  }
0xc6: {  	v0 =	vshll.u32 v62, $0x4  }
0xc7: {  	(v2sf) =	vpush v0, $0x0  }
0xc8: {  	(v2sf) =	vpush v0, $0x1  }
0xc9: {  	(v2sf) =	vpush v0, $0x3  }
0xca: {  	(v2sf) =	vpush v0, $0x2;
	_ =	sdelay $0x1  }
0xcb: {  	(v2sf) =	vpush v0, $0xF;
	_ =	sdelay $0x1  }
0xcc: {  	(v2sf) =	vpush v0, $0x4;
	_ =	sdelay $0x1  }
0xcd: {  	(v2sf) =	vpush v0, $0x5;
	_ =	sdelay $0x1  }
0xce: {  	s2 =	sshra.s32 s15, $0x2;
	(v2sf) =	vpush v0, $0x6  }
0xcf: {  	s6 =	sadd.s32 $0x180, s2;
	s24 =	sadd.s32 $0x80, s2  }
0xd0: {  	s10 =	sadd.s32 $0x280, s2;
	s11 =	sadd.s32 $0x380, s2;
	s13 =	sadd.s32 $0x300, s2;
	(v2sf) =	vpush v0, $0x7  }
0xd1: {  	s14 =	sadd.s32 $0x200, s2;
	s15 =	sadd.s32 $0x400, s2;
	s17 =	sadd.s32 $0x580, s2  }
0xd2: {  	s19 =	sadd.s32 $0x600, s2;
	s29 =	sadd.s32 $0x100, s2;
	s25 =	spop (v2sf);
	(v2sf) =	vpush v0, $0x8  }
0xd3: {  	s7 =	sadd.s32 $0x480, s2;
	s5 =	sadd.s32 $0x500, s2;
	s26 =	spop (v2sf)  }
0xd4: {  	s0 =	simm.s32 $0x0;
	s16 =	sand.u32 $0x1FFFFFF0, s25;
	(v2sf) =	vpush v0, $0x9;
	s28 =	spop (v2sf)  }
0xd5: {  	s16 =	sadd.s32 s4, s16;
	s18 =	sand.u32 $0x1FFFFFF0, s26;
	s22 =	spop (v2sf)  }
0xd6: {  	(v2sf) =	vpush v0, $0xA;
	[tilespmem:s2], [sflag:$0x1] =	stream.linear.gather [hbm4b:s16+s0], $0x80, $0x38;
	[tilespmem:$0x18080] =	vst v63  }
0xd7: {  	s30 =	sadd.s32 s4, s18;
	s31 =	sand.u32 $0x1FFFFFF0, s22;
	s22 =	spop (v2sf)  }
0xd8: {  	(v2sf) =	vpush v0, $0xB;
	[tilespmem:s24], [sflag:$0x1] =	stream.linear.gather [hbm4b:s30+s0], $0x80, $0x38;
	[tilespmem:$0x18080] =	vst v63  }
0xd9: {  	s23 =	sand.u32 $0x1FFFFFF0, s28;
	s24 =	sadd.s32 s4, s31;
	s25 =	spop (v2sf)  }
0xda: {  	(v2sf) =	vpush v0, $0xC;
	[tilespmem:s29], [sflag:$0x1] =	stream.linear.gather [hbm4b:s24+s0], $0x80, $0x38;
	[tilespmem:$0x18080] =	vst v63  }
0xdb: {  	s9 =	sadd.s32 s4, s23;
	s26 =	sand.u32 $0x1FFFFFF0, s25;
	s28 =	spop (v2sf)  }
0xdc: {  	(v2sf) =	vpush v0, $0xD;
	[tilespmem:s6], [sflag:$0x1] =	stream.linear.gather [hbm4b:s9+s0], $0x80, $0x38;
	[tilespmem:$0x18080] =	vst v63  }
0xdd: {  	s29 =	sadd.s32 s4, s26;
	s30 =	sand.u32 $0x1FFFFFF0, s28;
	s31 =	spop (v2sf)  }
0xde: {  	(v2sf) =	vpush v0, $0xE;
	[tilespmem:s14], [sflag:$0x1] =	stream.linear.gather [hbm4b:s29+s0], $0x80, $0x38;
	[tilespmem:$0x18080] =	vst v63  }
0xdf: {  	s18 =	sand.u32 $0x1FFFFFF0, s31;
	s20 =	spop (v2sf);
	s14 =	sadd.s32 s4, s30  }
0xe0: {  	[tilespmem:s10], [sflag:$0x1] =	stream.linear.gather [hbm4b:s14+s0], $0x80, $0x38;
	[tilespmem:$0x18080] =	vst v63  }
0xe1: {  	s21 =	sadd.s32 s4, s18;
	s23 =	sand.u32 $0x1FFFFFF0, s20;
	s24 =	spop (v2sf)  }
0xe2: {  	[tilespmem:s13], [sflag:$0x1] =	stream.linear.gather [hbm4b:s21+s0], $0x80, $0x38;
	[tilespmem:$0x18080] =	vst v63  }
0xe3: {  	s25 =	sadd.s32 s4, s23;
	s26 =	sand.u32 $0x1FFFFFF0, s24;
	s28 =	spop (v2sf)  }
0xe4: {  	[tilespmem:s11], [sflag:$0x1] =	stream.linear.gather [hbm4b:s25+s0], $0x80, $0x38;
	[tilespmem:$0x18080] =	vst v63  }
0xe5: {  	s29 =	sadd.s32 s4, s26;
	s30 =	sand.u32 $0x1FFFFFF0, s28;
	s31 =	spop (v2sf)  }
0xe6: {  	[tilespmem:s15], [sflag:$0x1] =	stream.linear.gather [hbm4b:s29+s0], $0x80, $0x38;
	[tilespmem:$0x18080] =	vst v63  }
0xe7: {  	s9 =	sadd.s32 s4, s30;
	s11 =	sand.u32 $0x1FFFFFF0, s31;
	s13 =	spop (v2sf)  }
0xe8: {  	[tilespmem:s7], [sflag:$0x1] =	stream.linear.gather [hbm4b:s9+s0], $0x80, $0x38;
	[tilespmem:$0x18080] =	vst v63  }
0xe9: {  	s14 =	sadd.s32 s4, s11;
	s15 =	sand.u32 $0x1FFFFFF0, s13;
	s16 =	spop (v2sf)  }
0xea: {  	[tilespmem:s5], [sflag:$0x1] =	stream.linear.gather [hbm4b:s14+s0], $0x80, $0x38;
	[tilespmem:$0x18080] =	vst v63  }
0xeb: {  	s18 =	sadd.s32 s4, s15;
	s20 =	sand.u32 $0x1FFFFFF0, s16;
	s21 =	spop (v2sf)  }
0xec: {  	[tilespmem:s17], [sflag:$0x1] =	stream.linear.gather [hbm4b:s18+s0], $0x80, $0x38;
	[tilespmem:$0x18080] =	vst v63  }
0xed: {  	s23 =	sadd.s32 s4, s20;
	s24 =	sand.u32 $0x1FFFFFF0, s21;
	s25 =	spop (v2sf)  }
0xee: {  	[tilespmem:s19], [sflag:$0x1] =	stream.linear.gather [hbm4b:s23+s0], $0x80, $0x38;
	[tilespmem:$0x18080] =	vst v63  }
0xef: {  	s26 =	sadd.s32 $0x680, s2;
	s6 =	sadd.s32 s4, s24;
	s7 =	sand.u32 $0x1FFFFFF0, s25  }
0xf0: {  	[tilespmem:s26], [sflag:$0x1] =	stream.linear.gather [hbm4b:s6+s0], $0x80, $0x38;
	[tilespmem:$0x18080] =	vst v63  }
0xf1: {  	s28 =	sand.u32 $0x1FFFFFF0, s22;
	s29 =	sadd.s32 $0x700, s2;
	s7 =	sadd.s32 s4, s7  }
0xf2: {  	[tilespmem:s29], [sflag:$0x1] =	stream.linear.gather [hbm4b:s7+s0], $0x80, $0x38;
	[tilespmem:$0x18080] =	vst v63  }
0xf3: {  	p0 =	por $0x1, $0x1;
	s2 =	sadd.s32 $0x780, s2;
	s5 =	sadd.s32 s4, s28  }
0xf4: {  	[tilespmem:s2], [sflag:$0x1] =	stream.linear.gather [hbm4b:s5+s0], $0x80, $0x38;
	[tilespmem:$0x18080] =	vst v63  }
.Ltmp1:
0xf5: {  	s30 =	sadd.s32 $0x0, s8;
	s0 =	sand.u32 $0x70, s0;
	(pc) =	sbr.rel @!p0 .LBB2_5-.Ltmp1, $4  }
0xf6: {  	s2 =	sand.u32 $0xFFFEF80, s30;
	s31 =	sadd.s32 s3, s0  }
0xf7: {  	s0 =	simm.s32 $0x10000;
	s2 =	sadd.s32 s2, s31  }
0xf8: {  	[tilespmem:s0], [sflag:$0x2] =	stream.linear.gather [hbm4b:s2+s1], $0x80, $0x38;
	[tilespmem:$0x18080] =	vst v63  }
0xf9: {  	s2 =	simm.s32 $0x10  }
.LBB2_4:
0xfa: {  	p0 =	sne.s32 s2, $0xFF0  }
.Ltmp2:
0xfb: {  	s5 =	sadd.s32 s2, s8;
	(pc) =	sbr.rel @p0 .LBB2_4-.Ltmp2, $4  }
0xfc: {  	s6 =	sand.u32 $0x70, s2;
	s2 =	sadd.s32 $0x10, s2  }
0xfd: {  	s5 =	sand.u32 $0xFFFEF80, s5;
	s6 =	sadd.s32 s3, s6  }
0xfe: {  	s0 =	sadd.s32 $0x80, s0;
	s5 =	sadd.s32 s5, s6  }
0xff: {  	[tilespmem:s0], [sflag:$0x2] =	stream.linear.gather [hbm4b:s5+s1], $0x80, $0x38;
	[tilespmem:$0x18080] =	vst v63  }
.LBB2_5:
0x100: {  	s0 =	simm.s32 $0x200;
	s2 =	simm.s32 $0x1  }
.LBB2_6:
0x101: {  	p0 =	sne.s32 s0, $0x1  }
.Ltmp3:
0x102: {  	_ = 	snop;
	(pc) =	sbr.rel @p0 .LBB2_6-.Ltmp3, $4  }
0x103: {  	_ = 	snop  }
0x104: {  	_ =	swait.ge [sflag:s2], $0x80  }
0x105: {  	[sflag:s2] =	ssyncset.done $0x0  }
0x106: {  	s0 =	sadd.s32 $0xFFFFFFFF, s0;
	[sflag:s2] =	ssyncadd.s32 $0xFFFFFF80  }
0x107: {  	s0 =	simm.s32 $0x100  }
.LBB2_8:
0x108: {  	p0 =	sne.s32 s0, $0x1  }
.Ltmp4:
0x109: {  	_ = 	snop;
	(pc) =	sbr.rel @p0 .LBB2_8-.Ltmp4, $4  }
0x10a: {  	_ = 	snop  }
0x10b: {  	_ =	swait.ge [sflag:s12], $0x80  }
0x10c: {  	[sflag:s12] =	ssyncset.done $0x0  }
0x10d: {  	s0 =	sadd.s32 $0xFFFFFFFF, s0;
	[sflag:s12] =	ssyncadd.s32 $0xFFFFFF80  }
0x10e: {  	v0 =	vimm.f32 $0.0e+00;
	s15 =	simm.s32 $0x0  }
.LBB2_10:
0x10f: {  	_ =	sdelay $0x3  }
0x110: {  	[tilespmem:$0x1FB60] =	vst v0;
	v0 =	vmov s15  }
0x111: {  	v0 =	vshll.u32 v0, $0x7  }
0x112: {  	v2 =	vor.u32 v12, v0  }
0x113: {  	v0 =	vor.u32 v11, v2;
	_ =	sdelay $0x1  }
0x114: {  	v1 =	vor.u32 v13, v2  }
0x115: {  	v27 =	vld [tilespmem:$0x1FB90]  }
0x116: {  	v19 =	vld [tilespmem:$0x1FB70];
	s16 =	simm.s32 $0x10000;
	v3 =	vor.u32 v14, v2  }
0x117: {  	v4 =	vld.idx.msk [tilespmem:v0+s16+$0x0], $0xffff  }
0x118: {  	v5 =	vor.u32 v15, v2;
	v0 =	vld.idx.msk [tilespmem:v0+s1+$0x0], $0xffff  }
0x119: {  	v6 =	vld.idx.msk [tilespmem:v1+s16+$0x0], $0xffff  }
0x11a: {  	v7 =	vor.u32 v16, v2;
	v1 =	vld.idx.msk [tilespmem:v1+s1+$0x0], $0xffff  }
0x11b: {  	v8 =	vld.idx.msk [tilespmem:v3+s16+$0x0], $0xffff  }
0x11c: {  	v9 =	vor.u32 v17, v2;
	v3 =	vld.idx.msk [tilespmem:v3+s1+$0x0], $0xffff  }
0x11d: {  	v10 =	vld.idx.msk [tilespmem:v5+s16+$0x0], $0xffff  }
0x11e: {  	v5 =	vld.idx.msk [tilespmem:v5+s1+$0x0], $0xffff  }
0x11f: {  	v12 =	vor.u32 v18, v2;
	v11 =	vld.idx.msk [tilespmem:v7+s16+$0x0], $0xffff  }
0x120: {  	v7 =	vld.idx.msk [tilespmem:v7+s1+$0x0], $0xffff;
	v13 =	vmul.f32 v0, v4  }
0x121: {  	v16 =	vor.u32 v20, v2;
	v15 =	vld.idx.msk [tilespmem:v9+s16+$0x0], $0xffff;
	v4 =	vmul.f32 v4, v4;
	v0 =	vmul.f32 v0, v0  }
0x122: {  	v9 =	vld.idx.msk [tilespmem:v9+s1+$0x0], $0xffff;
	v14 =	vmul.f32 v1, v6;
	v6 =	vmul.f32 v6, v6  }
0x123: {  	v26 =	vld [tilespmem:$0x1FB80];
	v18 =	vor.u32 v19, v2;
	v1 =	vmul.f32 v1, v1;
	v17 =	vmul.f32 v3, v8  }
0x124: {  	v21 =	vor.u32 v49, v2;
	v20 =	vld.idx.msk [tilespmem:v12+s16+$0x0], $0xffff;
	v8 =	vmul.f32 v8, v8;
	v3 =	vmul.f32 v3, v3  }
0x125: {  	v25 =	vor.u32 v63, v2;
	v12 =	vld.idx.msk [tilespmem:v12+s1+$0x0], $0xffff;
	v19 =	vmul.f32 v5, v10;
	v10 =	vmul.f32 v10, v10  }
0x126: {  	v28 =	vor.u32 v36, v2;
	v23 =	vld.idx.msk [tilespmem:v16+s16+$0x0], $0xffff;
	v22 =	vmul.f32 v7, v11;
	v11 =	vmul.f32 v11, v11  }
0x127: {  	v49 =	vor.u32 v47, v2;
	v16 =	vld.idx.msk [tilespmem:v16+s1+$0x0], $0xffff;
	v5 =	vmul.f32 v5, v5;
	v24 =	vmul.f32 v9, v15  }
0x128: {  	v7 =	vmul.f32 v7, v7;
	v4 =	vadd.f32 v11, v4;
	v11 =	vmul.f32 v15, v15;
	v15 =	vld.idx.msk [tilespmem:v18+s16+$0x0], $0xffff  }
0x129: {  	v9 =	vmul.f32 v9, v9;
	v13 =	vadd.f32 v22, v13;
	v63 =	vadd.f32 v24, v14;
	v14 =	vld.idx.msk [tilespmem:v18+s1+$0x0], $0xffff  }
0x12a: {  	v18 =	vor.u32 v26, v2;
	v6 =	vadd.f32 v11, v6;
	v11 =	vmul.f32 v12, v20  }
0x12b: {  	v0 =	vadd.f32 v7, v0;
	v22 =	vld.idx.msk [tilespmem:v21+s16+$0x0], $0xffff;
	v20 =	vmul.f32 v20, v20;
	v12 =	vmul.f32 v12, v12  }
0x12c: {  	v21 =	vld.idx.msk [tilespmem:v21+s1+$0x0], $0xffff;
	v24 =	vor.u32 v27, v2;
	v1 =	vadd.f32 v9, v1;
	v9 =	vadd.f32 v11, v17  }
0x12d: {  	v11 =	vmul.f32 v16, v23;
	v17 =	vld.idx.msk [tilespmem:v25+s16+$0x0], $0xffff;
	v8 =	vadd.f32 v20, v8;
	v3 =	vadd.f32 v12, v3  }
0x12e: {  	v12 =	vld.idx.msk [tilespmem:v25+s1+$0x0], $0xffff;
	v20 =	vor.u32 v29, v2;
	v16 =	vmul.f32 v16, v16;
	v25 =	vmul.f32 v14, v15  }
0x12f: {  	v15 =	vmul.f32 v15, v15;
	v11 =	vadd.f32 v11, v19;
	v19 =	vmul.f32 v23, v23;
	v23 =	vld.idx.msk [tilespmem:v18+s16+$0x0], $0xffff  }
0x130: {  	v26 =	vor.u32 v30, v2;
	v14 =	vmul.f32 v14, v14;
	v18 =	vld.idx.msk [tilespmem:v18+s1+$0x0], $0xffff;
	v5 =	vadd.f32 v16, v5  }
0x131: {  	v27 =	vor.u32 v32, v2;
	v16 =	vld.idx.msk [tilespmem:v24+s16+$0x0], $0xffff;
	v13 =	vadd.f32 v25, v13;
	v4 =	vadd.f32 v15, v4  }
0x132: {  	v15 =	vld.idx.msk [tilespmem:v24+s1+$0x0], $0xffff;
	v0 =	vadd.f32 v14, v0;
	v14 =	vmul.f32 v21, v22;
	v22 =	vmul.f32 v22, v22  }
0x133: {  	v21 =	vmul.f32 v21, v21;
	v10 =	vadd.f32 v19, v10;
	v19 =	vor.u32 v31, v2;
	v24 =	vld.idx.msk [tilespmem:v20+s16+$0x0], $0xffff  }
0x134: {  	v25 =	vmul.f32 v12, v17;
	v20 =	vld.idx.msk [tilespmem:v20+s1+$0x0], $0xffff;
	v7 =	vadd.f32 v14, v63;
	v14 =	vmul.f32 v17, v17  }
0x135: {  	v6 =	vadd.f32 v22, v6;
	v17 =	vld.idx.msk [tilespmem:v26+s16+$0x0], $0xffff;
	v1 =	vadd.f32 v21, v1;
	v12 =	vmul.f32 v12, v12  }
0x136: {  	v21 =	vld.idx.msk [tilespmem:v26+s1+$0x0], $0xffff;
	v22 =	vor.u32 v33, v2;
	v26 =	vor.u32 v34, v2;
	v8 =	vadd.f32 v14, v8  }
0x137: {  	v14 =	vmul.f32 v18, v23;
	v3 =	vadd.f32 v12, v3;
	v12 =	vmul.f32 v15, v16  }
0x138: {  	v9 =	vadd.f32 v25, v9;
	v23 =	vmul.f32 v23, v23;
	v18 =	vmul.f32 v18, v18;
	v25 =	vld.idx.msk [tilespmem:v19+s16+$0x0], $0xffff  }
0x139: {  	v19 =	vld.idx.msk [tilespmem:v19+s1+$0x0], $0xffff;
	v11 =	vadd.f32 v14, v11;
	v12 =	vadd.f32 v12, v13;
	v13 =	vmul.f32 v16, v16  }
0x13a: {  	v15 =	vmul.f32 v15, v15;
	v14 =	vld.idx.msk [tilespmem:v27+s16+$0x0], $0xffff;
	v10 =	vadd.f32 v23, v10;
	v5 =	vadd.f32 v18, v5  }
0x13b: {  	v18 =	vld.idx.msk [tilespmem:v27+s1+$0x0], $0xffff;
	v23 =	vor.u32 v35, v2;
	v4 =	vadd.f32 v13, v4;
	v13 =	vmul.f32 v20, v20  }
0x13c: {  	v60 =	vor.u32 v48, v2;
	v16 =	vld.idx.msk [tilespmem:v22+s16+$0x0], $0xffff;
	v27 =	vmul.f32 v20, v24;
	v24 =	vmul.f32 v24, v24  }
0x13d: {  	v30 =	vor.u32 v42, v2;
	v22 =	vld.idx.msk [tilespmem:v22+s1+$0x0], $0xffff;
	v1 =	vadd.f32 v13, v1;
	v13 =	vmul.f32 v21, v17  }
0x13e: {  	v29 =	vor.u32 v38, v2;
	v0 =	vadd.f32 v15, v0;
	v15 =	vld.idx.msk [tilespmem:v26+s16+$0x0], $0xffff;
	v6 =	vadd.f32 v24, v6  }
0x13f: {  	v20 =	vld.idx.msk [tilespmem:v26+s1+$0x0], $0xffff;
	v24 =	vor.u32 v37, v2;
	v9 =	vadd.f32 v13, v9;
	v13 =	vmul.f32 v25, v25  }
0x140: {  	v31 =	vor.u32 v44, v2;
	v17 =	vmul.f32 v17, v17;
	v26 =	vld.idx.msk [tilespmem:v23+s16+$0x0], $0xffff;
	v21 =	vmul.f32 v21, v21  }
0x141: {  	v7 =	vadd.f32 v27, v7;
	v23 =	vld.idx.msk [tilespmem:v23+s1+$0x0], $0xffff;
	v10 =	vadd.f32 v13, v10;
	v13 =	vmul.f32 v19, v19  }
0x142: {  	v27 =	vmul.f32 v19, v25;
	v8 =	vadd.f32 v17, v8;
	v17 =	vld.idx.msk [tilespmem:v28+s16+$0x0], $0xffff;
	v3 =	vadd.f32 v21, v3  }
0x143: {  	v21 =	vld.idx.msk [tilespmem:v28+s1+$0x0], $0xffff;
	v25 =	vor.u32 v39, v2;
	v5 =	vadd.f32 v13, v5;
	v13 =	vmul.f32 v22, v16  }
0x144: {  	v11 =	vadd.f32 v27, v11;
	v27 =	vld.idx.msk [tilespmem:v24+s16+$0x0], $0xffff;
	v19 =	vmul.f32 v18, v14;
	v14 =	vmul.f32 v14, v14  }
0x145: {  	v28 =	vor.u32 v40, v2;
	v24 =	vld.idx.msk [tilespmem:v24+s1+$0x0], $0xffff;
	v7 =	vadd.f32 v13, v7;
	v13 =	vmul.f32 v16, v16  }
0x146: {  	v18 =	vmul.f32 v18, v18;
	v12 =	vadd.f32 v19, v12;
	v19 =	vld.idx.msk [tilespmem:v29+s16+$0x0], $0xffff;
	v4 =	vadd.f32 v14, v4  }
0x147: {  	v14 =	vld.idx.msk [tilespmem:v29+s1+$0x0], $0xffff;
	v29 =	vmul.f32 v20, v15;
	v6 =	vadd.f32 v13, v6;
	v13 =	vmul.f32 v20, v20  }
0x148: {  	v0 =	vadd.f32 v18, v0;
	v15 =	vmul.f32 v15, v15;
	v16 =	vmul.f32 v22, v22;
	v22 =	vld.idx.msk [tilespmem:v25+s16+$0x0], $0xffff  }
0x149: {  	v25 =	vld.idx.msk [tilespmem:v25+s1+$0x0], $0xffff;
	v20 =	vor.u32 v43, v2;
	v3 =	vadd.f32 v13, v3;
	v13 =	vmul.f32 v23, v26  }
0x14a: {  	v9 =	vadd.f32 v29, v9;
	v8 =	vadd.f32 v15, v8;
	v15 =	vld.idx.msk [tilespmem:v28+s1+$0x0], $0xffff;
	v23 =	vmul.f32 v23, v23  }
0x14b: {  	v1 =	vadd.f32 v16, v1;
	v16 =	vld.idx.msk [tilespmem:v28+s16+$0x0], $0xffff;
	v11 =	vadd.f32 v13, v11;
	v13 =	vmul.f32 v17, v17  }
0x14c: {  	v29 =	vmul.f32 v21, v17;
	v26 =	vmul.f32 v26, v26;
	v17 =	vld.idx.msk [tilespmem:v30+s16+$0x0], $0xffff;
	v5 =	vadd.f32 v23, v5  }
0x14d: {  	v23 =	vld.idx.msk [tilespmem:v30+s1+$0x0], $0xffff;
	v4 =	vadd.f32 v13, v4;
	v13 =	vmul.f32 v21, v21;
	v21 =	vmul.f32 v24, v27  }
0x14e: {  	v18 =	vor.u32 v41, v2;
	v12 =	vadd.f32 v29, v12;
	v29 =	vld.idx.msk [tilespmem:v20+s16+$0x0], $0xffff;
	v24 =	vmul.f32 v24, v24  }
0x14f: {  	v10 =	vadd.f32 v26, v10;
	v27 =	vmul.f32 v27, v27;
	v7 =	vadd.f32 v21, v7;
	v21 =	vld.idx.msk [tilespmem:v31+s16+$0x0], $0xffff  }
0x150: {  	v1 =	vadd.f32 v24, v1;
	v24 =	vld.idx.msk [tilespmem:v31+s1+$0x0], $0xffff;
	v31 =	vmul.f32 v25, v22;
	v22 =	vmul.f32 v22, v22  }
0x151: {  	v20 =	vld.idx.msk [tilespmem:v20+s1+$0x0], $0xffff;
	v0 =	vadd.f32 v13, v0;
	v13 =	vmul.f32 v14, v19;
	v14 =	vmul.f32 v14, v14  }
0x152: {  	v22 =	vadd.f32 v22, v10;
	v10 =	vmul.f32 v15, v16;
	v15 =	vmul.f32 v15, v15  }
0x153: {  	v27 =	vadd.f32 v27, v6;
	v9 =	vadd.f32 v13, v9;
	v13 =	vmul.f32 v19, v19  }
0x154: {  	v14 =	vadd.f32 v14, v3;
	v0 =	vadd.f32 v15, v0;
	v15 =	vmul.f32 v23, v17  }
0x155: {  	v3 =	vmul.f32 v25, v25;
	v11 =	vadd.f32 v31, v11;
	v13 =	vadd.f32 v13, v8  }
0x156: {  	v61 =	vld.idx.msk [tilespmem:v49+s16+$0x0], $0xffff;
	v17 =	vmul.f32 v17, v17;
	v48 =	vadd.f32 v15, v9;
	v15 =	vmul.f32 v20, v29  }
0x157: {  	v28 =	vld.idx.msk [tilespmem:v18+s16+$0x0], $0xffff;
	v26 =	vor.u32 v45, v2;
	v31 =	vadd.f32 v3, v5;
	v44 =	vadd.f32 v10, v12  }
0x158: {  	v6 =	vld.idx.msk [tilespmem:v49+s1+$0x0], $0xffff;
	v49 =	vadd.f32 v17, v13;
	v17 =	vmul.f32 v24, v21;
	v3 =	vadd.f32 v15, v11  }
0x159: {  	v18 =	vld.idx.msk [tilespmem:v18+s1+$0x0], $0xffff  }
0x15a: {  	v30 =	vor.u32 v46, v2;
	[tilespmem:$0x1FA00] =	vst v3;
	v3 =	vadd.f32 v17, v44;
	_ =	sdelay $0x1  }
0x15b: {  	v10 =	vmul.f32 v28, v28;
	[tilespmem:$0x1FA70] =	vst v3;
	v3 =	vld [tilespmem:$0x1FBC0]  }
0x15c: {  	v19 =	vld.idx.msk [tilespmem:v26+s16+$0x0], $0xffff  }
0x15d: {  	v62 =	vmul.f32 v18, v28;
	v26 =	vld.idx.msk [tilespmem:v26+s1+$0x0], $0xffff;
	v27 =	vadd.f32 v10, v27  }
0x15e: {  	v25 =	vld.idx.msk [tilespmem:v30+s16+$0x0], $0xffff;
	v10 =	vmul.f32 v18, v18;
	v18 =	vmul.f32 v23, v23;
	v23 =	vor.u32 v52, v2  }
0x15f: {  	v30 =	vld.idx.msk [tilespmem:v30+s1+$0x0], $0xffff;
	v16 =	vmul.f32 v16, v16;
	v15 =	vmul.f32 v20, v20  }
0x160: {  	v20 =	vmul.f32 v21, v21;
	v21 =	vmul.f32 v24, v24;
	v24 =	vor.u32 v3, v2;
	v3 =	vld [tilespmem:$0x1FBD0]  }
0x161: {  	v63 =	vor.u32 v50, v2;
	v16 =	vadd.f32 v16, v4  }
0x162: {  	v28 =	vadd.f32 v62, v7;
	v50 =	vadd.f32 v18, v14;
	v14 =	vmul.f32 v29, v29  }
0x163: {  	v12 =	vor.u32 v51, v2;
	v52 =	vadd.f32 v20, v16;
	v20 =	vmul.f32 v26, v19;
	v13 =	vld.idx.msk [tilespmem:v23+s16+$0x0], $0xffff  }
0x164: {  	v18 =	vor.u32 v53, v2;
	v51 =	vadd.f32 v14, v22;
	v14 =	vld.idx.msk [tilespmem:v23+s1+$0x0], $0xffff;
	v23 =	vmul.f32 v26, v26  }
0x165: {  	v26 =	vmul.f32 v30, v25;
	v53 =	vor.u32 v3, v2;
	v3 =	vadd.f32 v20, v28;
	_ =	sdelay $0x1  }
0x166: {  	[tilespmem:$0x1FAC0] =	vst v3;
	v3 =	vadd.f32 v26, v48;
	_ =	sdelay $0x1  }
0x167: {  	[tilespmem:$0x1FAF0] =	vst v3;
	v3 =	vld [tilespmem:$0x1FBE0];
	_ =	sdelay $0x4  }
0x168: {  	v28 =	vor.u32 v3, v2;
	v3 =	vld [tilespmem:$0x1FBF0];
	_ =	sdelay $0x1  }
0x169: {  	v22 =	vmul.f32 v19, v19;
	_ =	sdelay $0x1  }
0x16a: {  	v29 =	vor.u32 v54, v2;
	v54 =	vadd.f32 v22, v27  }
0x16b: {  	v22 =	vmul.f32 v25, v25;
	v25 =	vmul.f32 v30, v30;
	v30 =	vor.u32 v3, v2;
	v3 =	vld [tilespmem:$0x1FC00];
	_ =	sdelay $0x1  }
0x16c: {  	v56 =	vld [tilespmem:$0x1FBA0]  }
0x16d: {  	v9 =	vld.idx.msk [tilespmem:v63+s16+$0x0], $0xffff  }
0x16e: {  	v1 =	vadd.f32 v10, v1;
	v10 =	vld.idx.msk [tilespmem:v63+s1+$0x0], $0xffff  }
0x16f: {  	v63 =	vor.u32 v3, v2;
	v3 =	vld [tilespmem:$0x1FC10];
	_ =	sdelay $0x2  }
0x170: {  	v45 =	vld.idx.msk [tilespmem:v60+s16+$0x0], $0xffff;
	v8 =	vor.u32 v56, v2  }
0x171: {  	v46 =	vld.idx.msk [tilespmem:v60+s1+$0x0], $0xffff  }
0x172: {  	v60 =	vadd.f32 v25, v50;
	v50 =	vor.u32 v3, v2;
	v3 =	vld [tilespmem:$0x1FC20];
	_ =	sdelay $0x2  }
0x173: {  	v47 =	vld.idx.msk [tilespmem:v8+s16+$0x0], $0xffff  }
0x174: {  	v8 =	vld.idx.msk [tilespmem:v8+s1+$0x0], $0xffff  }
0x175: {  	v36 =	vor.u32 v3, v2;
	v3 =	vld [tilespmem:$0x1FC30]  }
0x176: {  	v11 =	vld.idx.msk [tilespmem:v12+s16+$0x0], $0xffff  }
0x177: {  	v12 =	vld.idx.msk [tilespmem:v12+s1+$0x0], $0xffff  }
0x178: {  	v31 =	vadd.f32 v15, v31;
	v15 =	vld.idx.msk [tilespmem:v18+s16+$0x0], $0xffff  }
0x179: {  	v17 =	vld.idx.msk [tilespmem:v18+s1+$0x0], $0xffff  }
0x17a: {  	[tilespmem:$0x1F9E0] =	vst v61;
	v37 =	vor.u32 v3, v2;
	v3 =	vld [tilespmem:$0x1FC40]  }
0x17b: {  	[tilespmem:$0x1FA20] =	vst v46;
	v27 =	vmul.f32 v6, v6;
	v16 =	vld.idx.msk [tilespmem:v29+s16+$0x0], $0xffff  }
0x17c: {  	v0 =	vadd.f32 v21, v0;
	v1 =	vadd.f32 v23, v1;
	v18 =	vld.idx.msk [tilespmem:v29+s1+$0x0], $0xffff;
	v29 =	vmul.f32 v45, v45  }
0x17d: {  	[tilespmem:$0x1F9F0] =	vst v6;
	v56 =	vadd.f32 v22, v49;
	v62 =	vadd.f32 v27, v31;
	v5 =	vld.idx.msk [tilespmem:v24+s16+$0x0], $0xffff  }
0x17e: {  	v31 =	vmul.f32 v8, v8;
	v49 =	vmul.f32 v10, v10;
	v35 =	vadd.f32 v29, v52;
	v4 =	vld.idx.msk [tilespmem:v24+s1+$0x0], $0xffff  }
0x17f: {  	[tilespmem:$0x1FA30] =	vst v47;
	v29 =	vmul.f32 v47, v47;
	v26 =	vmul.f32 v61, v61;
	v41 =	vor.u32 v3, v2;
	v3 =	vld [tilespmem:$0x1FC50]  }
0x180: {  	v1 =	vadd.f32 v31, v1;
	v31 =	vmul.f32 v11, v11;
	v52 =	vmul.f32 v13, v13;
	v6 =	vld.idx.msk [tilespmem:v53+s16+$0x0], $0xffff  }
0x181: {  	v48 =	vmul.f32 v9, v9;
	v34 =	vadd.f32 v26, v51;
	v51 =	vmul.f32 v12, v12;
	v22 =	vld.idx.msk [tilespmem:v28+s1+$0x0], $0xffff  }
0x182: {  	v40 =	vadd.f32 v49, v60;
	v47 =	vadd.f32 v52, v35;
	v61 =	vmul.f32 v46, v46;
	v21 =	vld.idx.msk [tilespmem:v53+s1+$0x0], $0xffff  }
0x183: {  	v42 =	vadd.f32 v48, v56;
	[tilespmem:$0x1FB20] =	vst v5;
	v46 =	vadd.f32 v51, v62;
	v62 =	vmul.f32 v5, v5;
	v5 =	vld [tilespmem:$0x1FFC0]  }
0x184: {  	v56 =	vmul.f32 v17, v17;
	v43 =	vadd.f32 v31, v34;
	v49 =	vor.u32 v3, v2;
	v3 =	vld [tilespmem:$0x1FFB0]  }
0x185: {  	v60 =	vmul.f32 v16, v16;
	v0 =	vadd.f32 v61, v0;
	v53 =	vmul.f32 v14, v14;
	v7 =	vld.idx.msk [tilespmem:v28+s16+$0x0], $0xffff  }
0x186: {  	v1 =	vadd.f32 v56, v1;
	v52 =	vadd.f32 v62, v43;
	v62 =	vmul.f32 v22, v22;
	v31 =	vld.idx.msk [tilespmem:v63+s16+$0x0], $0xffff  }
0x187: {  	v51 =	vadd.f32 v60, v42;
	v0 =	vadd.f32 v53, v0;
	v48 =	vmul.f32 v21, v21;
	v32 =	vld.idx.msk [tilespmem:v63+s1+$0x0], $0xffff  }
0x188: {  	[tilespmem:$0x1FB30] =	vst v4;
	v60 =	vsel vm0, v59, v5;
	v63 =	vmul.f32 v4, v4;
	v4 =	vadd.f32 v62, v1;
	v1 =	vld [tilespmem:$0x1FE70]  }
0x189: {  	v23 =	vcombine.low v3, v60;
	v3 =	vadd.f32 v48, v0;
	v0 =	vld [tilespmem:$0x1FE60];
	_ =	sdelay $0x2  }
0x18a: {  	v61 =	vmul.f32 v18, v18;
	_ =	sdelay $0x1  }
0x18b: {  	v40 =	vadd.f32 v61, v40;
	[tilespmem:$0x1FB50] =	vst v7;
	v61 =	vmul.f32 v7, v7;
	v7 =	vsel vm0, v1, v0;
	v0 =	vld [tilespmem:$0x1FF30]  }
0x18c: {  	v38 =	vadd.f32 v29, v54;
	v54 =	vmul.f32 v15, v15;
	_ =	sdelay $0x1  }
0x18d: {  	v38 =	vadd.f32 v54, v38;
	_ =	sdelay $0x1  }
0x18e: {  	v48 =	vadd.f32 v61, v38;
	v61 =	vor.u32 v0, v2;
	v0 =	vld [tilespmem:$0x1FF40];
	_ =	sdelay $0x3  }
0x18f: {  	v1 =	vld [tilespmem:$0x1FEA0]  }
0x190: {  	v24 =	vcombine.low v7, v0;
	v0 =	vld [tilespmem:$0x1FE90];
	_ =	sdelay $0x3  }
0x191: {  	v29 =	vld.idx.msk [tilespmem:v30+s16+$0x0], $0xffff  }
0x192: {  	v7 =	vsel vm0, v1, v0;
	v0 =	vld [tilespmem:$0x1FF50]  }
0x193: {  	v30 =	vld.idx.msk [tilespmem:v30+s1+$0x0], $0xffff  }
0x194: {  	v33 =	vld.idx.msk [tilespmem:v50+s16+$0x0], $0xffff  }
0x195: {  	v34 =	vld.idx.msk [tilespmem:v50+s1+$0x0], $0xffff  }
0x196: {  	v35 =	vld.idx.msk [tilespmem:v36+s16+$0x0], $0xffff  }
0x197: {  	[tilespmem:$0x1FA10] =	vst v45;
	v25 =	vcombine.low v7, v0;
	v0 =	vld [tilespmem:$0x1FFD0]  }
0x198: {  	[tilespmem:$0x1FB40] =	vst v6;
	v56 =	vmul.f32 v6, v6;
	v39 =	vld.idx.msk [tilespmem:v37+s16+$0x0], $0xffff  }
0x199: {  	v46 =	vadd.f32 v63, v46;
	v63 =	vmul.f32 v29, v29;
	v6 =	vmul.f32 v32, v32;
	v45 =	vld.idx.msk [tilespmem:v49+s16+$0x0], $0xffff  }
0x19a: {  	v50 =	vld.idx.msk [tilespmem:v49+s1+$0x0], $0xffff  }
0x19b: {  	v49 =	vadd.f32 v63, v51;
	v51 =	vadd.f32 v6, v46;
	v6 =	vsel vm0, v5, v58;
	v1 =	vld [tilespmem:$0x1FF00]  }
0x19c: {  	v26 =	vcombine.low v6, v0;
	v0 =	vld [tilespmem:$0x1FEF0]  }
0x19d: {  	v42 =	vld.idx.msk [tilespmem:v37+s1+$0x0], $0xffff;
	v37 =	vor.u32 v55, v2  }
0x19e: {  	v43 =	vld.idx.msk [tilespmem:v41+s16+$0x0], $0xffff  }
0x19f: {  	v44 =	vld.idx.msk [tilespmem:v41+s1+$0x0], $0xffff;
	v41 =	vor.u32 v57, v2  }
0x1a0: {  	v36 =	vld.idx.msk [tilespmem:v36+s1+$0x0], $0xffff  }
0x1a1: {  	v38 =	vor.u32 v23, v2;
	v0 =	vsel vm0, v0, v1;
	v1 =	vld [tilespmem:$0x1FFE0]  }
0x1a2: {  	v53 =	vld.idx.msk [tilespmem:v37+s16+$0x0], $0xffff  }
0x1a3: {  	v47 =	vadd.f32 v56, v47;
	v56 =	vmul.f32 v30, v30;
	v54 =	vld.idx.msk [tilespmem:v37+s1+$0x0], $0xffff;
	v63 =	vor.u32 v25, v2  }
0x1a4: {  	v55 =	vld.idx.msk [tilespmem:v41+s16+$0x0], $0xffff  }
0x1a5: {  	v62 =	vadd.f32 v56, v40;
	v56 =	vld.idx.msk [tilespmem:v41+s1+$0x0], $0xffff;
	v7 =	vmul.f32 v33, v33  }
0x1a6: {  	v57 =	vld.idx.msk [tilespmem:v38+s16+$0x0], $0xffff;
	v27 =	vcombine.low v0, v1;
	v0 =	vor.u32 v26, v2  }
0x1a7: {  	v58 =	vld.idx.msk [tilespmem:v38+s1+$0x0], $0xffff;
	v40 =	vadd.f32 v7, v47;
	v47 =	vmul.f32 v39, v39;
	v6 =	vmul.f32 v35, v35  }
0x1a8: {  	v46 =	vld.idx.msk [tilespmem:v63+s16+$0x0], $0xffff  }
0x1a9: {  	v49 =	vadd.f32 v47, v49;
	v59 =	vadd.f32 v6, v48;
	v48 =	vmul.f32 v42, v42;
	v47 =	vld.idx.msk [tilespmem:v63+s1+$0x0], $0xffff  }
0x1aa: {  	v63 =	vld [tilespmem:$0x1FF60]  }
0x1ab: {  	v6 =	vadd.f32 v48, v62;
	v48 =	vld.idx.msk [tilespmem:v0+s16+$0x0], $0xffff  }
0x1ac: {  	v37 =	vmul.f32 v31, v31;
	v19 =	vld.idx.msk [tilespmem:v0+s1+$0x0], $0xffff  }
0x1ad: {  	v5 =	vmul.f32 v34, v34;
	v7 =	vmul.f32 v36, v36;
	v0 =	vld [tilespmem:$0x1FFF0]  }
0x1ae: {  	v52 =	vadd.f32 v37, v52;
	v37 =	vld.idx.msk [tilespmem:v61+s16+$0x0], $0xffff  }
0x1af: {  	v38 =	vld.idx.msk [tilespmem:v61+s1+$0x0], $0xffff;
	v61 =	vadd.f32 v5, v3;
	v5 =	vadd.f32 v7, v4;
	v4 =	vmul.f32 v44, v44  }
0x1b0: {  	v3 =	vmul.f32 v43, v43;
	v41 =	vor.u32 v24, v2  }
0x1b1: {  	[tilespmem:$0x1FA50] =	vst v9;
	v9 =	vadd.f32 v4, v51;
	v4 =	vmul.f32 v54, v54;
	v62 =	vor.u32 v63, v2  }
0x1b2: {  	v63 =	vadd.f32 v3, v52;
	v3 =	vld [tilespmem:$0x1FF70];
	v28 =	vcombine.low v60, v0;
	v0 =	vmul.f32 v50, v50  }
0x1b3: {  	[tilespmem:$0x1FA40] =	vst v8;
	v7 =	vmul.f32 v45, v45;
	v8 =	vadd.f32 v4, v5  }
0x1b4: {  	v4 =	vmul.f32 v56, v56;
	v61 =	vadd.f32 v0, v61;
	v0 =	vmul.f32 v55, v55  }
0x1b5: {  	v40 =	vadd.f32 v7, v40  }
0x1b6: {  	v7 =	vadd.f32 v4, v6;
	v4 =	vld [tilespmem:$0x1FF80];
	v49 =	vadd.f32 v0, v49;
	v0 =	vmul.f32 v57, v57  }
0x1b7: {  	v20 =	vld.idx.msk [tilespmem:v41+s16+$0x0], $0xffff;
	v1 =	vor.u32 v27, v2;
	v60 =	vor.u32 v3, v2;
	v3 =	vmul.f32 v53, v53  }
0x1b8: {  	v41 =	vld.idx.msk [tilespmem:v41+s1+$0x0], $0xffff;
	v6 =	vmul.f32 v58, v58;
	v63 =	vadd.f32 v0, v63;
	v0 =	vmul.f32 v38, v38  }
0x1b9: {  	v59 =	vadd.f32 v3, v59;
	v3 =	vld [tilespmem:$0x1FBB0]  }
0x1ba: {  	v6 =	vadd.f32 v6, v9;
	v9 =	vadd.f32 v0, v61;
	v0 =	vld [tilespmem:$0x1FF90]  }
0x1bb: {  	[tilespmem:$0x1FB10] =	vst v18;
	v4 =	vor.u32 v4, v2;
	v18 =	vld.idx.msk [tilespmem:v62+s16+$0x0], $0xffff  }
0x1bc: {  	v51 =	vld.idx.msk [tilespmem:v1+s16+$0x0], $0xffff  }
0x1bd: {  	v5 =	vmul.f32 v37, v37;
	v52 =	vld.idx.msk [tilespmem:v1+s1+$0x0], $0xffff;
	v1 =	vor.u32 v28, v2  }
0x1be: {  	[tilespmem:$0x1FA60] =	vst v10;
	v62 =	vld.idx.msk [tilespmem:v62+s1+$0x0], $0xffff  }
0x1bf: {  	[tilespmem:$0x1FA90] =	vst v12;
	v10 =	vadd.f32 v5, v40;
	v3 =	vor.u32 v3, v2;
	v5 =	vor.u32 v0, v2;
	v0 =	vld [tilespmem:$0x1FFA0]  }
0x1c0: {  	[tilespmem:$0x1FAA0] =	vst v13;
	v12 =	vld.idx.msk [tilespmem:v4+s1+$0x0], $0xffff  }
0x1c1: {  	[tilespmem:$0x1FAE0] =	vst v17;
	v17 =	vld.idx.msk [tilespmem:v60+s16+$0x0], $0xffff  }
0x1c2: {  	[tilespmem:$0x1FB00] =	vst v16;
	v16 =	vld.idx.msk [tilespmem:v1+s16+$0x0], $0xffff  }
0x1c3: {  	[tilespmem:$0x1FAD0] =	vst v15;
	v15 =	vld.idx.msk [tilespmem:v1+s1+$0x0], $0xffff;
	v1 =	vmul.f32 v47, v47  }
0x1c4: {  	[tilespmem:$0x1FAB0] =	vst v14;
	v61 =	vmul.f32 v41, v41;
	v14 =	vld.idx.msk [tilespmem:v3+s16+$0x0], $0xffff;
	v2 =	vor.u32 v0, v2  }
0x1c5: {  	v40 =	vmul.f32 v20, v20;
	v13 =	vld.idx.msk [tilespmem:v3+s1+$0x0], $0xffff;
	v3 =	vadd.f32 v1, v7;
	v7 =	vmul.f32 v19, v19  }
0x1c6: {  	[tilespmem:$0x1FA80] =	vst v11;
	v60 =	vld.idx.msk [tilespmem:v60+s1+$0x0], $0xffff;
	v8 =	vadd.f32 v61, v8;
	v61 =	vmul.f32 v48, v48  }
0x1c7: {  	v40 =	vadd.f32 v40, v59;
	v6 =	vadd.f32 v7, v6;
	v7 =	vmul.f32 v18, v18;
	v11 =	vld.idx.msk [tilespmem:v5+s16+$0x0], $0xffff  }
0x1c8: {  	v59 =	vmul.f32 v46, v46;
	v61 =	vadd.f32 v61, v63;
	v5 =	vld.idx.msk [tilespmem:v5+s1+$0x0], $0xffff  }
0x1c9: {  	v63 =	vmul.f32 v51, v51;
	v7 =	vadd.f32 v7, v40;
	v0 =	vmul.f32 v52, v52;
	v40 =	vld.idx.msk [tilespmem:v2+s16+$0x0], $0xffff  }
0x1ca: {  	v49 =	vadd.f32 v59, v49;
	v1 =	vmul.f32 v62, v62;
	v2 =	vld.idx.msk [tilespmem:v2+s1+$0x0], $0xffff  }
0x1cb: {  	v59 =	vld.idx.msk [tilespmem:v4+s16+$0x0], $0xffff;
	v10 =	vadd.f32 v63, v10;
	v4 =	vadd.f32 v0, v9;
	v0 =	vmul.f32 v13, v13  }
0x1cc: {  	v1 =	vadd.f32 v1, v8;
	v8 =	vmul.f32 v60, v60;
	v63 =	vmul.f32 v15, v15  }
0x1cd: {  	v0 =	vadd.f32 v0, v4;
	v4 =	vmul.f32 v12, v12  }
0x1ce: {  	v3 =	vadd.f32 v8, v3;
	v6 =	vadd.f32 v63, v6;
	v9 =	vmul.f32 v17, v17  }
0x1cf: {  	v1 =	vadd.f32 v4, v1;
	v4 =	vmul.f32 v5, v5;
	v63 =	vmul.f32 v2, v2  }
0x1d0: {  	v9 =	vadd.f32 v9, v49;
	v49 =	vmul.f32 v16, v16  }
0x1d1: {  	v8 =	vmul.f32 v14, v14;
	v3 =	vadd.f32 v4, v3;
	v4 =	vadd.f32 v63, v6;
	v6 =	vld [tilespmem:$0x1F9E0]  }
0x1d2: {  	v49 =	vadd.f32 v49, v61;
	v61 =	vmul.f32 v59, v59;
	v63 =	vld [tilespmem:$0x1F9F0]  }
0x1d3: {  	v8 =	vadd.f32 v8, v10  }
0x1d4: {  	v10 =	vmul.f32 v11, v11;
	v7 =	vadd.f32 v61, v7;
	v61 =	vmul.f32 v40, v40;
	_ =	sdelay $0x1  }
0x1d5: {  	v9 =	vadd.f32 v10, v9;
	v10 =	vadd.f32 v61, v49;
	v49 =	vld [tilespmem:$0x1FA20]  }
0x1d6: {  	v6 =	vmul.f32 v63, v6;
	v63 =	vld [tilespmem:$0x1FA10];
	_ =	sdelay $0x2  }
0x1d7: {  	v0 =	vadd.f32 v1, v0;
	v1 =	vadd.f32 v4, v3;
	v3 =	vld [tilespmem:$0x1FA00]  }
0x1d8: {  	v7 =	vadd.f32 v7, v8;
	v8 =	vadd.f32 v10, v9;
	v9 =	vld [tilespmem:$0x1FA40]  }
0x1d9: {  	v4 =	vmul.f32 v49, v63;
	v63 =	vld [tilespmem:$0x1FA30]  }
0x1da: {  	v10 =	vld [tilespmem:$0x1FA60]  }
0x1db: {  	v0 =	vadd.f32 v1, v0;
	v1 =	vld [tilespmem:$0x1FA70]  }
0x1dc: {  	v7 =	vadd.f32 v8, v7;
	v8 =	vld [tilespmem:$0x1FA90]  }
0x1dd: {  	v49 =	vld [tilespmem:$0x1FA80]  }
0x1de: {  	v3 =	vadd.f32 v6, v3;
	v6 =	vmul.f32 v9, v63;
	v9 =	vld [tilespmem:$0x1FA50];
	_ =	sdelay $0x3  }
0x1df: {  	v1 =	vadd.f32 v4, v1;
	v4 =	vmul.f32 v8, v49;
	v8 =	vld [tilespmem:$0x1FAA0]  }
0x1e0: {  	v9 =	vmul.f32 v10, v9;
	v10 =	vld [tilespmem:$0x1FAB0];
	_ =	sdelay $0x4  }
0x1e1: {  	v8 =	vmul.f32 v10, v8;
	v10 =	vld [tilespmem:$0x1FAC0];
	_ =	sdelay $0x3  }
0x1e2: {  	v63 =	vld [tilespmem:$0x1FAE0]  }
0x1e3: {  	v6 =	vadd.f32 v6, v10;
	v10 =	vld [tilespmem:$0x1FAD0];
	_ =	sdelay $0x3  }
0x1e4: {  	v49 =	vld [tilespmem:$0x1FB00]  }
0x1e5: {  	v10 =	vmul.f32 v63, v10;
	v63 =	vld [tilespmem:$0x1FAF0]  }
0x1e6: {  	v1 =	vadd.f32 v8, v1;
	v8 =	vld [tilespmem:$0x1FB10];
	_ =	sdelay $0x2  }
0x1e7: {  	v3 =	vadd.f32 v4, v3;
	v4 =	vadd.f32 v10, v6;
	v10 =	vld [tilespmem:$0x1FB20]  }
0x1e8: {  	v0 =	vmul.f32 v0, v7;
	v7 =	vadd.f32 v9, v63;
	v63 =	vld [tilespmem:$0x1FB30]  }
0x1e9: {  	v19 =	vmul.f32 v19, v48;
	v48 =	vld [tilespmem:$0x1FE30];
	v6 =	vmul.f32 v8, v49  }
0x1ea: {  	v13 =	vmul.f32 v13, v14;
	v14 =	vld [tilespmem:$0x1FC80]  }
0x1eb: {  	v6 =	vadd.f32 v6, v7;
	v7 =	vld [tilespmem:$0x1FB50]  }
0x1ec: {  	v2 =	vmul.f32 v2, v40;
	v40 =	vld [tilespmem:$0x1FDB0]  }
0x1ed: {  	v0 =	vmax.f32 v0, $1.000000000e-30;
	v10 =	vmul.f32 v63, v10;
	v63 =	vld [tilespmem:$0x1FB40]  }
0x1ee: {  	v61 =	vld [tilespmem:$0x1FF30];
	v8 =	vshra.s32 v0, $0x1  }
0x1ef: {  	v49 =	vld [tilespmem:$0x1FCE0];
	v8 =	vsub.s32 $0x5F3759DF, v8;
	v9 =	vmul.f32 $5.000000000e-01, v0  }
0x1f0: {  	v7 =	vmul.f32 v22, v7;
	v3 =	vadd.f32 v10, v3;
	v10 =	vmul.f32 v30, v29;
	v30 =	vld [tilespmem:$0x1FD10]  }
0x1f1: {  	v22 =	vmul.f32 v8, v9;
	v29 =	vld [tilespmem:$0x1FD00]  }
0x1f2: {  	v4 =	vadd.f32 v7, v4;
	v7 =	vmul.f32 v32, v31;
	v32 =	vld [tilespmem:$0x1FD30];
	v21 =	vmul.f32 v21, v63  }
0x1f3: {  	v31 =	vld [tilespmem:$0x1FD20];
	v6 =	vadd.f32 v10, v6  }
0x1f4: {  	v10 =	vmul.f32 v34, v33;
	v34 =	vld [tilespmem:$0x1FD50];
	v1 =	vadd.f32 v21, v1;
	v21 =	vmul.f32 v8, v22  }
0x1f5: {  	v33 =	vld [tilespmem:$0x1FD40]  }
0x1f6: {  	v63 =	vld [tilespmem:$0x1FCF0];
	v3 =	vadd.f32 v7, v3;
	v7 =	vmul.f32 v42, v39;
	v21 =	vsub.f32 $1.500000000e+00, v21  }
0x1f7: {  	v42 =	vld [tilespmem:$0x1FDD0];
	v22 =	vmul.f32 v36, v35;
	v1 =	vadd.f32 v10, v1;
	v10 =	vmul.f32 v44, v43  }
0x1f8: {  	v39 =	vld [tilespmem:$0x1FDA0];
	v6 =	vadd.f32 v7, v6;
	v7 =	vmul.f32 v50, v45;
	v8 =	vmul.f32 v8, v21  }
0x1f9: {  	v36 =	vld [tilespmem:$0x1FD70];
	v4 =	vadd.f32 v22, v4;
	v3 =	vadd.f32 v10, v3;
	v10 =	vmul.f32 v54, v53  }
0x1fa: {  	v35 =	vld [tilespmem:$0x1FD60];
	v21 =	vmul.f32 v56, v55;
	v1 =	vadd.f32 v7, v1;
	v22 =	vmul.f32 v8, v9  }
0x1fb: {  	v50 =	vld [tilespmem:$0x1FE40];
	v7 =	vmul.f32 v58, v57;
	v4 =	vadd.f32 v10, v4;
	v10 =	vmul.f32 v38, v37  }
0x1fc: {  	v45 =	vld [tilespmem:$0x1FE00];
	v56 =	vmul.f32 v41, v20;
	v6 =	vadd.f32 v21, v6;
	v20 =	vmul.f32 v22, v8  }
0x1fd: {  	v44 =	vld [tilespmem:$0x1FDF0];
	v3 =	vadd.f32 v7, v3;
	v1 =	vadd.f32 v10, v1;
	v10 =	vmul.f32 v47, v46  }
0x1fe: {  	v43 =	vld [tilespmem:$0x1FDE0];
	v4 =	vadd.f32 v56, v4;
	v56 =	vmul.f32 v52, v51;
	v20 =	vsub.f32 $1.500000000e+00, v20  }
0x1ff: {  	v54 =	vld [tilespmem:$0x1FEC0];
	v6 =	vadd.f32 v10, v6;
	v10 =	vmul.f32 v62, v18  }
0x200: {  	v53 =	vld [tilespmem:$0x1FEB0];
	v3 =	vadd.f32 v19, v3;
	v1 =	vadd.f32 v56, v1;
	v8 =	vmul.f32 v20, v8  }
0x201: {  	v55 =	vld [tilespmem:$0x1FED0];
	v56 =	vmul.f32 v60, v17;
	v4 =	vadd.f32 v10, v4;
	v10 =	vmul.f32 v15, v16  }
0x202: {  	v58 =	vld [tilespmem:$0x1FF10];
	v60 =	vmul.f32 v12, v59;
	v9 =	vmul.f32 v8, v9  }
0x203: {  	v5 =	vmul.f32 v5, v11;
	v57 =	vld [tilespmem:$0x1FEE0];
	v6 =	vadd.f32 v56, v6;
	v3 =	vadd.f32 v10, v3  }
0x204: {  	v41 =	vld [tilespmem:$0x1FDC0];
	v1 =	vadd.f32 v13, v1;
	v4 =	vadd.f32 v60, v4;
	v62 =	vmul.f32 v9, v8  }
0x205: {  	v38 =	vld [tilespmem:$0x1FD90];
	v5 =	vadd.f32 v5, v6;
	v2 =	vadd.f32 v2, v3  }
0x206: {  	v37 =	vld [tilespmem:$0x1FD80];
	v3 =	vsub.f32 $1.500000000e+00, v62  }
0x207: {  	v47 =	vld [tilespmem:$0x1FE20];
	v1 =	vadd.f32 v4, v1;
	v2 =	vadd.f32 v2, v5  }
0x208: {  	v46 =	vld [tilespmem:$0x1FE10];
	v3 =	vmul.f32 v3, v8  }
0x209: {  	vm1 =	vge.f32 v0, $1.000000050e-18;
	v52 =	vld [tilespmem:$0x1FE80];
	v1 =	vadd.f32 v2, v1  }
0x20a: {  	v51 =	vld [tilespmem:$0x1FE50];
	v0 =	vnsel vm1, $0x4E6E6B28, v3  }
0x20b: {  	v18 =	vld [tilespmem:$0x1FCC0];
	v0 =	vmul.f32 v0, v1  }
0x20c: {  	v1 =	vld [tilespmem:$0x1FB60]  }
0x20d: {  	v17 =	vld [tilespmem:$0x1FCB0];
	v0 =	vsub.f32 $1.000000000e+00, v0  }
0x20e: {  	v59 =	vld [tilespmem:$0x1FF20]  }
0x20f: {  	p0 =	sne.s32 s15, $0xF0;
	v12 =	vld [tilespmem:$0x1FC60];
	v0 =	vmul.f32 v0, v0  }
.Ltmp5:
0x210: {  	v20 =	vld [tilespmem:$0x1FCD0];
	(pc) =	sbr.rel @p0 .LBB2_10-.Ltmp5, $4  }
0x211: {  	v16 =	vld [tilespmem:$0x1FCA0];
	v1 =	vadd.f32 v0, v1  }
0x212: {  	v15 =	vld [tilespmem:$0x1FC90]  }
0x213: {  	v13 =	vld [tilespmem:$0x1FC70];
	[tilespmem:$0x1FB60] =	vst v1  }
0x214: {  	s15 =	sadd.s32 $0x10, s15;
	v11 =	vlaneseq.u32;
	v0 =	vld [tilespmem:$0x1FB60]  }
0x215: {  	s0 =	simm.s32 $0x1000  }
0x216: {  	s2 =	sadd.s32 $0x1000, s8;
	s0 =	sand.u32 $0x70, s0  }
0x217: {  	s2 =	sand.u32 $0xFFFFF80, s2;
	s0 =	sadd.s32 s3, s0  }
0x218: {  	s0 =	sadd.s32 s2, s0  }
0x219: {  	[tilespmem:s16], [sflag:$0x2] =	stream.linear.gather [hbm4b:s0+s1], $0x80, $0x38;
	[tilespmem:$0x18080] =	vst v63  }
0x21a: {  	s0 =	simm.s32 $0x1010  }
.LBB2_12:
0x21b: {  	p0 =	sne.s32 s0, $0x1FF0  }
.Ltmp6:
0x21c: {  	s2 =	sadd.s32 s0, s8;
	(pc) =	sbr.rel @p0 .LBB2_12-.Ltmp6, $4  }
0x21d: {  	s5 =	sand.u32 $0x70, s0;
	s0 =	sadd.s32 $0x10, s0  }
0x21e: {  	s2 =	sand.u32 $0xFFFFF80, s2;
	s5 =	sadd.s32 s3, s5  }
0x21f: {  	s15 =	simm.s32 $0x100;
	s16 =	sadd.s32 $0x80, s16;
	s2 =	sadd.s32 s2, s5  }
0x220: {  	[tilespmem:s16], [sflag:$0x2] =	stream.linear.gather [hbm4b:s2+s1], $0x80, $0x38;
	[tilespmem:$0x18080] =	vst v63  }
0x221: {  	_ =	swait.ge [sflag:s12], $0x80  }
0x222: {  	s0 =	simm.s32 $0xFF;
	[sflag:s12] =	ssyncset.done $0x0  }
.LBB2_14:
0x223: {  	p0 =	sne.s32 s0, $0x1;
	s0 =	sadd.s32 $0xFFFFFFFF, s0;
	[sflag:s12] =	ssyncadd.s32 $0xFFFFFF80  }
.Ltmp7:
0x224: {  	(pc) =	sbr.rel @p0 .LBB2_14-.Ltmp7, $3  }
0x225: {  	_ =	sdelay $0x1  }
0x226: {  	_ =	swait.ge [sflag:s12], $0x80  }
0x227: {  	[sflag:s12] =	ssyncset.done $0x0  }
0x228: {  	[tilespmem:$0x1F980] =	vst v23  }
0x229: {  	[tilespmem:$0x1F990] =	vst v24  }
0x22a: {  	[tilespmem:$0x1F9A0] =	vst v25  }
0x22b: {  	[tilespmem:$0x1F9B0] =	vst v26  }
0x22c: {  	[tilespmem:$0x1F9C0] =	vst v27  }
0x22d: {  	[sflag:s12] =	ssyncadd.s32 $0xFFFFFF80;
	s2 =	simm.s32 $0x10000;
	s5 =	simm.s32 $0x3;
	[tilespmem:$0x1F9D0] =	vst v28  }
.LBB2_16:
0x22e: {  	_ =	sdelay $0x3  }
0x22f: {  	[tilespmem:$0x1FB60] =	vst v0;
	v0 =	vmov s15  }
0x230: {  	v1 =	vor.u32 $0xFFFF8000, v12;
	v0 =	vshll.u32 v0, $0x7  }
0x231: {  	v3 =	vadd.s32 v1, v0  }
0x232: {  	v2 =	vor.u32 v12, v0;
	v1 =	vor.u32 v11, v3  }
0x233: {  	v0 =	vor.u32 v11, v2;
	v4 =	vor.u32 v13, v3  }
0x234: {  	v22 =	vld [tilespmem:$0x1FB70];
	v5 =	vor.u32 v13, v2;
	v6 =	vor.u32 v14, v3;
	v8 =	vor.u32 v15, v3  }
0x235: {  	v24 =	vld [tilespmem:$0x1FB70];
	v9 =	vor.u32 v16, v3;
	v10 =	vor.u32 v16, v2;
	v11 =	vor.u32 v15, v2  }
0x236: {  	v15 =	vor.u32 v18, v3;
	v16 =	vor.u32 v18, v2;
	v18 =	vor.u32 v20, v3;
	v20 =	vld [tilespmem:$0x1FCD0]  }
0x237: {  	v7 =	vor.u32 v14, v2;
	v1 =	vld.idx.msk [tilespmem:v1+s2+$0x0], $0xffff  }
0x238: {  	v0 =	vld.idx.msk [tilespmem:v0+s1+$0x0], $0xffff  }
0x239: {  	v4 =	vld.idx.msk [tilespmem:v4+s2+$0x0], $0xffff  }
0x23a: {  	v5 =	vld.idx.msk [tilespmem:v5+s1+$0x0], $0xffff  }
0x23b: {  	v6 =	vld.idx.msk [tilespmem:v6+s2+$0x0], $0xffff  }
0x23c: {  	v12 =	vor.u32 v17, v3;
	v7 =	vld.idx.msk [tilespmem:v7+s1+$0x0], $0xffff  }
0x23d: {  	v13 =	vor.u32 v17, v2;
	v8 =	vld.idx.msk [tilespmem:v8+s2+$0x0], $0xffff  }
0x23e: {  	v9 =	vld.idx.msk [tilespmem:v9+s2+$0x0], $0xffff  }
0x23f: {  	v10 =	vld.idx.msk [tilespmem:v10+s1+$0x0], $0xffff  }
0x240: {  	v11 =	vld.idx.msk [tilespmem:v11+s1+$0x0], $0xffff;
	v14 =	vmul.f32 v0, v1;
	v1 =	vmul.f32 v1, v1  }
0x241: {  	v12 =	vld.idx.msk [tilespmem:v12+s2+$0x0], $0xffff;
	v20 =	vor.u32 v20, v2;
	v0 =	vmul.f32 v0, v0;
	v17 =	vmul.f32 v5, v4  }
0x242: {  	v13 =	vld.idx.msk [tilespmem:v13+s1+$0x0], $0xffff;
	v4 =	vmul.f32 v4, v4;
	v5 =	vmul.f32 v5, v5  }
0x243: {  	v26 =	vld [tilespmem:$0x1FB80];
	v22 =	vor.u32 v22, v3;
	v19 =	vmul.f32 v7, v6;
	v6 =	vmul.f32 v6, v6  }
0x244: {  	v24 =	vor.u32 v24, v2;
	v15 =	vld.idx.msk [tilespmem:v15+s2+$0x0], $0xffff;
	v21 =	vmul.f32 v10, v9;
	v9 =	vmul.f32 v9, v9  }
0x245: {  	v58 =	vor.u32 v63, v2;
	v16 =	vld.idx.msk [tilespmem:v16+s1+$0x0], $0xffff;
	v7 =	vmul.f32 v7, v7;
	v23 =	vmul.f32 v11, v8  }
0x246: {  	v20 =	vld.idx.msk [tilespmem:v20+s1+$0x0], $0xffff;
	v14 =	vadd.f32 v21, v14;
	v1 =	vadd.f32 v9, v1;
	v9 =	vmul.f32 v10, v10  }
0x247: {  	v10 =	vld.idx.msk [tilespmem:v18+s2+$0x0], $0xffff;
	v18 =	vmul.f32 v13, v12;
	v12 =	vmul.f32 v12, v12;
	v21 =	vor.u32 v49, v3  }
0x248: {  	v59 =	vld [tilespmem:$0x1FB90];
	v0 =	vadd.f32 v9, v0;
	v9 =	vmul.f32 v13, v13;
	v13 =	vor.u32 v49, v2  }
0x249: {  	v8 =	vmul.f32 v8, v8;
	v17 =	vadd.f32 v18, v17;
	v4 =	vadd.f32 v12, v4;
	v12 =	vld.idx.msk [tilespmem:v22+s2+$0x0], $0xffff  }
0x24a: {  	v18 =	vld.idx.msk [tilespmem:v24+s1+$0x0], $0xffff;
	v22 =	vor.u32 v63, v3;
	v5 =	vadd.f32 v9, v5;
	v9 =	vmul.f32 v16, v15  }
0x24b: {  	v25 =	vor.u32 v26, v3;
	v15 =	vmul.f32 v15, v15;
	v16 =	vmul.f32 v16, v16  }
0x24c: {  	v11 =	vmul.f32 v11, v11;
	v21 =	vld.idx.msk [tilespmem:v21+s2+$0x0], $0xffff;
	v9 =	vadd.f32 v9, v19;
	v19 =	vmul.f32 v20, v10  }
0x24d: {  	v6 =	vadd.f32 v15, v6;
	v7 =	vadd.f32 v16, v7;
	v15 =	vor.u32 v26, v2;
	v13 =	vld.idx.msk [tilespmem:v13+s1+$0x0], $0xffff  }
0x24e: {  	v10 =	vmul.f32 v10, v10;
	v16 =	vadd.f32 v19, v23;
	v19 =	vmul.f32 v20, v20  }
0x24f: {  	v22 =	vld.idx.msk [tilespmem:v22+s2+$0x0], $0xffff;
	v20 =	vmul.f32 v18, v12;
	v12 =	vmul.f32 v12, v12;
	v23 =	vor.u32 v59, v3  }
0x250: {  	v8 =	vadd.f32 v10, v8;
	v10 =	vadd.f32 v19, v11;
	v11 =	vld.idx.msk [tilespmem:v58+s1+$0x0], $0xffff;
	v19 =	vor.u32 v59, v2  }
0x251: {  	v60 =	vor.u32 v29, v3;
	v1 =	vadd.f32 v12, v1;
	v12 =	vmul.f32 v18, v18;
	v18 =	vld.idx.msk [tilespmem:v25+s2+$0x0], $0xffff  }
0x252: {  	v14 =	vadd.f32 v20, v14;
	v15 =	vld.idx.msk [tilespmem:v15+s1+$0x0], $0xffff;
	v20 =	vmul.f32 v13, v21;
	v21 =	vmul.f32 v21, v21  }
0x253: {  	v0 =	vadd.f32 v12, v0;
	v12 =	vmul.f32 v13, v13;
	v13 =	vor.u32 v29, v2  }
0x254: {  	v17 =	vadd.f32 v20, v17;
	v4 =	vadd.f32 v21, v4;
	v20 =	vld.idx.msk [tilespmem:v23+s2+$0x0], $0xffff  }
0x255: {  	v5 =	vadd.f32 v12, v5;
	v21 =	vor.u32 v30, v3;
	v12 =	vmul.f32 v11, v22;
	v19 =	vld.idx.msk [tilespmem:v19+s1+$0x0], $0xffff  }
0x256: {  	v23 =	vor.u32 v30, v2;
	v22 =	vmul.f32 v22, v22;
	v11 =	vmul.f32 v11, v11  }
0x257: {  	v62 =	vor.u32 v31, v3;
	v24 =	vld.idx.msk [tilespmem:v60+s2+$0x0], $0xffff;
	v9 =	vadd.f32 v12, v9;
	v12 =	vmul.f32 v15, v18  }
0x258: {  	v6 =	vadd.f32 v22, v6;
	v7 =	vadd.f32 v11, v7;
	v11 =	vld.idx.msk [tilespmem:v13+s1+$0x0], $0xffff;
	v15 =	vmul.f32 v15, v15  }
0x259: {  	v13 =	vor.u32 v31, v2;
	v12 =	vadd.f32 v12, v16;
	v16 =	vmul.f32 v18, v18  }
0x25a: {  	v22 =	vor.u32 v32, v3;
	v21 =	vld.idx.msk [tilespmem:v21+s2+$0x0], $0xffff;
	v10 =	vadd.f32 v15, v10;
	v18 =	vmul.f32 v19, v20  }
0x25b: {  	v15 =	vld.idx.msk [tilespmem:v23+s1+$0x0], $0xffff;
	v20 =	vmul.f32 v20, v20;
	v8 =	vadd.f32 v16, v8;
	v16 =	vor.u32 v32, v2  }
0x25c: {  	v23 =	vor.u32 v33, v3;
	v19 =	vmul.f32 v19, v19  }
0x25d: {  	v14 =	vadd.f32 v18, v14;
	v1 =	vadd.f32 v20, v1;
	v18 =	vld.idx.msk [tilespmem:v62+s2+$0x0], $0xffff;
	v20 =	vmul.f32 v11, v24  }
0x25e: {  	v63 =	vor.u32 v33, v2;
	v13 =	vld.idx.msk [tilespmem:v13+s1+$0x0], $0xffff;
	v11 =	vmul.f32 v11, v11  }
0x25f: {  	v24 =	vmul.f32 v24, v24;
	v0 =	vadd.f32 v19, v0;
	v19 =	vld.idx.msk [tilespmem:v22+s2+$0x0], $0xffff;
	v17 =	vadd.f32 v20, v17  }
0x260: {  	v5 =	vadd.f32 v11, v5;
	v20 =	vmul.f32 v15, v21;
	v11 =	vld.idx.msk [tilespmem:v16+s1+$0x0], $0xffff;
	v16 =	vor.u32 v34, v3  }
0x261: {  	v22 =	vor.u32 v34, v2;
	v21 =	vmul.f32 v21, v21;
	v15 =	vmul.f32 v15, v15  }
0x262: {  	v33 =	vor.u32 v35, v3;
	v4 =	vadd.f32 v24, v4;
	v23 =	vld.idx.msk [tilespmem:v23+s2+$0x0], $0xffff;
	v9 =	vadd.f32 v20, v9  }
0x263: {  	v6 =	vadd.f32 v21, v6;
	v20 =	vld.idx.msk [tilespmem:v63+s1+$0x0], $0xffff;
	v21 =	vor.u32 v35, v2;
	v7 =	vadd.f32 v15, v7  }
0x264: {  	v34 =	vor.u32 v36, v3;
	v32 =	vmul.f32 v13, v18;
	v15 =	vmul.f32 v18, v18  }
0x265: {  	v35 =	vor.u32 v38, v3;
	v13 =	vmul.f32 v13, v13;
	v18 =	vmul.f32 v11, v19;
	v16 =	vld.idx.msk [tilespmem:v16+s2+$0x0], $0xffff  }
0x266: {  	v8 =	vadd.f32 v15, v8;
	v15 =	vmul.f32 v19, v19;
	v19 =	vld.idx.msk [tilespmem:v22+s1+$0x0], $0xffff;
	v22 =	vor.u32 v36, v2  }
0x267: {  	v10 =	vadd.f32 v13, v10;
	v11 =	vmul.f32 v11, v11;
	v13 =	vadd.f32 v18, v14;
	v14 =	vld.idx.msk [tilespmem:v33+s2+$0x0], $0xffff  }
0x268: {  	v1 =	vadd.f32 v15, v1;
	v15 =	vmul.f32 v20, v23;
	v18 =	vld.idx.msk [tilespmem:v21+s1+$0x0], $0xffff;
	v21 =	vor.u32 v37, v3  }
0x269: {  	v0 =	vadd.f32 v11, v0;
	v11 =	vmul.f32 v23, v23;
	v23 =	vor.u32 v37, v2  }
0x26a: {  	v36 =	vor.u32 v38, v2;
	v15 =	vadd.f32 v15, v17;
	v17 =	vmul.f32 v20, v20;
	v20 =	vld.idx.msk [tilespmem:v34+s2+$0x0], $0xffff  }
0x26b: {  	v12 =	vadd.f32 v32, v12;
	v4 =	vadd.f32 v11, v4;
	v11 =	vmul.f32 v19, v16;
	v22 =	vld.idx.msk [tilespmem:v22+s1+$0x0], $0xffff  }
0x26c: {  	v5 =	vadd.f32 v17, v5;
	v16 =	vmul.f32 v16, v16;
	v17 =	vmul.f32 v19, v19  }
0x26d: {  	v9 =	vadd.f32 v11, v9;
	v11 =	vmul.f32 v18, v14;
	v19 =	vld.idx.msk [tilespmem:v21+s2+$0x0], $0xffff;
	v21 =	vor.u32 v39, v3  }
0x26e: {  	v6 =	vadd.f32 v16, v6;
	v7 =	vadd.f32 v17, v7;
	v16 =	vld.idx.msk [tilespmem:v23+s1+$0x0], $0xffff;
	v17 =	vor.u32 v39, v2  }
0x26f: {  	v37 =	vld.idx.msk [tilespmem:v36+s1+$0x0], $0xffff;
	v11 =	vadd.f32 v11, v12;
	v12 =	vmul.f32 v14, v14;
	v14 =	vmul.f32 v18, v18  }
0x270: {  	v38 =	vor.u32 v40, v3;
	v18 =	vld.idx.msk [tilespmem:v35+s2+$0x0], $0xffff;
	v23 =	vmul.f32 v22, v20;
	v20 =	vmul.f32 v20, v20  }
0x271: {  	v8 =	vadd.f32 v12, v8;
	v10 =	vadd.f32 v14, v10;
	v12 =	vor.u32 v40, v2  }
0x272: {  	v14 =	vmul.f32 v22, v22;
	v22 =	vor.u32 v41, v3;
	v1 =	vadd.f32 v20, v1;
	v20 =	vld.idx.msk [tilespmem:v21+s2+$0x0], $0xffff  }
0x273: {  	v13 =	vadd.f32 v23, v13;
	v21 =	vmul.f32 v16, v19;
	v19 =	vmul.f32 v19, v19;
	v17 =	vld.idx.msk [tilespmem:v17+s1+$0x0], $0xffff  }
0x274: {  	v0 =	vadd.f32 v14, v0;
	v14 =	vmul.f32 v16, v16;
	v16 =	vor.u32 v41, v2  }
0x275: {  	v15 =	vadd.f32 v21, v15;
	v4 =	vadd.f32 v19, v4;
	v19 =	vmul.f32 v37, v18;
	v21 =	vld.idx.msk [tilespmem:v38+s2+$0x0], $0xffff  }
0x276: {  	v5 =	vadd.f32 v14, v5;
	v14 =	vmul.f32 v18, v18;
	v18 =	vor.u32 v42, v3;
	v12 =	vld.idx.msk [tilespmem:v12+s1+$0x0], $0xffff  }
0x277: {  	v23 =	vor.u32 v42, v2;
	v9 =	vadd.f32 v19, v9;
	v19 =	vmul.f32 v37, v37  }
0x278: {  	v58 =	vld [tilespmem:$0x1FBA0];
	v39 =	vor.u32 v43, v3;
	v6 =	vadd.f32 v14, v6;
	v14 =	vmul.f32 v17, v20  }
0x279: {  	v22 =	vld.idx.msk [tilespmem:v22+s2+$0x0], $0xffff;
	v7 =	vadd.f32 v19, v7;
	v19 =	vmul.f32 v20, v20;
	v20 =	vor.u32 v43, v2  }
0x27a: {  	v16 =	vld.idx.msk [tilespmem:v16+s1+$0x0], $0xffff;
	v43 =	vor.u32 v47, v3;
	v11 =	vadd.f32 v14, v11;
	v14 =	vmul.f32 v17, v17  }
0x27b: {  	v17 =	vor.u32 v44, v3;
	v19 =	vadd.f32 v19, v8;
	v18 =	vld.idx.msk [tilespmem:v18+s2+$0x0], $0xffff;
	v8 =	vmul.f32 v12, v21  }
0x27c: {  	v40 =	vor.u32 v44, v2;
	v10 =	vadd.f32 v14, v10;
	v14 =	vmul.f32 v21, v21;
	v21 =	vld.idx.msk [tilespmem:v23+s1+$0x0], $0xffff  }
0x27d: {  	v29 =	vor.u32 v58, v3;
	v13 =	vadd.f32 v8, v13;
	v8 =	vmul.f32 v12, v12;
	v12 =	vld.idx.msk [tilespmem:v39+s2+$0x0], $0xffff  }
0x27e: {  	v23 =	vor.u32 v45, v3;
	v20 =	vld.idx.msk [tilespmem:v20+s1+$0x0], $0xffff  }
0x27f: {  	v41 =	vor.u32 v45, v2;
	v1 =	vadd.f32 v14, v1;
	v14 =	vmul.f32 v16, v22;
	v60 =	vld.idx.msk [tilespmem:v43+s2+$0x0], $0xffff  }
0x280: {  	v42 =	vor.u32 v46, v3;
	v17 =	vld.idx.msk [tilespmem:v17+s2+$0x0], $0xffff  }
0x281: {  	v14 =	vadd.f32 v14, v15;
	v15 =	vmul.f32 v16, v16;
	v16 =	vld.idx.msk [tilespmem:v40+s1+$0x0], $0xffff  }
0x282: {  	v0 =	vadd.f32 v8, v0;
	v8 =	vmul.f32 v22, v22;
	v22 =	vor.u32 v46, v2;
	v40 =	vld.idx.msk [tilespmem:v29+s2+$0x0], $0xffff  }
0x283: {  	v45 =	vmul.f32 v18, v18;
	v44 =	vmul.f32 v21, v18;
	v23 =	vld.idx.msk [tilespmem:v23+s2+$0x0], $0xffff;
	v18 =	vor.u32 v48, v3  }
0x284: {  	v27 =	vadd.f32 v8, v4;
	v8 =	vor.u32 v47, v2;
	v28 =	vadd.f32 v15, v5;
	v15 =	vld.idx.msk [tilespmem:v41+s1+$0x0], $0xffff  }
0x285: {  	v47 =	vmul.f32 v21, v21;
	v21 =	vld.idx.msk [tilespmem:v42+s2+$0x0], $0xffff;
	v46 =	vadd.f32 v44, v9;
	v9 =	vor.u32 v48, v2  }
0x286: {  	v41 =	vld [tilespmem:$0x1FBC0];
	v56 =	vmul.f32 v20, v12;
	v59 =	vmul.f32 v12, v12;
	v12 =	vor.u32 v58, v2  }
0x287: {  	v44 =	vor.u32 v53, v3;
	v22 =	vld.idx.msk [tilespmem:v22+s1+$0x0], $0xffff  }
0x288: {  	v62 =	vadd.f32 v56, v11;
	v11 =	vmul.f32 v20, v20;
	v20 =	vor.u32 v50, v3;
	v38 =	vld.idx.msk [tilespmem:v18+s2+$0x0], $0xffff  }
0x289: {  	v36 =	vadd.f32 v59, v19;
	v18 =	vor.u32 v50, v2;
	v63 =	vld.idx.msk [tilespmem:v8+s1+$0x0], $0xffff  }
0x28a: {  	v19 =	vor.u32 v52, v3;
	v31 =	vadd.f32 v11, v10;
	v11 =	vmul.f32 v17, v17;
	v8 =	vld.idx.msk [tilespmem:v9+s1+$0x0], $0xffff  }
0x28b: {  	v49 =	vadd.f32 v45, v6;
	v37 =	vmul.f32 v16, v17;
	v9 =	vld.idx.msk [tilespmem:v12+s1+$0x0], $0xffff  }
0x28c: {  	v17 =	vor.u32 v51, v3;
	v6 =	vld.idx.msk [tilespmem:v44+s2+$0x0], $0xffff;
	v1 =	vadd.f32 v11, v1;
	v11 =	vmul.f32 v15, v23  }
0x28d: {  	v39 =	vadd.f32 v37, v13;
	v13 =	vmul.f32 v16, v16;
	v16 =	vor.u32 v51, v2;
	v10 =	vld.idx.msk [tilespmem:v20+s2+$0x0], $0xffff  }
0x28e: {  	v42 =	vor.u32 v41, v3;
	v23 =	vmul.f32 v23, v23;
	v43 =	vadd.f32 v11, v14;
	v11 =	vld.idx.msk [tilespmem:v18+s1+$0x0], $0xffff  }
0x28f: {  	v14 =	vld.idx.msk [tilespmem:v19+s2+$0x0], $0xffff  }
0x290: {  	v44 =	vor.u32 v41, v2;
	v27 =	vadd.f32 v23, v27;
	v23 =	vor.u32 v53, v2;
	v53 =	vld [tilespmem:$0x1FBE0]  }
0x291: {  	v29 =	vmul.f32 v15, v15;
	v12 =	vld.idx.msk [tilespmem:v17+s2+$0x0], $0xffff  }
0x292: {  	v0 =	vadd.f32 v13, v0;
	v18 =	vmul.f32 v22, v21;
	v21 =	vmul.f32 v21, v21;
	v13 =	vld.idx.msk [tilespmem:v16+s1+$0x0], $0xffff  }
0x293: {  	v28 =	vadd.f32 v29, v28;
	v29 =	vor.u32 v54, v3;
	v24 =	vld.idx.msk [tilespmem:v42+s2+$0x0], $0xffff  }
0x294: {  	v30 =	vadd.f32 v47, v7;
	v20 =	vor.u32 v52, v2;
	v47 =	vadd.f32 v21, v49;
	v49 =	vld [tilespmem:$0x1FBD0]  }
0x295: {  	v52 =	vmul.f32 v40, v40;
	v22 =	vmul.f32 v22, v22;
	v25 =	vld.idx.msk [tilespmem:v44+s1+$0x0], $0xffff  }
0x296: {  	[tilespmem:$0x1F860] =	vst v60;
	v48 =	vmul.f32 v38, v38;
	v21 =	vmul.f32 v60, v60;
	v60 =	vld [tilespmem:$0x1FBF0]  }
0x297: {  	v45 =	vadd.f32 v18, v46;
	v46 =	vor.u32 v54, v2;
	v59 =	vadd.f32 v52, v27;
	v52 =	vld [tilespmem:$0x1FC10]  }
0x298: {  	v51 =	vmul.f32 v8, v8;
	v5 =	vld.idx.msk [tilespmem:v29+s2+$0x0], $0xffff  }
0x299: {  	v30 =	vadd.f32 v22, v30;
	v1 =	vadd.f32 v48, v1;
	v15 =	vld.idx.msk [tilespmem:v20+s1+$0x0], $0xffff;
	v27 =	vmul.f32 v10, v10  }
0x29a: {  	v56 =	vmul.f32 v9, v9;
	v0 =	vadd.f32 v51, v0;
	v22 =	vld.idx.msk [tilespmem:v23+s1+$0x0], $0xffff;
	v54 =	vor.u32 v53, v3  }
0x29b: {  	[tilespmem:$0x1F8B0] =	vst v40;
	v51 =	vmul.f32 v14, v14;
	v40 =	vadd.f32 v27, v47;
	v47 =	vld [tilespmem:$0x1FC00];
	v50 =	vor.u32 v49, v3  }
0x29c: {  	[tilespmem:$0x1F880] =	vst v62;
	v34 =	vadd.f32 v56, v28;
	v29 =	vor.u32 v49, v2;
	v23 =	vld.idx.msk [tilespmem:v46+s1+$0x0], $0xffff  }
0x29d: {  	[tilespmem:$0x1F870] =	vst v63;
	v58 =	vor.u32 v53, v2;
	v28 =	vmul.f32 v11, v11;
	v1 =	vadd.f32 v51, v1;
	v51 =	vld [tilespmem:$0x1FC20]  }
0x29e: {  	[tilespmem:$0x1F940] =	vst v43;
	v43 =	vmul.f32 v63, v63;
	v62 =	vor.u32 v60, v3;
	v63 =	vor.u32 v60, v2;
	v60 =	vld [tilespmem:$0x1FC30]  }
0x29f: {  	v42 =	vadd.f32 v28, v30;
	v28 =	vld.idx.msk [tilespmem:v54+s2+$0x0], $0xffff  }
0x2a0: {  	v56 =	vor.u32 v52, v2;
	v26 =	vld.idx.msk [tilespmem:v50+s2+$0x0], $0xffff  }
0x2a1: {  	v31 =	vadd.f32 v43, v31;
	v30 =	vmul.f32 v13, v13;
	v27 =	vld.idx.msk [tilespmem:v29+s1+$0x0], $0xffff  }
0x2a2: {  	v53 =	vor.u32 v52, v3;
	v29 =	vld.idx.msk [tilespmem:v58+s1+$0x0], $0xffff  }
0x2a3: {  	[tilespmem:$0x1F890] =	vst v38;
	v38 =	vadd.f32 v30, v31;
	v48 =	vor.u32 v47, v3;
	v30 =	vld.idx.msk [tilespmem:v62+s2+$0x0], $0xffff  }
0x2a4: {  	[tilespmem:$0x1F960] =	vst v45;
	v54 =	vmul.f32 v15, v15;
	v49 =	vor.u32 v47, v2;
	v31 =	vld.idx.msk [tilespmem:v63+s1+$0x0], $0xffff  }
0x2a5: {  	v45 =	vadd.f32 v21, v36;
	v46 =	vmul.f32 v12, v12;
	v58 =	vmul.f32 v22, v22;
	v35 =	vld.idx.msk [tilespmem:v56+s1+$0x0], $0xffff  }
0x2a6: {  	v50 =	vmul.f32 v6, v6;
	v52 =	vor.u32 v51, v3;
	v0 =	vadd.f32 v54, v0;
	v54 =	vld [tilespmem:$0x1FC40]  }
0x2a7: {  	v43 =	vadd.f32 v46, v45;
	v41 =	vor.u32 v51, v2;
	v47 =	vadd.f32 v58, v34;
	v34 =	vld.idx.msk [tilespmem:v53+s2+$0x0], $0xffff  }
0x2a8: {  	v37 =	vor.u32 v60, v3;
	v46 =	vadd.f32 v50, v59;
	v59 =	vmul.f32 v5, v5;
	v32 =	vld.idx.msk [tilespmem:v48+s2+$0x0], $0xffff  }
0x2a9: {  	v63 =	vor.u32 v60, v2;
	v33 =	vld.idx.msk [tilespmem:v49+s1+$0x0], $0xffff  }
0x2aa: {  	v62 =	vmul.f32 v23, v23;
	v40 =	vadd.f32 v59, v40;
	v59 =	vld [tilespmem:$0x1FC50]  }
0x2ab: {  	v53 =	vmul.f32 v24, v24;
	v36 =	vld.idx.msk [tilespmem:v52+s2+$0x0], $0xffff;
	v60 =	vmul.f32 v27, v27  }
0x2ac: {  	[tilespmem:$0x1F8F0] =	vst v39;
	v49 =	vadd.f32 v62, v42;
	v48 =	vor.u32 v55, v3;
	v39 =	vld.idx.msk [tilespmem:v41+s1+$0x0], $0xffff  }
0x2ad: {  	v51 =	vadd.f32 v53, v43;
	v42 =	vld.idx.msk [tilespmem:v37+s2+$0x0], $0xffff;
	v0 =	vadd.f32 v60, v0;
	v60 =	vmul.f32 v30, v30  }
0x2ae: {  	v62 =	vmul.f32 v28, v28;
	v45 =	vor.u32 v54, v3;
	v58 =	vmul.f32 v26, v26;
	v43 =	vld.idx.msk [tilespmem:v63+s1+$0x0], $0xffff  }
0x2af: {  	v50 =	vor.u32 v54, v2;
	v37 =	vor.u32 v59, v2;
	v40 =	vadd.f32 v60, v40;
	v60 =	vld [tilespmem:$0x1F980]  }
0x2b0: {  	v1 =	vadd.f32 v58, v1;
	v52 =	vmul.f32 v34, v34;
	v41 =	vor.u32 v59, v3;
	v59 =	vld [tilespmem:$0x1FED0]  }
0x2b1: {  	v56 =	vmul.f32 v25, v25;
	v46 =	vadd.f32 v62, v46;
	v62 =	vmul.f32 v31, v31;
	v54 =	vld.idx.msk [tilespmem:v48+s2+$0x0], $0xffff  }
0x2b2: {  	[tilespmem:$0x1F8A0] =	vst v8;
	v63 =	vmul.f32 v29, v29;
	v8 =	vadd.f32 v52, v1;
	v1 =	vld [tilespmem:$0x1F990]  }
0x2b3: {  	v38 =	vadd.f32 v56, v38;
	v49 =	vadd.f32 v62, v49;
	v62 =	vmul.f32 v33, v33;
	v44 =	vld.idx.msk [tilespmem:v45+s2+$0x0], $0xffff  }
0x2b4: {  	v47 =	vadd.f32 v63, v47;
	v63 =	vmul.f32 v32, v32;
	v53 =	vld.idx.msk [tilespmem:v37+s1+$0x0], $0xffff;
	v37 =	vor.u32 v60, v3  }
0x2b5: {  	v45 =	vld.idx.msk [tilespmem:v50+s1+$0x0], $0xffff;
	v48 =	vor.u32 v60, v2;
	v60 =	vadd.f32 v62, v38;
	v38 =	vmul.f32 v35, v35  }
0x2b6: {  	v51 =	vadd.f32 v63, v51;
	v63 =	vld [tilespmem:$0x1FF30];
	v55 =	vor.u32 v59, v2;
	v59 =	vor.u32 v61, v3  }
0x2b7: {  	v7 =	vadd.f32 v38, v0;
	v0 =	vld [tilespmem:$0x1F9A0]  }
0x2b8: {  	v50 =	vld.idx.msk [tilespmem:v41+s2+$0x0], $0xffff  }
0x2b9: {  	v41 =	vor.u32 v57, v2;
	v58 =	vld.idx.msk [tilespmem:v37+s2+$0x0], $0xffff  }
0x2ba: {  	v37 =	vld.idx.msk [tilespmem:v48+s1+$0x0], $0xffff  }
0x2bb: {  	v38 =	vld.idx.msk [tilespmem:v59+s2+$0x0], $0xffff  }
0x2bc: {  	[tilespmem:$0x1F950] =	vst v6;
	v61 =	vor.u32 v63, v2;
	v48 =	vor.u32 v0, v3;
	v59 =	vor.u32 v0, v2;
	v0 =	vld [tilespmem:$0x1F9B0]  }
0x2bd: {  	[tilespmem:$0x1F900] =	vst v12;
	v12 =	vld [tilespmem:$0x1FF70]  }
0x2be: {  	[tilespmem:$0x1F8D0] =	vst v10;
	v56 =	vor.u32 v57, v3;
	v4 =	vmul.f32 v39, v39;
	v57 =	vld.idx.msk [tilespmem:v41+s1+$0x0], $0xffff  }
0x2bf: {  	[tilespmem:$0x1F970] =	vst v5;
	v5 =	vmul.f32 v42, v42;
	v62 =	vor.u32 v1, v2;
	v41 =	vor.u32 v1, v3;
	v1 =	vld [tilespmem:$0x1F9C0]  }
0x2c0: {  	v52 =	vmul.f32 v36, v36;
	v63 =	vadd.f32 v4, v47;
	v55 =	vld.idx.msk [tilespmem:v55+s1+$0x0], $0xffff;
	v4 =	vmul.f32 v50, v50  }
0x2c1: {  	v6 =	vmul.f32 v43, v43;
	v10 =	vadd.f32 v5, v40;
	v40 =	vld.idx.msk [tilespmem:v61+s1+$0x0], $0xffff;
	v61 =	vor.u32 v0, v3  }
0x2c2: {  	v52 =	vadd.f32 v52, v46;
	v46 =	vmul.f32 v44, v44;
	v8 =	vadd.f32 v4, v8;
	v4 =	vld [tilespmem:$0x1FF60]  }
0x2c3: {  	v56 =	vld.idx.msk [tilespmem:v56+s2+$0x0], $0xffff;
	v47 =	vmul.f32 v45, v45  }
0x2c4: {  	v5 =	vadd.f32 v6, v49;
	v6 =	vadd.f32 v46, v51;
	v46 =	vld.idx.msk [tilespmem:v62+s1+$0x0], $0xffff;
	v62 =	vor.u32 v1, v3  }
0x2c5: {  	v60 =	vadd.f32 v47, v60;
	v49 =	vor.u32 v0, v2;
	v47 =	vld.idx.msk [tilespmem:v48+s2+$0x0], $0xffff;
	v0 =	vmul.f32 v53, v53  }
0x2c6: {  	v51 =	vmul.f32 v54, v54;
	v1 =	vor.u32 v1, v2;
	v21 =	vld.idx.msk [tilespmem:v61+s2+$0x0], $0xffff;
	v61 =	vmul.f32 v55, v55  }
0x2c7: {  	v48 =	vld.idx.msk [tilespmem:v59+s1+$0x0], $0xffff;
	v59 =	vor.u32 v4, v3;
	v7 =	vadd.f32 v0, v7;
	v0 =	vor.u32 v4, v2  }
0x2c8: {  	[tilespmem:$0x1F8E0] =	vst v11;
	v4 =	vor.u32 v12, v3;
	v11 =	vadd.f32 v61, v63;
	v61 =	vor.u32 v12, v2;
	v12 =	vld [tilespmem:$0x1F9D0]  }
0x2c9: {  	[tilespmem:$0x1F8C0] =	vst v9;
	v9 =	vadd.f32 v51, v52;
	v52 =	vld.idx.msk [tilespmem:v62+s2+$0x0], $0xffff  }
0x2ca: {  	v62 =	vmul.f32 v57, v57;
	v51 =	vld.idx.msk [tilespmem:v49+s1+$0x0], $0xffff;
	v49 =	vmul.f32 v56, v56  }
0x2cb: {  	v20 =	vld.idx.msk [tilespmem:v1+s1+$0x0], $0xffff;
	v1 =	vmul.f32 v58, v58  }
0x2cc: {  	v49 =	vadd.f32 v49, v10;
	v10 =	vadd.f32 v62, v5  }
0x2cd: {  	v63 =	vor.u32 v12, v3;
	v5 =	vor.u32 v12, v2;
	v12 =	vadd.f32 v1, v6;
	v6 =	vld [tilespmem:$0x1FBB0];
	_ =	sdelay $0x2  }
0x2ce: {  	v41 =	vld.idx.msk [tilespmem:v41+s2+$0x0], $0xffff  }
0x2cf: {  	v62 =	vld.idx.msk [tilespmem:v59+s2+$0x0], $0xffff;
	v1 =	vmul.f32 v38, v38  }
0x2d0: {  	v19 =	vld.idx.msk [tilespmem:v0+s1+$0x0], $0xffff;
	v0 =	vor.u32 v6, v3  }
0x2d1: {  	[tilespmem:$0x1F910] =	vst v13;
	v13 =	vadd.f32 v1, v8;
	v8 =	vld [tilespmem:$0x1FF80]  }
0x2d2: {  	v16 =	vld.idx.msk [tilespmem:v5+s1+$0x0], $0xffff  }
0x2d3: {  	v59 =	vmul.f32 v37, v37;
	v5 =	vld [tilespmem:$0x1FF90]  }
0x2d4: {  	v18 =	vld.idx.msk [tilespmem:v4+s2+$0x0], $0xffff  }
0x2d5: {  	[tilespmem:$0x1F930] =	vst v15;
	v59 =	vadd.f32 v59, v60;
	v60 =	vmul.f32 v40, v40;
	v15 =	vld.idx.msk [tilespmem:v0+s2+$0x0], $0xffff  }
0x2d6: {  	v1 =	vmul.f32 v41, v41;
	v4 =	vor.u32 v6, v2;
	v0 =	vld [tilespmem:$0x1FFA0]  }
0x2d7: {  	v60 =	vadd.f32 v60, v7;
	v17 =	vld.idx.msk [tilespmem:v63+s2+$0x0], $0xffff;
	v63 =	vmul.f32 v46, v46;
	v6 =	vor.u32 v8, v3  }
0x2d8: {  	v7 =	vor.u32 v8, v2;
	v8 =	vadd.f32 v1, v9;
	v1 =	vor.u32 v5, v3  }
0x2d9: {  	[tilespmem:$0x1F920] =	vst v14;
	v9 =	vmul.f32 v47, v47  }
0x2da: {  	v61 =	vld.idx.msk [tilespmem:v61+s1+$0x0], $0xffff;
	v11 =	vadd.f32 v63, v11;
	v63 =	vmul.f32 v48, v48;
	v5 =	vor.u32 v5, v2  }
0x2db: {  	v9 =	vadd.f32 v9, v49;
	v49 =	vmul.f32 v21, v21;
	v14 =	vld.idx.msk [tilespmem:v4+s1+$0x0], $0xffff;
	v3 =	vor.u32 v0, v3  }
0x2dc: {  	v10 =	vadd.f32 v63, v10;
	v63 =	vmul.f32 v51, v51;
	v6 =	vld.idx.msk [tilespmem:v6+s2+$0x0], $0xffff;
	v2 =	vor.u32 v0, v2  }
0x2dd: {  	v12 =	vadd.f32 v49, v12;
	v49 =	vmul.f32 v52, v52;
	v4 =	vld.idx.msk [tilespmem:v1+s2+$0x0], $0xffff;
	v1 =	vmul.f32 v19, v19  }
0x2de: {  	v59 =	vadd.f32 v63, v59;
	v63 =	vmul.f32 v62, v62;
	v7 =	vld.idx.msk [tilespmem:v7+s1+$0x0], $0xffff;
	v0 =	vmul.f32 v20, v20  }
0x2df: {  	v13 =	vadd.f32 v49, v13;
	v5 =	vld.idx.msk [tilespmem:v5+s1+$0x0], $0xffff;
	v1 =	vadd.f32 v1, v11;
	v11 =	vmul.f32 v61, v61  }
0x2e0: {  	v8 =	vadd.f32 v63, v8;
	v0 =	vadd.f32 v0, v60;
	v60 =	vmul.f32 v18, v18;
	v3 =	vld.idx.msk [tilespmem:v3+s2+$0x0], $0xffff  }
0x2e1: {  	v49 =	vmul.f32 v17, v17;
	v10 =	vadd.f32 v11, v10;
	v11 =	vmul.f32 v15, v15;
	v2 =	vld.idx.msk [tilespmem:v2+s1+$0x0], $0xffff  }
0x2e2: {  	v63 =	vmul.f32 v14, v14;
	v9 =	vadd.f32 v60, v9;
	v60 =	vmul.f32 v16, v16  }
0x2e3: {  	v12 =	vadd.f32 v49, v12;
	v11 =	vadd.f32 v11, v13;
	v13 =	vmul.f32 v7, v7  }
0x2e4: {  	v0 =	vadd.f32 v63, v0;
	v49 =	vadd.f32 v60, v59;
	v60 =	vmul.f32 v6, v6  }
0x2e5: {  	v59 =	vmul.f32 v4, v4;
	v1 =	vadd.f32 v13, v1;
	v13 =	vmul.f32 v5, v5  }
0x2e6: {  	v8 =	vadd.f32 v60, v8;
	v60 =	vmul.f32 v3, v3;
	v63 =	vmul.f32 v2, v2  }
0x2e7: {  	v9 =	vadd.f32 v59, v9;
	v10 =	vadd.f32 v13, v10  }
0x2e8: {  	v12 =	vadd.f32 v60, v12;
	v13 =	vadd.f32 v63, v49  }
0x2e9: {  	v8 =	vadd.f32 v8, v11;
	v0 =	vadd.f32 v1, v0;
	v11 =	vld [tilespmem:$0x1F890]  }
0x2ea: {  	v9 =	vadd.f32 v12, v9;
	v1 =	vadd.f32 v13, v10;
	v12 =	vld [tilespmem:$0x1F8A0]  }
0x2eb: {  	v63 =	vld [tilespmem:$0x1F860]  }
0x2ec: {  	v0 =	vadd.f32 v1, v0;
	v1 =	vld [tilespmem:$0x1F8F0]  }
0x2ed: {  	v60 =	vld [tilespmem:$0x1F870]  }
0x2ee: {  	v13 =	vld [tilespmem:$0x1F8C0]  }
0x2ef: {  	v8 =	vadd.f32 v9, v8;
	v9 =	vld [tilespmem:$0x1F900];
	v11 =	vmul.f32 v12, v11  }
0x2f0: {  	v12 =	vld [tilespmem:$0x1F8B0]  }
0x2f1: {  	v1 =	vadd.f32 v11, v1;
	v11 =	vld [tilespmem:$0x1F910];
	_ =	sdelay $0x1  }
0x2f2: {  	v59 =	vld [tilespmem:$0x1F930]  }
0x2f3: {  	v49 =	vmul.f32 v60, v63;
	v63 =	vld [tilespmem:$0x1F8E0]  }
0x2f4: {  	v12 =	vmul.f32 v13, v12;
	v13 =	vld [tilespmem:$0x1F8D0]  }
0x2f5: {  	v9 =	vmul.f32 v11, v9;
	v11 =	vld [tilespmem:$0x1F920];
	_ =	sdelay $0x2  }
0x2f6: {  	v10 =	vld [tilespmem:$0x1F880]  }
0x2f7: {  	v60 =	vld [tilespmem:$0x1F940]  }
0x2f8: {  	v13 =	vmul.f32 v63, v13;
	v63 =	vld [tilespmem:$0x1F950];
	v11 =	vmul.f32 v59, v11  }
0x2f9: {  	v0 =	vmul.f32 v0, v8;
	v8 =	vld [tilespmem:$0x1F960]  }
0x2fa: {  	v1 =	vadd.f32 v11, v1;
	v11 =	vld [tilespmem:$0x1F970]  }
0x2fb: {  	v21 =	vmul.f32 v51, v21;
	v14 =	vmul.f32 v14, v15  }
0x2fc: {  	v51 =	vld [tilespmem:$0x1FE50];
	v16 =	vmul.f32 v16, v17;
	v10 =	vadd.f32 v49, v10;
	v0 =	vmax.f32 v0, $1.000000000e-30  }
0x2fd: {  	v17 =	vld [tilespmem:$0x1FCB0];
	v12 =	vadd.f32 v12, v60;
	v60 =	vmul.f32 v39, v36;
	v22 =	vmul.f32 v22, v63  }
0x2fe: {  	v15 =	vld [tilespmem:$0x1FC90];
	v9 =	vadd.f32 v9, v10;
	v8 =	vadd.f32 v13, v8;
	v13 =	vmul.f32 $5.000000000e-01, v0  }
0x2ff: {  	v49 =	vld [tilespmem:$0x1FCE0];
	v10 =	vadd.f32 v22, v12;
	v12 =	vshra.s32 v0, $0x1;
	v11 =	vmul.f32 v23, v11  }
0x300: {  	v39 =	vld [tilespmem:$0x1FDA0];
	v22 =	vmul.f32 v25, v24;
	v12 =	vsub.s32 $0x5F3759DF, v12;
	v23 =	vmul.f32 v27, v26  }
0x301: {  	v36 =	vld [tilespmem:$0x1FD70];
	v59 =	vmul.f32 v12, v13;
	v8 =	vadd.f32 v11, v8;
	v11 =	vmul.f32 v29, v28  }
0x302: {  	v63 =	vld [tilespmem:$0x1FCF0];
	v9 =	vadd.f32 v22, v9;
	v22 =	vmul.f32 v31, v30;
	v1 =	vadd.f32 v23, v1  }
0x303: {  	v31 =	vld [tilespmem:$0x1FD20];
	v23 =	vmul.f32 v12, v59;
	v10 =	vadd.f32 v11, v10;
	v11 =	vmul.f32 v33, v32  }
0x304: {  	v30 =	vld [tilespmem:$0x1FD10];
	v8 =	vadd.f32 v22, v8;
	v22 =	vmul.f32 v35, v34  }
0x305: {  	v29 =	vld [tilespmem:$0x1FD00];
	v23 =	vsub.f32 $1.500000000e+00, v23;
	v9 =	vadd.f32 v11, v9;
	v11 =	vmul.f32 v43, v42  }
0x306: {  	v33 =	vld [tilespmem:$0x1FD40];
	v1 =	vadd.f32 v22, v1;
	v10 =	vadd.f32 v60, v10;
	v22 =	vmul.f32 v45, v44  }
0x307: {  	v32 =	vld [tilespmem:$0x1FD30];
	v12 =	vmul.f32 v12, v23;
	v8 =	vadd.f32 v11, v8;
	v11 =	vmul.f32 v53, v50  }
0x308: {  	v35 =	vld [tilespmem:$0x1FD60];
	v23 =	vmul.f32 v57, v56;
	v9 =	vadd.f32 v22, v9;
	v22 =	vmul.f32 v55, v54  }
0x309: {  	v34 =	vld [tilespmem:$0x1FD50];
	v59 =	vmul.f32 v12, v13;
	v1 =	vadd.f32 v11, v1;
	v11 =	vmul.f32 v37, v58  }
0x30a: {  	v43 =	vld [tilespmem:$0x1FDE0];
	v10 =	vadd.f32 v22, v10;
	v8 =	vadd.f32 v23, v8;
	v22 =	vmul.f32 v40, v38  }
0x30b: {  	v42 =	vld [tilespmem:$0x1FDD0];
	v23 =	vmul.f32 v59, v12;
	v9 =	vadd.f32 v11, v9;
	v11 =	vmul.f32 v46, v41  }
0x30c: {  	v45 =	vld [tilespmem:$0x1FE00];
	v1 =	vadd.f32 v22, v1;
	v22 =	vmul.f32 v48, v47  }
0x30d: {  	v44 =	vld [tilespmem:$0x1FDF0];
	v10 =	vadd.f32 v11, v10;
	v11 =	vmul.f32 v20, v52;
	v20 =	vsub.f32 $1.500000000e+00, v23  }
0x30e: {  	v19 =	vmul.f32 v19, v62;
	v57 =	vld [tilespmem:$0x1FEE0]  }
0x30f: {  	v6 =	vmul.f32 v7, v6;
	v53 =	vld [tilespmem:$0x1FEB0];
	v8 =	vadd.f32 v22, v8;
	v12 =	vmul.f32 v20, v12  }
0x310: {  	v50 =	vld [tilespmem:$0x1FE40];
	v9 =	vadd.f32 v21, v9;
	v1 =	vadd.f32 v11, v1;
	v11 =	vmul.f32 v61, v18  }
0x311: {  	v4 =	vmul.f32 v5, v4;
	v55 =	vld [tilespmem:$0x1FED0];
	v10 =	vadd.f32 v19, v10;
	v60 =	vmul.f32 v12, v13  }
0x312: {  	v2 =	vmul.f32 v2, v3;
	v54 =	vld [tilespmem:$0x1FEC0];
	v9 =	vadd.f32 v16, v9;
	v8 =	vadd.f32 v11, v8  }
0x313: {  	v37 =	vld [tilespmem:$0x1FD80];
	v1 =	vadd.f32 v14, v1;
	v3 =	vadd.f32 v6, v10;
	v62 =	vmul.f32 v60, v12  }
0x314: {  	v40 =	vld [tilespmem:$0x1FDB0];
	v2 =	vadd.f32 v2, v9;
	v4 =	vadd.f32 v4, v8  }
0x315: {  	v38 =	vld [tilespmem:$0x1FD90];
	v5 =	vsub.f32 $1.500000000e+00, v62  }
0x316: {  	v46 =	vld [tilespmem:$0x1FE10];
	v1 =	vadd.f32 v3, v1;
	v2 =	vadd.f32 v2, v4  }
0x317: {  	v41 =	vld [tilespmem:$0x1FDC0];
	v3 =	vmul.f32 v5, v12  }
0x318: {  	vm1 =	vge.f32 v0, $1.000000050e-18;
	v48 =	vld [tilespmem:$0x1FE30];
	v1 =	vadd.f32 v2, v1  }
0x319: {  	v47 =	vld [tilespmem:$0x1FE20];
	v0 =	vnsel vm1, $0x4E6E6B28, v3  }
0x31a: {  	v52 =	vld [tilespmem:$0x1FE80];
	v0 =	vmul.f32 v0, v1  }
0x31b: {  	v1 =	vld [tilespmem:$0x1FB60]  }
0x31c: {  	v61 =	vld [tilespmem:$0x1FF30];
	v0 =	vsub.f32 $1.000000000e+00, v0  }
0x31d: {  	v18 =	vld [tilespmem:$0x1FCC0]  }
0x31e: {  	p0 =	sne.s32 s15, $0x1F0;
	v20 =	vld [tilespmem:$0x1FCD0];
	v0 =	vmul.f32 v0, v0  }
.Ltmp8:
0x31f: {  	v16 =	vld [tilespmem:$0x1FCA0];
	(pc) =	sbr.rel @p0 .LBB2_16-.Ltmp8, $4  }
0x320: {  	v13 =	vld [tilespmem:$0x1FC70];
	v1 =	vadd.f32 v0, v1  }
0x321: {  	v14 =	vld [tilespmem:$0x1FC80]  }
0x322: {  	v12 =	vld [tilespmem:$0x1FC60];
	[tilespmem:$0x1FB60] =	vst v1  }
0x323: {  	s15 =	sadd.s32 $0x10, s15;
	v11 =	vlaneseq.u32;
	v0 =	vld [tilespmem:$0x1FB60]  }
0x324: {  	_ =	sdelay $0x3  }
0x325: {  	v0 =	vmul.f32 $6.103515630e-05, v0;
	_ =	sdelay $0x1  }
0x326: {  	s0 =	rddreg [dreg:$0x3];
	s6 =	simm.s32 $0x18000;
	[tilespmem:$0x18000] =	vst v0  }
0x327: {  	[hbm4b:s0+s1] =	stream.linear.scatter [tilespmem:s6], [sflag:$0x3], $0x80, $0x38;
	[tilespmem:$0x18080] =	vst v63  }
0x328: {  	_ =	swait.ge [sflag:s5], $0x80  }
0x329: {  	s30 =	rddreg [dreg:$0x5]  }
0x32a: {  	s31 =	rddreg [dreg:$0x4];
	s6 =	sadd.s32 $0x1, s30  }
0x32b: {  	p0 =	sne.s32 s6, s31  }
.Ltmp9:
0x32c: {  	_ = 	snop;
	(pc) =	sbr.rel @p0 .LBB2_1-.Ltmp9, $3  }
0x32d: {  	_ =	sdelay $0x1  }
0x32e: {  	[sflag:s5] =	ssyncset.done $0x0;
	v58 =	vld [tilespmem:$0x1FF10]  }
0x32f: {  	v59 =	vld [tilespmem:$0x1FF20];
	[sflag:s5] =	ssyncadd.s32 $0xFFFFFF80  }
0x330: {  	_ =	sfence.sel $0x180000  }
0x331: {  	[bflag:$0x0] =	sbarrier.arrive $0xFFFF  }
0x332: {  	_ =	strace $0x90000047  }
0x333: {  	s0 =	stileid.u32;
	[bflag:$0x2] =	sbarrier.arrive $0xFFFF  }
0x334: {  	p0 =	sne.s32 s0, $0x0;
	s0 =	rddreg [dreg:$0x1]  }
0x335: {  	s0 =	sadd.s32 @!p0 $0x100000, s0  }
0x336: {  	[sflag:s0] =	ssyncadd.tile.s32 @!p0 $0x1;
	_ =	shalt  }
.Lfunc_end2:
_tile_overlayer_lowered:
.L_overlay_start_2:
0x337: {  	(tag) =	ssettag $0x2  }
0x338: {  	s0 =	rddreg [dreg:$0x0];
	s2 =	stileid.u32  }
0x339: {  	s1 =	rddreg [dreg:$0x1];
	p0 =	sne.s32 s2, $0x0  }
0x33a: {  	s3 =	rddreg [dreg:$0x2];
	[bflag:$0x3] =	sbarrier.arrive $0xFFFF;
	s2 =	simm.s32 @!p0 $0x1C03  }
0x33b: {  	[timem:s3], [sflag:s2] =	dma.local @!p0 [hbm:s0], s1  }
0x33c: {  	s0 =	simm.s32 @!p0 $0x3  }
0x33d: {  	_ =	swait.ge @!p0 [sflag:s0], s1  }
0x33e: {  	s1 =	ssub.s32 @!p0 $0x0, s1;
	[sflag:s0] =	ssyncset.done @!p0 $0x0  }
0x33f: {  	[sflag:s0] =	ssyncadd.s32 @!p0 s1  }
0x340: {  	[bflag:$0x3] =	sbarrier.arrive $0xFFFF  }
0x341: {  	_ =	shalt  }

</sc_bundles>
